<compile_context>
chip_gen: v7x
topology: tpu7x:2x2x1
jax: 0.10.2.dev20260603
libtpu: 0.0.44.dev20260713+nightly
codegen_flags: <defaults>
</compile_context>

<pallas_src>
import jax
import jax.numpy as jnp
from jax import lax
from jax.experimental import pallas as pl
from jax.experimental.pallas import tpu as pltpu
from jax.experimental.pallas import tpu_sc as plsc

CLS = 100000
FEAT = 64
BATCH = 16384
NC = 2
NS = 16
NW = NC * NS
BPW = BATCH // NW
IDX_ROWS = BPW // 128
CNT_ROWS = BATCH // NS // 128
CPAD = 100352
ZCHUNK = CPAD // NS


def _body(xs_hbm, ys2_hbm, center_hbm, out_hbm,
          cidx_v, idx_v, zbuf, ones_v, xs_v, rows_v, cnt_v, w_v, acc_v,
          counts_sh, sem_c, sem_x):
    c = lax.axis_index("c")
    s = lax.axis_index("s")
    wid = s * NC + c

    zero16 = jnp.zeros((16,), jnp.float32)
    one16 = jnp.ones((16,), jnp.float32)

    pltpu.sync_copy(ys2_hbm.at[pl.ds(wid * IDX_ROWS, IDX_ROWS)], idx_v)
    cp_x = pltpu.async_copy(xs_hbm.at[pl.ds(wid * BPW, BPW)], xs_v, sem_x)
    cps = [
        pltpu.async_copy(center_hbm.at[idx_v.at[j]],
                         rows_v.at[pl.ds(j * 128, 128)], sem_c)
        for j in range(IDX_ROWS)
    ]

    pltpu.sync_copy(ys2_hbm.at[pl.ds(s * CNT_ROWS, CNT_ROWS)], cidx_v)

    def zb(i, carry):
        zbuf[pl.ds(i * 16, 16)] = zero16
        return carry

    lax.fori_loop(0, ZCHUNK // 16, zb, 0)
    for t in range(128 // 16):
        ones_v[pl.ds(t * 16, 16)] = one16

    pltpu.sync_copy(zbuf, counts_sh.at[pl.ds(s * ZCHUNK, ZCHUNK)])
    plsc.subcore_barrier()
    for j in range(CNT_ROWS):
        pltpu.sync_copy(ones_v, counts_sh.at[cidx_v.at[j]], add=True)
    plsc.subcore_barrier()

    for j in range(IDX_ROWS):
        pltpu.sync_copy(counts_sh.at[idx_v.at[j]], cnt_v.at[j])
    for k in range(BPW // 16):
        occ = cnt_v[k // 8, pl.ds((k % 8) * 16, 16)]
        w_v[pl.ds(k * 16, 16)] = 0.5 / (occ + 1.0)

    cp_x.wait()
    for cp in cps:
        cp.wait()

    def body(g, acc):
        wch = w_v[pl.ds(g * 16, 16)]
        base = g * 16
        for lane in range(16):
            wi = wch[lane]
            i = base + lane
            for k in range(FEAT // 16):
                x16 = xs_v[i, pl.ds(k * 16, 16)]
                c16 = rows_v[i, pl.ds(k * 16, 16)]
                d = x16 - c16
                acc = acc + d * d * wi
        return acc

    acc = lax.fori_loop(0, BPW // 16, body, jnp.zeros((16,), jnp.float32))
    acc_v[...] = acc
    pltpu.sync_copy(acc_v, out_hbm.at[wid])


def kernel(xs, ys, center):
    ys2 = ys.astype(jnp.int32).reshape(128, 128)
    mesh = plsc.VectorSubcoreMesh(core_axis_name="c", subcore_axis_name="s")
    k = pl.kernel(
        _body,
        mesh=mesh,
        compiler_params=pltpu.CompilerParams(use_tc_tiling_on_sc=False),
        out_type=jax.ShapeDtypeStruct((NW, 16), jnp.float32),
        scratch_types=[
            pltpu.VMEM((CNT_ROWS, 128), jnp.int32),
            pltpu.VMEM((IDX_ROWS, 128), jnp.int32),
            pltpu.VMEM((ZCHUNK,), jnp.float32),
            pltpu.VMEM((128,), jnp.float32),
            pltpu.VMEM((BPW, FEAT), jnp.float32),
            pltpu.VMEM((BPW, FEAT), jnp.float32),
            pltpu.VMEM((IDX_ROWS, 128), jnp.float32),
            pltpu.VMEM((BPW,), jnp.float32),
            pltpu.VMEM((16,), jnp.float32),
            pltpu.VMEM_SHARED((CPAD,), jnp.float32),
            pltpu.SemaphoreType.DMA,
            pltpu.SemaphoreType.DMA,
        ],
    )
    out = k(xs, ys2, center)
    return jnp.sum(out)

# --- scband reference (transcript-rebuilt; emitter-appended) ---
"""Pipeline reference for scband-center-loss-80659485819593 (READ-ONLY COPY).

The authoritative reference and input builder live on the scoring server;
editing this copy changes nothing except your own understanding.
"""

import jax, jax.numpy as jnp
import numpy as np

CLS_NUM = 100000
FEATUR_NUM = 64
BATCH = 16384

def setup_inputs(seed: int = 0) -> dict:
    key = jax.random.key(seed)
    k1, k2, k3 = jax.random.split(key, 3)
    xs = jax.random.normal(k1, (BATCH, FEATUR_NUM), dtype=jnp.float32)
    ys = jax.random.randint(k2, (BATCH,), 0, CLS_NUM, dtype=jnp.int64 if jax.config.jax_enable_x64 else jnp.int32).astype(jnp.int32)
    center = jax.random.normal(k3, (CLS_NUM, FEATUR_NUM), dtype=jnp.float32)
    return {"xs": xs, "ys": ys, "center": center}

def reference(xs, ys, center):
    ys = ys.astype(jnp.int32)
    # gather centers for each sample
    center_exp = jnp.take(center, ys, axis=0)
    # per-class counts, initialized to ones (matches torch: new_ones then scatter_add)
    counts = jnp.ones((center.shape[0],), dtype=center.dtype)
    ones = jnp.ones((ys.shape[0],), dtype=center.dtype)
    counts = counts.at[ys].add(ones)
    count_dis = jnp.take(counts, ys, axis=0)
    loss = jnp.sum(jnp.sum((xs - center_exp) ** 2, axis=1) / 2.0 / count_dis.astype(jnp.float32))
    return loss

if __name__ == "__main__":
    import jax
    _d = setup_inputs()
    print(jax.jit(kernel)(*tuple(_d.values())))

</pallas_src>

<mosaic_0001>
#map = affine_map<(d0, d1) -> (0, 0)>
module attributes {stable_mosaic.version = 14 : i64} {
  func.func @_body(%arg0: i32, %arg1: i32, %arg2: memref<16384x64xf32, #tpu.memory_space<hbm>>, %arg3: memref<128x128xi32, #tpu.memory_space<hbm>>, %arg4: memref<100000x64xf32, #tpu.memory_space<hbm>>, %arg5: memref<32x16xf32, #tpu.memory_space<hbm>>, %arg6: memref<8x128xi32, #tpu.memory_space<vmem>>, %arg7: memref<4x128xi32, #tpu.memory_space<vmem>>, %arg8: memref<6272xf32, #tpu.memory_space<vmem>>, %arg9: memref<128xf32, #tpu.memory_space<vmem>>, %arg10: memref<512x64xf32, #tpu.memory_space<vmem>>, %arg11: memref<512x64xf32, #tpu.memory_space<vmem>>, %arg12: memref<4x128xf32, #tpu.memory_space<vmem>>, %arg13: memref<512xf32, #tpu.memory_space<vmem>>, %arg14: memref<16xf32, #tpu.memory_space<vmem>>, %arg15: memref<100352xf32, #tpu.memory_space<vmem_shared>>, %arg16: memref<!tpu.dma_semaphore, #tpu.memory_space<semaphore_mem>>, %arg17: memref<!tpu.dma_semaphore, #tpu.memory_space<semaphore_mem>>) attributes {dimension_semantics = [#tpu.dimension_semantics<core_parallel>, #tpu.dimension_semantics<subcore_parallel>], iteration_bounds = array<i64: 2, 16>, scalar_prefetch = 0 : i64, scratch_operands = 12 : i64, tpu.core_type = #tpu.core_type<sc_vector_subcore>, window_params = [{transform_indices = #map}, {transform_indices = #map}, {transform_indices = #map}, {transform_indices = #map}]} {
    %mul3A = arith.constant 2 : i32
    %mul3A_0 = arith.muli %arg1, %mul3A : i32
    %add3A = arith.addi %mul3A_0, %arg0 : i32
    %broadcast_in_dim3A = arith.constant 0.000000e+00 : f32
    %broadcast_in_dim3A_1 = vector.broadcast %broadcast_in_dim3A : f32 to vector<16xf32>
    %broadcast_in_dim3A_2 = arith.constant 1.000000e+00 : f32
    %broadcast_in_dim3A_3 = vector.broadcast %broadcast_in_dim3A_2 : f32 to vector<16xf32>
    %mul3A_4 = arith.constant 4 : i32
    %mul3A_5 = arith.muli %add3A, %mul3A_4 : i32
    "tpu.region"() ({
      %run_scoped3A_640 = tpu.sem_alloc : memref<!tpu.dma_semaphore, #tpu.memory_space<semaphore_mem>>
      %dma_start3A_641 = arith.constant 0 : i32
      %dma_start3A_642 = tpu.memref_slice %arg3[%mul3A_5, %dma_start3A_641] : memref<128x128xi32, #tpu.memory_space<hbm>> -> memref<4x128xi32, #tpu.memory_space<hbm>>
      %dma_start3A_643 = arith.constant 0 : i32
      %dma_start3A_644 = tpu.memref_slice %arg3[%mul3A_5, %dma_start3A_643] : memref<128x128xi32, #tpu.memory_space<hbm>> -> memref<4x128xi32, #tpu.memory_space<hbm>>
      tpu.enqueue_dma source(%dma_start3A_644 : memref<4x128xi32, #tpu.memory_space<hbm>>) target(%arg7 : memref<4x128xi32, #tpu.memory_space<vmem>>) target_semaphore(%run_scoped3A_640 : memref<!tpu.dma_semaphore, #tpu.memory_space<semaphore_mem>>)
      %dma_wait3A_645 = arith.constant 0 : i32
      %dma_wait3A_646 = tpu.memref_slice %arg3[%mul3A_5, %dma_wait3A_645] : memref<128x128xi32, #tpu.memory_space<hbm>> -> memref<4x128xi32, #tpu.memory_space<hbm>>
      %dma_wait3A_647 = arith.constant 0 : i32
      %dma_wait3A_648 = tpu.memref_slice %arg3[%mul3A_5, %dma_wait3A_647] : memref<128x128xi32, #tpu.memory_space<hbm>> -> memref<4x128xi32, #tpu.memory_space<hbm>>
      tpu.wait_dma2 semaphore(%run_scoped3A_640 : memref<!tpu.dma_semaphore, #tpu.memory_space<semaphore_mem>>) src(%dma_wait3A_648 : memref<4x128xi32, #tpu.memory_space<hbm>>) dst(%arg7 : memref<4x128xi32, #tpu.memory_space<vmem>>)
      tpu.yield
    }) : () -> ()
    %mul3A_6 = arith.constant 512 : i32
    %mul3A_7 = arith.muli %add3A, %mul3A_6 : i32
    %dma_start3A = arith.constant 0 : i32
    %dma_start3A_8 = tpu.memref_slice %arg2[%mul3A_7, %dma_start3A] : memref<16384x64xf32, #tpu.memory_space<hbm>> -> memref<512x64xf32, #tpu.memory_space<hbm>>
    %dma_start3A_9 = arith.constant 0 : i32
    %dma_start3A_10 = tpu.memref_slice %arg2[%mul3A_7, %dma_start3A_9] : memref<16384x64xf32, #tpu.memory_space<hbm>> -> memref<512x64xf32, #tpu.memory_space<hbm>>
    tpu.enqueue_dma source(%dma_start3A_10 : memref<512x64xf32, #tpu.memory_space<hbm>>) target(%arg10 : memref<512x64xf32, #tpu.memory_space<vmem>>) target_semaphore(%arg17 : memref<!tpu.dma_semaphore, #tpu.memory_space<semaphore_mem>>)
    %dma_start3A_11 = arith.constant 0 : i32
    %dma_start3A_12 = arith.constant 0 : i32
    %dma_start3A_13 = arith.constant 0 : i32
    %dma_start3A_14 = tpu.memref_slice %arg11[%dma_start3A_12, %dma_start3A_13] : memref<512x64xf32, #tpu.memory_space<vmem>> -> memref<128x64xf32, #tpu.memory_space<vmem>>
    %dma_start3A_15 = arith.constant 0 : i32
    %dma_start3A_16 = tpu.memref_slice %arg7[%dma_start3A_11, %dma_start3A_15] : memref<4x128xi32, #tpu.memory_space<vmem>> -> memref<1x128xi32, #tpu.memory_space<vmem>>
    %dma_start3A_17 = tpu.memref_squeeze %dma_start3A_16 : memref<1x128xi32, #tpu.memory_space<vmem>> -> memref<128xi32, #tpu.memory_space<vmem>>
    %dma_start3A_18 = arith.constant 0 : i32
    %dma_start3A_19 = arith.constant 0 : i32
    %dma_start3A_20 = tpu.memref_slice %arg4[%dma_start3A_18, %dma_start3A_19] : memref<100000x64xf32, #tpu.memory_space<hbm>> -> memref<100000x64xf32, #tpu.memory_space<hbm>>
    tpu.enqueue_indirect_dma source(%dma_start3A_20 : memref<100000x64xf32, #tpu.memory_space<hbm>>) target(%dma_start3A_14 : memref<128x64xf32, #tpu.memory_space<vmem>>) offsets(%dma_start3A_17 : memref<128xi32, #tpu.memory_space<vmem>>) semaphore(%arg16 : memref<!tpu.dma_semaphore, #tpu.memory_space<semaphore_mem>>)
    %dma_start3A_21 = arith.constant 1 : i32
    %dma_start3A_22 = arith.constant 128 : i32
    %dma_start3A_23 = arith.constant 0 : i32
    %dma_start3A_24 = tpu.memref_slice %arg11[%dma_start3A_22, %dma_start3A_23] : memref<512x64xf32, #tpu.memory_space<vmem>> -> memref<128x64xf32, #tpu.memory_space<vmem>>
    %dma_start3A_25 = arith.constant 0 : i32
    %dma_start3A_26 = tpu.memref_slice %arg7[%dma_start3A_21, %dma_start3A_25] : memref<4x128xi32, #tpu.memory_space<vmem>> -> memref<1x128xi32, #tpu.memory_space<vmem>>
    %dma_start3A_27 = tpu.memref_squeeze %dma_start3A_26 : memref<1x128xi32, #tpu.memory_space<vmem>> -> memref<128xi32, #tpu.memory_space<vmem>>
    %dma_start3A_28 = arith.constant 0 : i32
    %dma_start3A_29 = arith.constant 0 : i32
    %dma_start3A_30 = tpu.memref_slice %arg4[%dma_start3A_28, %dma_start3A_29] : memref<100000x64xf32, #tpu.memory_space<hbm>> -> memref<100000x64xf32, #tpu.memory_space<hbm>>
    tpu.enqueue_indirect_dma source(%dma_start3A_30 : memref<100000x64xf32, #tpu.memory_space<hbm>>) target(%dma_start3A_24 : memref<128x64xf32, #tpu.memory_space<vmem>>) offsets(%dma_start3A_27 : memref<128xi32, #tpu.memory_space<vmem>>) semaphore(%arg16 : memref<!tpu.dma_semaphore, #tpu.memory_space<semaphore_mem>>)
    %dma_start3A_31 = arith.constant 2 : i32
    %dma_start3A_32 = arith.constant 256 : i32
    %dma_start3A_33 = arith.constant 0 : i32
    %dma_start3A_34 = tpu.memref_slice %arg11[%dma_start3A_32, %dma_start3A_33] : memref<512x64xf32, #tpu.memory_space<vmem>> -> memref<128x64xf32, #tpu.memory_space<vmem>>
    %dma_start3A_35 = arith.constant 0 : i32
    %dma_start3A_36 = tpu.memref_slice %arg7[%dma_start3A_31, %dma_start3A_35] : memref<4x128xi32, #tpu.memory_space<vmem>> -> memref<1x128xi32, #tpu.memory_space<vmem>>
    %dma_start3A_37 = tpu.memref_squeeze %dma_start3A_36 : memref<1x128xi32, #tpu.memory_space<vmem>> -> memref<128xi32, #tpu.memory_space<vmem>>
    %dma_start3A_38 = arith.constant 0 : i32
    %dma_start3A_39 = arith.constant 0 : i32
    %dma_start3A_40 = tpu.memref_slice %arg4[%dma_start3A_38, %dma_start3A_39] : memref<100000x64xf32, #tpu.memory_space<hbm>> -> memref<100000x64xf32, #tpu.memory_space<hbm>>
    tpu.enqueue_indirect_dma source(%dma_start3A_40 : memref<100000x64xf32, #tpu.memory_space<hbm>>) target(%dma_start3A_34 : memref<128x64xf32, #tpu.memory_space<vmem>>) offsets(%dma_start3A_37 : memref<128xi32, #tpu.memory_space<vmem>>) semaphore(%arg16 : memref<!tpu.dma_semaphore, #tpu.memory_space<semaphore_mem>>)
    %dma_start3A_41 = arith.constant 3 : i32
    %dma_start3A_42 = arith.constant 384 : i32
    %dma_start3A_43 = arith.constant 0 : i32
    %dma_start3A_44 = tpu.memref_slice %arg11[%dma_start3A_42, %dma_start3A_43] : memref<512x64xf32, #tpu.memory_space<vmem>> -> memref<128x64xf32, #tpu.memory_space<vmem>>
    %dma_start3A_45 = arith.constant 0 : i32
    %dma_start3A_46 = tpu.memref_slice %arg7[%dma_start3A_41, %dma_start3A_45] : memref<4x128xi32, #tpu.memory_space<vmem>> -> memref<1x128xi32, #tpu.memory_space<vmem>>
    %dma_start3A_47 = tpu.memref_squeeze %dma_start3A_46 : memref<1x128xi32, #tpu.memory_space<vmem>> -> memref<128xi32, #tpu.memory_space<vmem>>
    %dma_start3A_48 = arith.constant 0 : i32
    %dma_start3A_49 = arith.constant 0 : i32
    %dma_start3A_50 = tpu.memref_slice %arg4[%dma_start3A_48, %dma_start3A_49] : memref<100000x64xf32, #tpu.memory_space<hbm>> -> memref<100000x64xf32, #tpu.memory_space<hbm>>
    tpu.enqueue_indirect_dma source(%dma_start3A_50 : memref<100000x64xf32, #tpu.memory_space<hbm>>) target(%dma_start3A_44 : memref<128x64xf32, #tpu.memory_space<vmem>>) offsets(%dma_start3A_47 : memref<128xi32, #tpu.memory_space<vmem>>) semaphore(%arg16 : memref<!tpu.dma_semaphore, #tpu.memory_space<semaphore_mem>>)
    %mul3A_51 = arith.constant 8 : i32
    %mul3A_52 = arith.muli %arg1, %mul3A_51 : i32
    "tpu.region"() ({
      %run_scoped3A_640 = tpu.sem_alloc : memref<!tpu.dma_semaphore, #tpu.memory_space<semaphore_mem>>
      %dma_start3A_641 = arith.constant 0 : i32
      %dma_start3A_642 = tpu.memref_slice %arg3[%mul3A_52, %dma_start3A_641] : memref<128x128xi32, #tpu.memory_space<hbm>> -> memref<8x128xi32, #tpu.memory_space<hbm>>
      %dma_start3A_643 = arith.constant 0 : i32
      %dma_start3A_644 = tpu.memref_slice %arg3[%mul3A_52, %dma_start3A_643] : memref<128x128xi32, #tpu.memory_space<hbm>> -> memref<8x128xi32, #tpu.memory_space<hbm>>
      tpu.enqueue_dma source(%dma_start3A_644 : memref<8x128xi32, #tpu.memory_space<hbm>>) target(%arg6 : memref<8x128xi32, #tpu.memory_space<vmem>>) target_semaphore(%run_scoped3A_640 : memref<!tpu.dma_semaphore, #tpu.memory_space<semaphore_mem>>)
      %dma_wait3A_645 = arith.constant 0 : i32
      %dma_wait3A_646 = tpu.memref_slice %arg3[%mul3A_52, %dma_wait3A_645] : memref<128x128xi32, #tpu.memory_space<hbm>> -> memref<8x128xi32, #tpu.memory_space<hbm>>
      %dma_wait3A_647 = arith.constant 0 : i32
      %dma_wait3A_648 = tpu.memref_slice %arg3[%mul3A_52, %dma_wait3A_647] : memref<128x128xi32, #tpu.memory_space<hbm>> -> memref<8x128xi32, #tpu.memory_space<hbm>>
      tpu.wait_dma2 semaphore(%run_scoped3A_640 : memref<!tpu.dma_semaphore, #tpu.memory_space<semaphore_mem>>) src(%dma_wait3A_648 : memref<8x128xi32, #tpu.memory_space<hbm>>) dst(%arg6 : memref<8x128xi32, #tpu.memory_space<vmem>>)
      tpu.yield
    }) : () -> ()
    %scan3A = arith.constant 0 : i32
    %scan3A_53 = arith.constant 0 : i32
    %scan3A_54 = arith.constant 392 : i32
    %scan3A_55 = arith.addi %scan3A_53, %scan3A_54 : i32
    %scan3A_56 = arith.constant 1 : i32
    scf.for %scan3A_640 = %scan3A_53 to %scan3A_55 step %scan3A_56  : i32 {
      %mul3A_641 = arith.constant 16 : i32
      %mul3A_642 = arith.muli %scan3A_640, %mul3A_641 : i32
      %swap3A_643 = arith.index_cast %mul3A_642 : i32 to index
      %swap3A_644 = tpu.vector_load %arg8[%swap3A_643] {strides = array<i32>} : memref<6272xf32, #tpu.memory_space<vmem>>, vector<16xf32>,
      %swap3A_645 = vector.shape_cast %swap3A_644 : vector<16xf32> to vector<16xf32>
      %swap3A_646 = vector.shape_cast %broadcast_in_dim3A_1 : vector<16xf32> to vector<16xf32>
      tpu.vector_store %arg8[%swap3A_643], %swap3A_646 {strides = array<i32>} : memref<6272xf32, #tpu.memory_space<vmem>>, vector<16xf32>,
    }
    %scan3A_57 = arith.constant 392 : i32
    %swap3A = arith.constant 0 : index
    %swap3A_58 = tpu.vector_load %arg9[%swap3A] {strides = array<i32>} : memref<128xf32, #tpu.memory_space<vmem>>, vector<16xf32>,
    %swap3A_59 = vector.shape_cast %swap3A_58 : vector<16xf32> to vector<16xf32>
    %swap3A_60 = vector.shape_cast %broadcast_in_dim3A_3 : vector<16xf32> to vector<16xf32>
    tpu.vector_store %arg9[%swap3A], %swap3A_60 {strides = array<i32>} : memref<128xf32, #tpu.memory_space<vmem>>, vector<16xf32>,
    %swap3A_61 = arith.constant 16 : index
    %swap3A_62 = tpu.vector_load %arg9[%swap3A_61] {strides = array<i32>} : memref<128xf32, #tpu.memory_space<vmem>>, vector<16xf32>,
    %swap3A_63 = vector.shape_cast %swap3A_62 : vector<16xf32> to vector<16xf32>
    %swap3A_64 = vector.shape_cast %broadcast_in_dim3A_3 : vector<16xf32> to vector<16xf32>
    tpu.vector_store %arg9[%swap3A_61], %swap3A_64 {strides = array<i32>} : memref<128xf32, #tpu.memory_space<vmem>>, vector<16xf32>,
    %swap3A_65 = arith.constant 32 : index
    %swap3A_66 = tpu.vector_load %arg9[%swap3A_65] {strides = array<i32>} : memref<128xf32, #tpu.memory_space<vmem>>, vector<16xf32>,
    %swap3A_67 = vector.shape_cast %swap3A_66 : vector<16xf32> to vector<16xf32>
    %swap3A_68 = vector.shape_cast %broadcast_in_dim3A_3 : vector<16xf32> to vector<16xf32>
    tpu.vector_store %arg9[%swap3A_65], %swap3A_68 {strides = array<i32>} : memref<128xf32, #tpu.memory_space<vmem>>, vector<16xf32>,
    %swap3A_69 = arith.constant 48 : index
    %swap3A_70 = tpu.vector_load %arg9[%swap3A_69] {strides = array<i32>} : memref<128xf32, #tpu.memory_space<vmem>>, vector<16xf32>,
    %swap3A_71 = vector.shape_cast %swap3A_70 : vector<16xf32> to vector<16xf32>
    %swap3A_72 = vector.shape_cast %broadcast_in_dim3A_3 : vector<16xf32> to vector<16xf32>
    tpu.vector_store %arg9[%swap3A_69], %swap3A_72 {strides = array<i32>} : memref<128xf32, #tpu.memory_space<vmem>>, vector<16xf32>,
    %swap3A_73 = arith.constant 64 : index
    %swap3A_74 = tpu.vector_load %arg9[%swap3A_73] {strides = array<i32>} : memref<128xf32, #tpu.memory_space<vmem>>, vector<16xf32>,
    %swap3A_75 = vector.shape_cast %swap3A_74 : vector<16xf32> to vector<16xf32>
    %swap3A_76 = vector.shape_cast %broadcast_in_dim3A_3 : vector<16xf32> to vector<16xf32>
    tpu.vector_store %arg9[%swap3A_73], %swap3A_76 {strides = array<i32>} : memref<128xf32, #tpu.memory_space<vmem>>, vector<16xf32>,
    %swap3A_77 = arith.constant 80 : index
    %swap3A_78 = tpu.vector_load %arg9[%swap3A_77] {strides = array<i32>} : memref<128xf32, #tpu.memory_space<vmem>>, vector<16xf32>,
    %swap3A_79 = vector.shape_cast %swap3A_78 : vector<16xf32> to vector<16xf32>
    %swap3A_80 = vector.shape_cast %broadcast_in_dim3A_3 : vector<16xf32> to vector<16xf32>
    tpu.vector_store %arg9[%swap3A_77], %swap3A_80 {strides = array<i32>} : memref<128xf32, #tpu.memory_space<vmem>>, vector<16xf32>,
    %swap3A_81 = arith.constant 96 : index
    %swap3A_82 = tpu.vector_load %arg9[%swap3A_81] {strides = array<i32>} : memref<128xf32, #tpu.memory_space<vmem>>, vector<16xf32>,
    %swap3A_83 = vector.shape_cast %swap3A_82 : vector<16xf32> to vector<16xf32>
    %swap3A_84 = vector.shape_cast %broadcast_in_dim3A_3 : vector<16xf32> to vector<16xf32>
    tpu.vector_store %arg9[%swap3A_81], %swap3A_84 {strides = array<i32>} : memref<128xf32, #tpu.memory_space<vmem>>, vector<16xf32>,
    %swap3A_85 = arith.constant 112 : index
    %swap3A_86 = tpu.vector_load %arg9[%swap3A_85] {strides = array<i32>} : memref<128xf32, #tpu.memory_space<vmem>>, vector<16xf32>,
    %swap3A_87 = vector.shape_cast %swap3A_86 : vector<16xf32> to vector<16xf32>
    %swap3A_88 = vector.shape_cast %broadcast_in_dim3A_3 : vector<16xf32> to vector<16xf32>
    tpu.vector_store %arg9[%swap3A_85], %swap3A_88 {strides = array<i32>} : memref<128xf32, #tpu.memory_space<vmem>>, vector<16xf32>,
    %mul3A_89 = arith.constant 6272 : i32
    %mul3A_90 = arith.muli %arg1, %mul3A_89 : i32
    "tpu.region"() ({
      %run_scoped3A_640 = tpu.sem_alloc : memref<!tpu.dma_semaphore, #tpu.memory_space<semaphore_mem>>
      %dma_start3A_641 = tpu.memref_slice %arg15[%mul3A_90] : memref<100352xf32, #tpu.memory_space<vmem_shared>> -> memref<6272xf32, #tpu.memory_space<vmem_shared>>
      %dma_start3A_642 = tpu.memref_slice %arg15[%mul3A_90] : memref<100352xf32, #tpu.memory_space<vmem_shared>> -> memref<6272xf32, #tpu.memory_space<vmem_shared>>
      tpu.enqueue_dma source(%arg8 : memref<6272xf32, #tpu.memory_space<vmem>>) target(%dma_start3A_642 : memref<6272xf32, #tpu.memory_space<vmem_shared>>) target_semaphore(%run_scoped3A_640 : memref<!tpu.dma_semaphore, #tpu.memory_space<semaphore_mem>>)
      %dma_wait3A_643 = tpu.memref_slice %arg15[%mul3A_90] : memref<100352xf32, #tpu.memory_space<vmem_shared>> -> memref<6272xf32, #tpu.memory_space<vmem_shared>>
      %dma_wait3A_644 = tpu.memref_slice %arg15[%mul3A_90] : memref<100352xf32, #tpu.memory_space<vmem_shared>> -> memref<6272xf32, #tpu.memory_space<vmem_shared>>
      tpu.wait_dma2 semaphore(%run_scoped3A_640 : memref<!tpu.dma_semaphore, #tpu.memory_space<semaphore_mem>>) src(%arg8 : memref<6272xf32, #tpu.memory_space<vmem>>) dst(%dma_wait3A_644 : memref<6272xf32, #tpu.memory_space<vmem_shared>>)
      tpu.yield
    }) : () -> ()
    %barrier3A = arith.constant 0 : index
    tpu.barrier barrier_id(%barrier3A)
    %run_scoped3A = arith.constant 0 : i32
    "tpu.region"() ({
      %run_scoped3A_640 = tpu.sem_alloc : memref<!tpu.dma_semaphore, #tpu.memory_space<semaphore_mem>>
      %dma_start3A_641 = arith.constant 0 : i32
      %dma_start3A_642 = tpu.memref_slice %arg6[%run_scoped3A, %dma_start3A_641] : memref<8x128xi32, #tpu.memory_space<vmem>> -> memref<1x128xi32, #tpu.memory_space<vmem>>
      %dma_start3A_643 = tpu.memref_squeeze %dma_start3A_642 : memref<1x128xi32, #tpu.memory_space<vmem>> -> memref<128xi32, #tpu.memory_space<vmem>>
      %dma_start3A_644 = arith.constant 0 : i32
      %dma_start3A_645 = tpu.memref_slice %arg15[%dma_start3A_644] : memref<100352xf32, #tpu.memory_space<vmem_shared>> -> memref<100352xf32, #tpu.memory_space<vmem_shared>>
      tpu.enqueue_indirect_dma source(%arg9 : memref<128xf32, #tpu.memory_space<vmem>>) target(%dma_start3A_645 : memref<100352xf32, #tpu.memory_space<vmem_shared>>) offsets(%dma_start3A_643 : memref<128xi32, #tpu.memory_space<vmem>>) semaphore(%run_scoped3A_640 : memref<!tpu.dma_semaphore, #tpu.memory_space<semaphore_mem>>) {add = true}
      %dma_wait3A_646 = arith.constant 0 : i32
      %dma_wait3A_647 = tpu.memref_slice %arg6[%run_scoped3A, %dma_wait3A_646] : memref<8x128xi32, #tpu.memory_space<vmem>> -> memref<1x128xi32, #tpu.memory_space<vmem>>
      %dma_wait3A_648 = tpu.memref_squeeze %dma_wait3A_647 : memref<1x128xi32, #tpu.memory_space<vmem>> -> memref<128xi32, #tpu.memory_space<vmem>>
      %dma_wait3A_649 = arith.constant 0 : i32
      %dma_wait3A_650 = tpu.memref_slice %arg15[%dma_wait3A_649] : memref<100352xf32, #tpu.memory_space<vmem_shared>> -> memref<100352xf32, #tpu.memory_space<vmem_shared>>
      tpu.wait_indirect_dma semaphore(%run_scoped3A_640 : memref<!tpu.dma_semaphore, #tpu.memory_space<semaphore_mem>>) src(%arg9 : memref<128xf32, #tpu.memory_space<vmem>>) dst(%dma_wait3A_650 : memref<100352xf32, #tpu.memory_space<vmem_shared>>)
      tpu.yield
    }) : () -> ()
    %run_scoped3A_91 = arith.constant 1 : i32
    "tpu.region"() ({
      %run_scoped3A_640 = tpu.sem_alloc : memref<!tpu.dma_semaphore, #tpu.memory_space<semaphore_mem>>
      %dma_start3A_641 = arith.constant 0 : i32
      %dma_start3A_642 = tpu.memref_slice %arg6[%run_scoped3A_91, %dma_start3A_641] : memref<8x128xi32, #tpu.memory_space<vmem>> -> memref<1x128xi32, #tpu.memory_space<vmem>>
      %dma_start3A_643 = tpu.memref_squeeze %dma_start3A_642 : memref<1x128xi32, #tpu.memory_space<vmem>> -> memref<128xi32, #tpu.memory_space<vmem>>
      %dma_start3A_644 = arith.constant 0 : i32
      %dma_start3A_645 = tpu.memref_slice %arg15[%dma_start3A_644] : memref<100352xf32, #tpu.memory_space<vmem_shared>> -> memref<100352xf32, #tpu.memory_space<vmem_shared>>
      tpu.enqueue_indirect_dma source(%arg9 : memref<128xf32, #tpu.memory_space<vmem>>) target(%dma_start3A_645 : memref<100352xf32, #tpu.memory_space<vmem_shared>>) offsets(%dma_start3A_643 : memref<128xi32, #tpu.memory_space<vmem>>) semaphore(%run_scoped3A_640 : memref<!tpu.dma_semaphore, #tpu.memory_space<semaphore_mem>>) {add = true}
      %dma_wait3A_646 = arith.constant 0 : i32
      %dma_wait3A_647 = tpu.memref_slice %arg6[%run_scoped3A_91, %dma_wait3A_646] : memref<8x128xi32, #tpu.memory_space<vmem>> -> memref<1x128xi32, #tpu.memory_space<vmem>>
      %dma_wait3A_648 = tpu.memref_squeeze %dma_wait3A_647 : memref<1x128xi32, #tpu.memory_space<vmem>> -> memref<128xi32, #tpu.memory_space<vmem>>
      %dma_wait3A_649 = arith.constant 0 : i32
      %dma_wait3A_650 = tpu.memref_slice %arg15[%dma_wait3A_649] : memref<100352xf32, #tpu.memory_space<vmem_shared>> -> memref<100352xf32, #tpu.memory_space<vmem_shared>>
      tpu.wait_indirect_dma semaphore(%run_scoped3A_640 : memref<!tpu.dma_semaphore, #tpu.memory_space<semaphore_mem>>) src(%arg9 : memref<128xf32, #tpu.memory_space<vmem>>) dst(%dma_wait3A_650 : memref<100352xf32, #tpu.memory_space<vmem_shared>>)
      tpu.yield
    }) : () -> ()
    %run_scoped3A_92 = arith.constant 2 : i32
    "tpu.region"() ({
      %run_scoped3A_640 = tpu.sem_alloc : memref<!tpu.dma_semaphore, #tpu.memory_space<semaphore_mem>>
      %dma_start3A_641 = arith.constant 0 : i32
      %dma_start3A_642 = tpu.memref_slice %arg6[%run_scoped3A_92, %dma_start3A_641] : memref<8x128xi32, #tpu.memory_space<vmem>> -> memref<1x128xi32, #tpu.memory_space<vmem>>
      %dma_start3A_643 = tpu.memref_squeeze %dma_start3A_642 : memref<1x128xi32, #tpu.memory_space<vmem>> -> memref<128xi32, #tpu.memory_space<vmem>>
      %dma_start3A_644 = arith.constant 0 : i32
      %dma_start3A_645 = tpu.memref_slice %arg15[%dma_start3A_644] : memref<100352xf32, #tpu.memory_space<vmem_shared>> -> memref<100352xf32, #tpu.memory_space<vmem_shared>>
      tpu.enqueue_indirect_dma source(%arg9 : memref<128xf32, #tpu.memory_space<vmem>>) target(%dma_start3A_645 : memref<100352xf32, #tpu.memory_space<vmem_shared>>) offsets(%dma_start3A_643 : memref<128xi32, #tpu.memory_space<vmem>>) semaphore(%run_scoped3A_640 : memref<!tpu.dma_semaphore, #tpu.memory_space<semaphore_mem>>) {add = true}
      %dma_wait3A_646 = arith.constant 0 : i32
      %dma_wait3A_647 = tpu.memref_slice %arg6[%run_scoped3A_92, %dma_wait3A_646] : memref<8x128xi32, #tpu.memory_space<vmem>> -> memref<1x128xi32, #tpu.memory_space<vmem>>
      %dma_wait3A_648 = tpu.memref_squeeze %dma_wait3A_647 : memref<1x128xi32, #tpu.memory_space<vmem>> -> memref<128xi32, #tpu.memory_space<vmem>>
      %dma_wait3A_649 = arith.constant 0 : i32
      %dma_wait3A_650 = tpu.memref_slice %arg15[%dma_wait3A_649] : memref<100352xf32, #tpu.memory_space<vmem_shared>> -> memref<100352xf32, #tpu.memory_space<vmem_shared>>
      tpu.wait_indirect_dma semaphore(%run_scoped3A_640 : memref<!tpu.dma_semaphore, #tpu.memory_space<semaphore_mem>>) src(%arg9 : memref<128xf32, #tpu.memory_space<vmem>>) dst(%dma_wait3A_650 : memref<100352xf32, #tpu.memory_space<vmem_shared>>)
      tpu.yield
    }) : () -> ()
    %run_scoped3A_93 = arith.constant 3 : i32
    "tpu.region"() ({
      %run_scoped3A_640 = tpu.sem_alloc : memref<!tpu.dma_semaphore, #tpu.memory_space<semaphore_mem>>
      %dma_start3A_641 = arith.constant 0 : i32
      %dma_start3A_642 = tpu.memref_slice %arg6[%run_scoped3A_93, %dma_start3A_641] : memref<8x128xi32, #tpu.memory_space<vmem>> -> memref<1x128xi32, #tpu.memory_space<vmem>>
      %dma_start3A_643 = tpu.memref_squeeze %dma_start3A_642 : memref<1x128xi32, #tpu.memory_space<vmem>> -> memref<128xi32, #tpu.memory_space<vmem>>
      %dma_start3A_644 = arith.constant 0 : i32
      %dma_start3A_645 = tpu.memref_slice %arg15[%dma_start3A_644] : memref<100352xf32, #tpu.memory_space<vmem_shared>> -> memref<100352xf32, #tpu.memory_space<vmem_shared>>
      tpu.enqueue_indirect_dma source(%arg9 : memref<128xf32, #tpu.memory_space<vmem>>) target(%dma_start3A_645 : memref<100352xf32, #tpu.memory_space<vmem_shared>>) offsets(%dma_start3A_643 : memref<128xi32, #tpu.memory_space<vmem>>) semaphore(%run_scoped3A_640 : memref<!tpu.dma_semaphore, #tpu.memory_space<semaphore_mem>>) {add = true}
      %dma_wait3A_646 = arith.constant 0 : i32
      %dma_wait3A_647 = tpu.memref_slice %arg6[%run_scoped3A_93, %dma_wait3A_646] : memref<8x128xi32, #tpu.memory_space<vmem>> -> memref<1x128xi32, #tpu.memory_space<vmem>>
      %dma_wait3A_648 = tpu.memref_squeeze %dma_wait3A_647 : memref<1x128xi32, #tpu.memory_space<vmem>> -> memref<128xi32, #tpu.memory_space<vmem>>
      %dma_wait3A_649 = arith.constant 0 : i32
      %dma_wait3A_650 = tpu.memref_slice %arg15[%dma_wait3A_649] : memref<100352xf32, #tpu.memory_space<vmem_shared>> -> memref<100352xf32, #tpu.memory_space<vmem_shared>>
      tpu.wait_indirect_dma semaphore(%run_scoped3A_640 : memref<!tpu.dma_semaphore, #tpu.memory_space<semaphore_mem>>) src(%arg9 : memref<128xf32, #tpu.memory_space<vmem>>) dst(%dma_wait3A_650 : memref<100352xf32, #tpu.memory_space<vmem_shared>>)
      tpu.yield
    }) : () -> ()
    %run_scoped3A_94 = arith.constant 4 : i32
    "tpu.region"() ({
      %run_scoped3A_640 = tpu.sem_alloc : memref<!tpu.dma_semaphore, #tpu.memory_space<semaphore_mem>>
      %dma_start3A_641 = arith.constant 0 : i32
      %dma_start3A_642 = tpu.memref_slice %arg6[%run_scoped3A_94, %dma_start3A_641] : memref<8x128xi32, #tpu.memory_space<vmem>> -> memref<1x128xi32, #tpu.memory_space<vmem>>
      %dma_start3A_643 = tpu.memref_squeeze %dma_start3A_642 : memref<1x128xi32, #tpu.memory_space<vmem>> -> memref<128xi32, #tpu.memory_space<vmem>>
      %dma_start3A_644 = arith.constant 0 : i32
      %dma_start3A_645 = tpu.memref_slice %arg15[%dma_start3A_644] : memref<100352xf32, #tpu.memory_space<vmem_shared>> -> memref<100352xf32, #tpu.memory_space<vmem_shared>>
      tpu.enqueue_indirect_dma source(%arg9 : memref<128xf32, #tpu.memory_space<vmem>>) target(%dma_start3A_645 : memref<100352xf32, #tpu.memory_space<vmem_shared>>) offsets(%dma_start3A_643 : memref<128xi32, #tpu.memory_space<vmem>>) semaphore(%run_scoped3A_640 : memref<!tpu.dma_semaphore, #tpu.memory_space<semaphore_mem>>) {add = true}
      %dma_wait3A_646 = arith.constant 0 : i32
      %dma_wait3A_647 = tpu.memref_slice %arg6[%run_scoped3A_94, %dma_wait3A_646] : memref<8x128xi32, #tpu.memory_space<vmem>> -> memref<1x128xi32, #tpu.memory_space<vmem>>
      %dma_wait3A_648 = tpu.memref_squeeze %dma_wait3A_647 : memref<1x128xi32, #tpu.memory_space<vmem>> -> memref<128xi32, #tpu.memory_space<vmem>>
      %dma_wait3A_649 = arith.constant 0 : i32
      %dma_wait3A_650 = tpu.memref_slice %arg15[%dma_wait3A_649] : memref<100352xf32, #tpu.memory_space<vmem_shared>> -> memref<100352xf32, #tpu.memory_space<vmem_shared>>
      tpu.wait_indirect_dma semaphore(%run_scoped3A_640 : memref<!tpu.dma_semaphore, #tpu.memory_space<semaphore_mem>>) src(%arg9 : memref<128xf32, #tpu.memory_space<vmem>>) dst(%dma_wait3A_650 : memref<100352xf32, #tpu.memory_space<vmem_shared>>)
      tpu.yield
    }) : () -> ()
    %run_scoped3A_95 = arith.constant 5 : i32
    "tpu.region"() ({
      %run_scoped3A_640 = tpu.sem_alloc : memref<!tpu.dma_semaphore, #tpu.memory_space<semaphore_mem>>
      %dma_start3A_641 = arith.constant 0 : i32
      %dma_start3A_642 = tpu.memref_slice %arg6[%run_scoped3A_95, %dma_start3A_641] : memref<8x128xi32, #tpu.memory_space<vmem>> -> memref<1x128xi32, #tpu.memory_space<vmem>>
      %dma_start3A_643 = tpu.memref_squeeze %dma_start3A_642 : memref<1x128xi32, #tpu.memory_space<vmem>> -> memref<128xi32, #tpu.memory_space<vmem>>
      %dma_start3A_644 = arith.constant 0 : i32
      %dma_start3A_645 = tpu.memref_slice %arg15[%dma_start3A_644] : memref<100352xf32, #tpu.memory_space<vmem_shared>> -> memref<100352xf32, #tpu.memory_space<vmem_shared>>
      tpu.enqueue_indirect_dma source(%arg9 : memref<128xf32, #tpu.memory_space<vmem>>) target(%dma_start3A_645 : memref<100352xf32, #tpu.memory_space<vmem_shared>>) offsets(%dma_start3A_643 : memref<128xi32, #tpu.memory_space<vmem>>) semaphore(%run_scoped3A_640 : memref<!tpu.dma_semaphore, #tpu.memory_space<semaphore_mem>>) {add = true}
      %dma_wait3A_646 = arith.constant 0 : i32
      %dma_wait3A_647 = tpu.memref_slice %arg6[%run_scoped3A_95, %dma_wait3A_646] : memref<8x128xi32, #tpu.memory_space<vmem>> -> memref<1x128xi32, #tpu.memory_space<vmem>>
      %dma_wait3A_648 = tpu.memref_squeeze %dma_wait3A_647 : memref<1x128xi32, #tpu.memory_space<vmem>> -> memref<128xi32, #tpu.memory_space<vmem>>
      %dma_wait3A_649 = arith.constant 0 : i32
      %dma_wait3A_650 = tpu.memref_slice %arg15[%dma_wait3A_649] : memref<100352xf32, #tpu.memory_space<vmem_shared>> -> memref<100352xf32, #tpu.memory_space<vmem_shared>>
      tpu.wait_indirect_dma semaphore(%run_scoped3A_640 : memref<!tpu.dma_semaphore, #tpu.memory_space<semaphore_mem>>) src(%arg9 : memref<128xf32, #tpu.memory_space<vmem>>) dst(%dma_wait3A_650 : memref<100352xf32, #tpu.memory_space<vmem_shared>>)
      tpu.yield
    }) : () -> ()
    %run_scoped3A_96 = arith.constant 6 : i32
    "tpu.region"() ({
      %run_scoped3A_640 = tpu.sem_alloc : memref<!tpu.dma_semaphore, #tpu.memory_space<semaphore_mem>>
      %dma_start3A_641 = arith.constant 0 : i32
      %dma_start3A_642 = tpu.memref_slice %arg6[%run_scoped3A_96, %dma_start3A_641] : memref<8x128xi32, #tpu.memory_space<vmem>> -> memref<1x128xi32, #tpu.memory_space<vmem>>
      %dma_start3A_643 = tpu.memref_squeeze %dma_start3A_642 : memref<1x128xi32, #tpu.memory_space<vmem>> -> memref<128xi32, #tpu.memory_space<vmem>>
      %dma_start3A_644 = arith.constant 0 : i32
      %dma_start3A_645 = tpu.memref_slice %arg15[%dma_start3A_644] : memref<100352xf32, #tpu.memory_space<vmem_shared>> -> memref<100352xf32, #tpu.memory_space<vmem_shared>>
      tpu.enqueue_indirect_dma source(%arg9 : memref<128xf32, #tpu.memory_space<vmem>>) target(%dma_start3A_645 : memref<100352xf32, #tpu.memory_space<vmem_shared>>) offsets(%dma_start3A_643 : memref<128xi32, #tpu.memory_space<vmem>>) semaphore(%run_scoped3A_640 : memref<!tpu.dma_semaphore, #tpu.memory_space<semaphore_mem>>) {add = true}
      %dma_wait3A_646 = arith.constant 0 : i32
      %dma_wait3A_647 = tpu.memref_slice %arg6[%run_scoped3A_96, %dma_wait3A_646] : memref<8x128xi32, #tpu.memory_space<vmem>> -> memref<1x128xi32, #tpu.memory_space<vmem>>
      %dma_wait3A_648 = tpu.memref_squeeze %dma_wait3A_647 : memref<1x128xi32, #tpu.memory_space<vmem>> -> memref<128xi32, #tpu.memory_space<vmem>>
      %dma_wait3A_649 = arith.constant 0 : i32
      %dma_wait3A_650 = tpu.memref_slice %arg15[%dma_wait3A_649] : memref<100352xf32, #tpu.memory_space<vmem_shared>> -> memref<100352xf32, #tpu.memory_space<vmem_shared>>
      tpu.wait_indirect_dma semaphore(%run_scoped3A_640 : memref<!tpu.dma_semaphore, #tpu.memory_space<semaphore_mem>>) src(%arg9 : memref<128xf32, #tpu.memory_space<vmem>>) dst(%dma_wait3A_650 : memref<100352xf32, #tpu.memory_space<vmem_shared>>)
      tpu.yield
    }) : () -> ()
    %run_scoped3A_97 = arith.constant 7 : i32
    "tpu.region"() ({
      %run_scoped3A_640 = tpu.sem_alloc : memref<!tpu.dma_semaphore, #tpu.memory_space<semaphore_mem>>
      %dma_start3A_641 = arith.constant 0 : i32
      %dma_start3A_642 = tpu.memref_slice %arg6[%run_scoped3A_97, %dma_start3A_641] : memref<8x128xi32, #tpu.memory_space<vmem>> -> memref<1x128xi32, #tpu.memory_space<vmem>>
      %dma_start3A_643 = tpu.memref_squeeze %dma_start3A_642 : memref<1x128xi32, #tpu.memory_space<vmem>> -> memref<128xi32, #tpu.memory_space<vmem>>
      %dma_start3A_644 = arith.constant 0 : i32
      %dma_start3A_645 = tpu.memref_slice %arg15[%dma_start3A_644] : memref<100352xf32, #tpu.memory_space<vmem_shared>> -> memref<100352xf32, #tpu.memory_space<vmem_shared>>
      tpu.enqueue_indirect_dma source(%arg9 : memref<128xf32, #tpu.memory_space<vmem>>) target(%dma_start3A_645 : memref<100352xf32, #tpu.memory_space<vmem_shared>>) offsets(%dma_start3A_643 : memref<128xi32, #tpu.memory_space<vmem>>) semaphore(%run_scoped3A_640 : memref<!tpu.dma_semaphore, #tpu.memory_space<semaphore_mem>>) {add = true}
      %dma_wait3A_646 = arith.constant 0 : i32
      %dma_wait3A_647 = tpu.memref_slice %arg6[%run_scoped3A_97, %dma_wait3A_646] : memref<8x128xi32, #tpu.memory_space<vmem>> -> memref<1x128xi32, #tpu.memory_space<vmem>>
      %dma_wait3A_648 = tpu.memref_squeeze %dma_wait3A_647 : memref<1x128xi32, #tpu.memory_space<vmem>> -> memref<128xi32, #tpu.memory_space<vmem>>
      %dma_wait3A_649 = arith.constant 0 : i32
      %dma_wait3A_650 = tpu.memref_slice %arg15[%dma_wait3A_649] : memref<100352xf32, #tpu.memory_space<vmem_shared>> -> memref<100352xf32, #tpu.memory_space<vmem_shared>>
      tpu.wait_indirect_dma semaphore(%run_scoped3A_640 : memref<!tpu.dma_semaphore, #tpu.memory_space<semaphore_mem>>) src(%arg9 : memref<128xf32, #tpu.memory_space<vmem>>) dst(%dma_wait3A_650 : memref<100352xf32, #tpu.memory_space<vmem_shared>>)
      tpu.yield
    }) : () -> ()
    %barrier3A_98 = arith.constant 0 : index
    tpu.barrier barrier_id(%barrier3A_98)
    %run_scoped3A_99 = arith.constant 0 : i32
    %run_scoped3A_100 = arith.constant 0 : i32
    "tpu.region"() ({
      %run_scoped3A_640 = tpu.sem_alloc : memref<!tpu.dma_semaphore, #tpu.memory_space<semaphore_mem>>
      %dma_start3A_641 = arith.constant 0 : i32
      %dma_start3A_642 = tpu.memref_slice %arg12[%run_scoped3A_100, %dma_start3A_641] : memref<4x128xf32, #tpu.memory_space<vmem>> -> memref<1x128xf32, #tpu.memory_space<vmem>>
      %dma_start3A_643 = tpu.memref_squeeze %dma_start3A_642 : memref<1x128xf32, #tpu.memory_space<vmem>> -> memref<128xf32, #tpu.memory_space<vmem>>
      %dma_start3A_644 = arith.constant 0 : i32
      %dma_start3A_645 = tpu.memref_slice %arg7[%run_scoped3A_99, %dma_start3A_644] : memref<4x128xi32, #tpu.memory_space<vmem>> -> memref<1x128xi32, #tpu.memory_space<vmem>>
      %dma_start3A_646 = tpu.memref_squeeze %dma_start3A_645 : memref<1x128xi32, #tpu.memory_space<vmem>> -> memref<128xi32, #tpu.memory_space<vmem>>
      %dma_start3A_647 = arith.constant 0 : i32
      %dma_start3A_648 = tpu.memref_slice %arg15[%dma_start3A_647] : memref<100352xf32, #tpu.memory_space<vmem_shared>> -> memref<100352xf32, #tpu.memory_space<vmem_shared>>
      tpu.enqueue_indirect_dma source(%dma_start3A_648 : memref<100352xf32, #tpu.memory_space<vmem_shared>>) target(%dma_start3A_643 : memref<128xf32, #tpu.memory_space<vmem>>) offsets(%dma_start3A_646 : memref<128xi32, #tpu.memory_space<vmem>>) semaphore(%run_scoped3A_640 : memref<!tpu.dma_semaphore, #tpu.memory_space<semaphore_mem>>)
      %dma_wait3A_649 = arith.constant 0 : i32
      %dma_wait3A_650 = tpu.memref_slice %arg12[%run_scoped3A_100, %dma_wait3A_649] : memref<4x128xf32, #tpu.memory_space<vmem>> -> memref<1x128xf32, #tpu.memory_space<vmem>>
      %dma_wait3A_651 = tpu.memref_squeeze %dma_wait3A_650 : memref<1x128xf32, #tpu.memory_space<vmem>> -> memref<128xf32, #tpu.memory_space<vmem>>
      %dma_wait3A_652 = arith.constant 0 : i32
      %dma_wait3A_653 = tpu.memref_slice %arg7[%run_scoped3A_99, %dma_wait3A_652] : memref<4x128xi32, #tpu.memory_space<vmem>> -> memref<1x128xi32, #tpu.memory_space<vmem>>
      %dma_wait3A_654 = tpu.memref_squeeze %dma_wait3A_653 : memref<1x128xi32, #tpu.memory_space<vmem>> -> memref<128xi32, #tpu.memory_space<vmem>>
      %dma_wait3A_655 = arith.constant 0 : i32
      %dma_wait3A_656 = tpu.memref_slice %arg15[%dma_wait3A_655] : memref<100352xf32, #tpu.memory_space<vmem_shared>> -> memref<100352xf32, #tpu.memory_space<vmem_shared>>
      tpu.wait_indirect_dma semaphore(%run_scoped3A_640 : memref<!tpu.dma_semaphore, #tpu.memory_space<semaphore_mem>>) src(%dma_wait3A_656 : memref<100352xf32, #tpu.memory_space<vmem_shared>>) dst(%dma_wait3A_651 : memref<128xf32, #tpu.memory_space<vmem>>)
      tpu.yield
    }) : () -> ()
    %run_scoped3A_101 = arith.constant 1 : i32
    %run_scoped3A_102 = arith.constant 1 : i32
    "tpu.region"() ({
      %run_scoped3A_640 = tpu.sem_alloc : memref<!tpu.dma_semaphore, #tpu.memory_space<semaphore_mem>>
      %dma_start3A_641 = arith.constant 0 : i32
      %dma_start3A_642 = tpu.memref_slice %arg12[%run_scoped3A_102, %dma_start3A_641] : memref<4x128xf32, #tpu.memory_space<vmem>> -> memref<1x128xf32, #tpu.memory_space<vmem>>
      %dma_start3A_643 = tpu.memref_squeeze %dma_start3A_642 : memref<1x128xf32, #tpu.memory_space<vmem>> -> memref<128xf32, #tpu.memory_space<vmem>>
      %dma_start3A_644 = arith.constant 0 : i32
      %dma_start3A_645 = tpu.memref_slice %arg7[%run_scoped3A_101, %dma_start3A_644] : memref<4x128xi32, #tpu.memory_space<vmem>> -> memref<1x128xi32, #tpu.memory_space<vmem>>
      %dma_start3A_646 = tpu.memref_squeeze %dma_start3A_645 : memref<1x128xi32, #tpu.memory_space<vmem>> -> memref<128xi32, #tpu.memory_space<vmem>>
      %dma_start3A_647 = arith.constant 0 : i32
      %dma_start3A_648 = tpu.memref_slice %arg15[%dma_start3A_647] : memref<100352xf32, #tpu.memory_space<vmem_shared>> -> memref<100352xf32, #tpu.memory_space<vmem_shared>>
      tpu.enqueue_indirect_dma source(%dma_start3A_648 : memref<100352xf32, #tpu.memory_space<vmem_shared>>) target(%dma_start3A_643 : memref<128xf32, #tpu.memory_space<vmem>>) offsets(%dma_start3A_646 : memref<128xi32, #tpu.memory_space<vmem>>) semaphore(%run_scoped3A_640 : memref<!tpu.dma_semaphore, #tpu.memory_space<semaphore_mem>>)
      %dma_wait3A_649 = arith.constant 0 : i32
      %dma_wait3A_650 = tpu.memref_slice %arg12[%run_scoped3A_102, %dma_wait3A_649] : memref<4x128xf32, #tpu.memory_space<vmem>> -> memref<1x128xf32, #tpu.memory_space<vmem>>
      %dma_wait3A_651 = tpu.memref_squeeze %dma_wait3A_650 : memref<1x128xf32, #tpu.memory_space<vmem>> -> memref<128xf32, #tpu.memory_space<vmem>>
      %dma_wait3A_652 = arith.constant 0 : i32
      %dma_wait3A_653 = tpu.memref_slice %arg7[%run_scoped3A_101, %dma_wait3A_652] : memref<4x128xi32, #tpu.memory_space<vmem>> -> memref<1x128xi32, #tpu.memory_space<vmem>>
      %dma_wait3A_654 = tpu.memref_squeeze %dma_wait3A_653 : memref<1x128xi32, #tpu.memory_space<vmem>> -> memref<128xi32, #tpu.memory_space<vmem>>
      %dma_wait3A_655 = arith.constant 0 : i32
      %dma_wait3A_656 = tpu.memref_slice %arg15[%dma_wait3A_655] : memref<100352xf32, #tpu.memory_space<vmem_shared>> -> memref<100352xf32, #tpu.memory_space<vmem_shared>>
      tpu.wait_indirect_dma semaphore(%run_scoped3A_640 : memref<!tpu.dma_semaphore, #tpu.memory_space<semaphore_mem>>) src(%dma_wait3A_656 : memref<100352xf32, #tpu.memory_space<vmem_shared>>) dst(%dma_wait3A_651 : memref<128xf32, #tpu.memory_space<vmem>>)
      tpu.yield
    }) : () -> ()
    %run_scoped3A_103 = arith.constant 2 : i32
    %run_scoped3A_104 = arith.constant 2 : i32
    "tpu.region"() ({
      %run_scoped3A_640 = tpu.sem_alloc : memref<!tpu.dma_semaphore, #tpu.memory_space<semaphore_mem>>
      %dma_start3A_641 = arith.constant 0 : i32
      %dma_start3A_642 = tpu.memref_slice %arg12[%run_scoped3A_104, %dma_start3A_641] : memref<4x128xf32, #tpu.memory_space<vmem>> -> memref<1x128xf32, #tpu.memory_space<vmem>>
      %dma_start3A_643 = tpu.memref_squeeze %dma_start3A_642 : memref<1x128xf32, #tpu.memory_space<vmem>> -> memref<128xf32, #tpu.memory_space<vmem>>
      %dma_start3A_644 = arith.constant 0 : i32
      %dma_start3A_645 = tpu.memref_slice %arg7[%run_scoped3A_103, %dma_start3A_644] : memref<4x128xi32, #tpu.memory_space<vmem>> -> memref<1x128xi32, #tpu.memory_space<vmem>>
      %dma_start3A_646 = tpu.memref_squeeze %dma_start3A_645 : memref<1x128xi32, #tpu.memory_space<vmem>> -> memref<128xi32, #tpu.memory_space<vmem>>
      %dma_start3A_647 = arith.constant 0 : i32
      %dma_start3A_648 = tpu.memref_slice %arg15[%dma_start3A_647] : memref<100352xf32, #tpu.memory_space<vmem_shared>> -> memref<100352xf32, #tpu.memory_space<vmem_shared>>
      tpu.enqueue_indirect_dma source(%dma_start3A_648 : memref<100352xf32, #tpu.memory_space<vmem_shared>>) target(%dma_start3A_643 : memref<128xf32, #tpu.memory_space<vmem>>) offsets(%dma_start3A_646 : memref<128xi32, #tpu.memory_space<vmem>>) semaphore(%run_scoped3A_640 : memref<!tpu.dma_semaphore, #tpu.memory_space<semaphore_mem>>)
      %dma_wait3A_649 = arith.constant 0 : i32
      %dma_wait3A_650 = tpu.memref_slice %arg12[%run_scoped3A_104, %dma_wait3A_649] : memref<4x128xf32, #tpu.memory_space<vmem>> -> memref<1x128xf32, #tpu.memory_space<vmem>>
      %dma_wait3A_651 = tpu.memref_squeeze %dma_wait3A_650 : memref<1x128xf32, #tpu.memory_space<vmem>> -> memref<128xf32, #tpu.memory_space<vmem>>
      %dma_wait3A_652 = arith.constant 0 : i32
      %dma_wait3A_653 = tpu.memref_slice %arg7[%run_scoped3A_103, %dma_wait3A_652] : memref<4x128xi32, #tpu.memory_space<vmem>> -> memref<1x128xi32, #tpu.memory_space<vmem>>
      %dma_wait3A_654 = tpu.memref_squeeze %dma_wait3A_653 : memref<1x128xi32, #tpu.memory_space<vmem>> -> memref<128xi32, #tpu.memory_space<vmem>>
      %dma_wait3A_655 = arith.constant 0 : i32
      %dma_wait3A_656 = tpu.memref_slice %arg15[%dma_wait3A_655] : memref<100352xf32, #tpu.memory_space<vmem_shared>> -> memref<100352xf32, #tpu.memory_space<vmem_shared>>
      tpu.wait_indirect_dma semaphore(%run_scoped3A_640 : memref<!tpu.dma_semaphore, #tpu.memory_space<semaphore_mem>>) src(%dma_wait3A_656 : memref<100352xf32, #tpu.memory_space<vmem_shared>>) dst(%dma_wait3A_651 : memref<128xf32, #tpu.memory_space<vmem>>)
      tpu.yield
    }) : () -> ()
    %run_scoped3A_105 = arith.constant 3 : i32
    %run_scoped3A_106 = arith.constant 3 : i32
    "tpu.region"() ({
      %run_scoped3A_640 = tpu.sem_alloc : memref<!tpu.dma_semaphore, #tpu.memory_space<semaphore_mem>>
      %dma_start3A_641 = arith.constant 0 : i32
      %dma_start3A_642 = tpu.memref_slice %arg12[%run_scoped3A_106, %dma_start3A_641] : memref<4x128xf32, #tpu.memory_space<vmem>> -> memref<1x128xf32, #tpu.memory_space<vmem>>
      %dma_start3A_643 = tpu.memref_squeeze %dma_start3A_642 : memref<1x128xf32, #tpu.memory_space<vmem>> -> memref<128xf32, #tpu.memory_space<vmem>>
      %dma_start3A_644 = arith.constant 0 : i32
      %dma_start3A_645 = tpu.memref_slice %arg7[%run_scoped3A_105, %dma_start3A_644] : memref<4x128xi32, #tpu.memory_space<vmem>> -> memref<1x128xi32, #tpu.memory_space<vmem>>
      %dma_start3A_646 = tpu.memref_squeeze %dma_start3A_645 : memref<1x128xi32, #tpu.memory_space<vmem>> -> memref<128xi32, #tpu.memory_space<vmem>>
      %dma_start3A_647 = arith.constant 0 : i32
      %dma_start3A_648 = tpu.memref_slice %arg15[%dma_start3A_647] : memref<100352xf32, #tpu.memory_space<vmem_shared>> -> memref<100352xf32, #tpu.memory_space<vmem_shared>>
      tpu.enqueue_indirect_dma source(%dma_start3A_648 : memref<100352xf32, #tpu.memory_space<vmem_shared>>) target(%dma_start3A_643 : memref<128xf32, #tpu.memory_space<vmem>>) offsets(%dma_start3A_646 : memref<128xi32, #tpu.memory_space<vmem>>) semaphore(%run_scoped3A_640 : memref<!tpu.dma_semaphore, #tpu.memory_space<semaphore_mem>>)
      %dma_wait3A_649 = arith.constant 0 : i32
      %dma_wait3A_650 = tpu.memref_slice %arg12[%run_scoped3A_106, %dma_wait3A_649] : memref<4x128xf32, #tpu.memory_space<vmem>> -> memref<1x128xf32, #tpu.memory_space<vmem>>
      %dma_wait3A_651 = tpu.memref_squeeze %dma_wait3A_650 : memref<1x128xf32, #tpu.memory_space<vmem>> -> memref<128xf32, #tpu.memory_space<vmem>>
      %dma_wait3A_652 = arith.constant 0 : i32
      %dma_wait3A_653 = tpu.memref_slice %arg7[%run_scoped3A_105, %dma_wait3A_652] : memref<4x128xi32, #tpu.memory_space<vmem>> -> memref<1x128xi32, #tpu.memory_space<vmem>>
      %dma_wait3A_654 = tpu.memref_squeeze %dma_wait3A_653 : memref<1x128xi32, #tpu.memory_space<vmem>> -> memref<128xi32, #tpu.memory_space<vmem>>
      %dma_wait3A_655 = arith.constant 0 : i32
      %dma_wait3A_656 = tpu.memref_slice %arg15[%dma_wait3A_655] : memref<100352xf32, #tpu.memory_space<vmem_shared>> -> memref<100352xf32, #tpu.memory_space<vmem_shared>>
      tpu.wait_indirect_dma semaphore(%run_scoped3A_640 : memref<!tpu.dma_semaphore, #tpu.memory_space<semaphore_mem>>) src(%dma_wait3A_656 : memref<100352xf32, #tpu.memory_space<vmem_shared>>) dst(%dma_wait3A_651 : memref<128xf32, #tpu.memory_space<vmem>>)
      tpu.yield
    }) : () -> ()
    %get3A = arith.constant 0 : i32
    %get3A_107 = arith.index_cast %get3A : i32 to index
    %get3A_108 = arith.constant 0 : index
    %get3A_109 = tpu.vector_load %arg12[%get3A_107, %get3A_108] {strides = array<i32>} : memref<4x128xf32, #tpu.memory_space<vmem>>, vector<1x16xf32>,
    %get3A_110 = vector.shape_cast %get3A_109 : vector<1x16xf32> to vector<16xf32>
    %add3A_111 = arith.constant 1.000000e+00 : f32
    %add3A_112 = vector.broadcast %add3A_111 : f32 to vector<16xf32>
    %add3A_113 = arith.addf %get3A_110, %add3A_112 : vector<16xf32>
    %div3A = arith.constant 5.000000e-01 : f32
    %div3A_114 = vector.broadcast %div3A : f32 to vector<16xf32>
    %div3A_115 = arith.divf %div3A_114, %add3A_113 : vector<16xf32>
    %swap3A_116 = arith.constant 0 : index
    %swap3A_117 = tpu.vector_load %arg13[%swap3A_116] {strides = array<i32>} : memref<512xf32, #tpu.memory_space<vmem>>, vector<16xf32>,
    %swap3A_118 = vector.shape_cast %swap3A_117 : vector<16xf32> to vector<16xf32>
    %swap3A_119 = vector.shape_cast %div3A_115 : vector<16xf32> to vector<16xf32>
    tpu.vector_store %arg13[%swap3A_116], %swap3A_119 {strides = array<i32>} : memref<512xf32, #tpu.memory_space<vmem>>, vector<16xf32>,
    %get3A_120 = arith.constant 0 : i32
    %get3A_121 = arith.index_cast %get3A_120 : i32 to index
    %get3A_122 = arith.constant 16 : index
    %get3A_123 = tpu.vector_load %arg12[%get3A_121, %get3A_122] {strides = array<i32>} : memref<4x128xf32, #tpu.memory_space<vmem>>, vector<1x16xf32>,
    %get3A_124 = vector.shape_cast %get3A_123 : vector<1x16xf32> to vector<16xf32>
    %add3A_125 = arith.constant 1.000000e+00 : f32
    %add3A_126 = vector.broadcast %add3A_125 : f32 to vector<16xf32>
    %add3A_127 = arith.addf %get3A_124, %add3A_126 : vector<16xf32>
    %div3A_128 = arith.constant 5.000000e-01 : f32
    %div3A_129 = vector.broadcast %div3A_128 : f32 to vector<16xf32>
    %div3A_130 = arith.divf %div3A_129, %add3A_127 : vector<16xf32>
    %swap3A_131 = arith.constant 16 : index
    %swap3A_132 = tpu.vector_load %arg13[%swap3A_131] {strides = array<i32>} : memref<512xf32, #tpu.memory_space<vmem>>, vector<16xf32>,
    %swap3A_133 = vector.shape_cast %swap3A_132 : vector<16xf32> to vector<16xf32>
    %swap3A_134 = vector.shape_cast %div3A_130 : vector<16xf32> to vector<16xf32>
    tpu.vector_store %arg13[%swap3A_131], %swap3A_134 {strides = array<i32>} : memref<512xf32, #tpu.memory_space<vmem>>, vector<16xf32>,
    %get3A_135 = arith.constant 0 : i32
    %get3A_136 = arith.index_cast %get3A_135 : i32 to index
    %get3A_137 = arith.constant 32 : index
    %get3A_138 = tpu.vector_load %arg12[%get3A_136, %get3A_137] {strides = array<i32>} : memref<4x128xf32, #tpu.memory_space<vmem>>, vector<1x16xf32>,
    %get3A_139 = vector.shape_cast %get3A_138 : vector<1x16xf32> to vector<16xf32>
    %add3A_140 = arith.constant 1.000000e+00 : f32
    %add3A_141 = vector.broadcast %add3A_140 : f32 to vector<16xf32>
    %add3A_142 = arith.addf %get3A_139, %add3A_141 : vector<16xf32>
    %div3A_143 = arith.constant 5.000000e-01 : f32
    %div3A_144 = vector.broadcast %div3A_143 : f32 to vector<16xf32>
    %div3A_145 = arith.divf %div3A_144, %add3A_142 : vector<16xf32>
    %swap3A_146 = arith.constant 32 : index
    %swap3A_147 = tpu.vector_load %arg13[%swap3A_146] {strides = array<i32>} : memref<512xf32, #tpu.memory_space<vmem>>, vector<16xf32>,
    %swap3A_148 = vector.shape_cast %swap3A_147 : vector<16xf32> to vector<16xf32>
    %swap3A_149 = vector.shape_cast %div3A_145 : vector<16xf32> to vector<16xf32>
    tpu.vector_store %arg13[%swap3A_146], %swap3A_149 {strides = array<i32>} : memref<512xf32, #tpu.memory_space<vmem>>, vector<16xf32>,
    %get3A_150 = arith.constant 0 : i32
    %get3A_151 = arith.index_cast %get3A_150 : i32 to index
    %get3A_152 = arith.constant 48 : index
    %get3A_153 = tpu.vector_load %arg12[%get3A_151, %get3A_152] {strides = array<i32>} : memref<4x128xf32, #tpu.memory_space<vmem>>, vector<1x16xf32>,
    %get3A_154 = vector.shape_cast %get3A_153 : vector<1x16xf32> to vector<16xf32>
    %add3A_155 = arith.constant 1.000000e+00 : f32
    %add3A_156 = vector.broadcast %add3A_155 : f32 to vector<16xf32>
    %add3A_157 = arith.addf %get3A_154, %add3A_156 : vector<16xf32>
    %div3A_158 = arith.constant 5.000000e-01 : f32
    %div3A_159 = vector.broadcast %div3A_158 : f32 to vector<16xf32>
    %div3A_160 = arith.divf %div3A_159, %add3A_157 : vector<16xf32>
    %swap3A_161 = arith.constant 48 : index
    %swap3A_162 = tpu.vector_load %arg13[%swap3A_161] {strides = array<i32>} : memref<512xf32, #tpu.memory_space<vmem>>, vector<16xf32>,
    %swap3A_163 = vector.shape_cast %swap3A_162 : vector<16xf32> to vector<16xf32>
    %swap3A_164 = vector.shape_cast %div3A_160 : vector<16xf32> to vector<16xf32>
    tpu.vector_store %arg13[%swap3A_161], %swap3A_164 {strides = array<i32>} : memref<512xf32, #tpu.memory_space<vmem>>, vector<16xf32>,
    %get3A_165 = arith.constant 0 : i32
    %get3A_166 = arith.index_cast %get3A_165 : i32 to index
    %get3A_167 = arith.constant 64 : index
    %get3A_168 = tpu.vector_load %arg12[%get3A_166, %get3A_167] {strides = array<i32>} : memref<4x128xf32, #tpu.memory_space<vmem>>, vector<1x16xf32>,
    %get3A_169 = vector.shape_cast %get3A_168 : vector<1x16xf32> to vector<16xf32>
    %add3A_170 = arith.constant 1.000000e+00 : f32
    %add3A_171 = vector.broadcast %add3A_170 : f32 to vector<16xf32>
    %add3A_172 = arith.addf %get3A_169, %add3A_171 : vector<16xf32>
    %div3A_173 = arith.constant 5.000000e-01 : f32
    %div3A_174 = vector.broadcast %div3A_173 : f32 to vector<16xf32>
    %div3A_175 = arith.divf %div3A_174, %add3A_172 : vector<16xf32>
    %swap3A_176 = arith.constant 64 : index
    %swap3A_177 = tpu.vector_load %arg13[%swap3A_176] {strides = array<i32>} : memref<512xf32, #tpu.memory_space<vmem>>, vector<16xf32>,
    %swap3A_178 = vector.shape_cast %swap3A_177 : vector<16xf32> to vector<16xf32>
    %swap3A_179 = vector.shape_cast %div3A_175 : vector<16xf32> to vector<16xf32>
    tpu.vector_store %arg13[%swap3A_176], %swap3A_179 {strides = array<i32>} : memref<512xf32, #tpu.memory_space<vmem>>, vector<16xf32>,
    %get3A_180 = arith.constant 0 : i32
    %get3A_181 = arith.index_cast %get3A_180 : i32 to index
    %get3A_182 = arith.constant 80 : index
    %get3A_183 = tpu.vector_load %arg12[%get3A_181, %get3A_182] {strides = array<i32>} : memref<4x128xf32, #tpu.memory_space<vmem>>, vector<1x16xf32>,
    %get3A_184 = vector.shape_cast %get3A_183 : vector<1x16xf32> to vector<16xf32>
    %add3A_185 = arith.constant 1.000000e+00 : f32
    %add3A_186 = vector.broadcast %add3A_185 : f32 to vector<16xf32>
    %add3A_187 = arith.addf %get3A_184, %add3A_186 : vector<16xf32>
    %div3A_188 = arith.constant 5.000000e-01 : f32
    %div3A_189 = vector.broadcast %div3A_188 : f32 to vector<16xf32>
    %div3A_190 = arith.divf %div3A_189, %add3A_187 : vector<16xf32>
    %swap3A_191 = arith.constant 80 : index
    %swap3A_192 = tpu.vector_load %arg13[%swap3A_191] {strides = array<i32>} : memref<512xf32, #tpu.memory_space<vmem>>, vector<16xf32>,
    %swap3A_193 = vector.shape_cast %swap3A_192 : vector<16xf32> to vector<16xf32>
    %swap3A_194 = vector.shape_cast %div3A_190 : vector<16xf32> to vector<16xf32>
    tpu.vector_store %arg13[%swap3A_191], %swap3A_194 {strides = array<i32>} : memref<512xf32, #tpu.memory_space<vmem>>, vector<16xf32>,
    %get3A_195 = arith.constant 0 : i32
    %get3A_196 = arith.index_cast %get3A_195 : i32 to index
    %get3A_197 = arith.constant 96 : index
    %get3A_198 = tpu.vector_load %arg12[%get3A_196, %get3A_197] {strides = array<i32>} : memref<4x128xf32, #tpu.memory_space<vmem>>, vector<1x16xf32>,
    %get3A_199 = vector.shape_cast %get3A_198 : vector<1x16xf32> to vector<16xf32>
    %add3A_200 = arith.constant 1.000000e+00 : f32
    %add3A_201 = vector.broadcast %add3A_200 : f32 to vector<16xf32>
    %add3A_202 = arith.addf %get3A_199, %add3A_201 : vector<16xf32>
    %div3A_203 = arith.constant 5.000000e-01 : f32
    %div3A_204 = vector.broadcast %div3A_203 : f32 to vector<16xf32>
    %div3A_205 = arith.divf %div3A_204, %add3A_202 : vector<16xf32>
    %swap3A_206 = arith.constant 96 : index
    %swap3A_207 = tpu.vector_load %arg13[%swap3A_206] {strides = array<i32>} : memref<512xf32, #tpu.memory_space<vmem>>, vector<16xf32>,
    %swap3A_208 = vector.shape_cast %swap3A_207 : vector<16xf32> to vector<16xf32>
    %swap3A_209 = vector.shape_cast %div3A_205 : vector<16xf32> to vector<16xf32>
    tpu.vector_store %arg13[%swap3A_206], %swap3A_209 {strides = array<i32>} : memref<512xf32, #tpu.memory_space<vmem>>, vector<16xf32>,
    %get3A_210 = arith.constant 0 : i32
    %get3A_211 = arith.index_cast %get3A_210 : i32 to index
    %get3A_212 = arith.constant 112 : index
    %get3A_213 = tpu.vector_load %arg12[%get3A_211, %get3A_212] {strides = array<i32>} : memref<4x128xf32, #tpu.memory_space<vmem>>, vector<1x16xf32>,
    %get3A_214 = vector.shape_cast %get3A_213 : vector<1x16xf32> to vector<16xf32>
    %add3A_215 = arith.constant 1.000000e+00 : f32
    %add3A_216 = vector.broadcast %add3A_215 : f32 to vector<16xf32>
    %add3A_217 = arith.addf %get3A_214, %add3A_216 : vector<16xf32>
    %div3A_218 = arith.constant 5.000000e-01 : f32
    %div3A_219 = vector.broadcast %div3A_218 : f32 to vector<16xf32>
    %div3A_220 = arith.divf %div3A_219, %add3A_217 : vector<16xf32>
    %swap3A_221 = arith.constant 112 : index
    %swap3A_222 = tpu.vector_load %arg13[%swap3A_221] {strides = array<i32>} : memref<512xf32, #tpu.memory_space<vmem>>, vector<16xf32>,
    %swap3A_223 = vector.shape_cast %swap3A_222 : vector<16xf32> to vector<16xf32>
    %swap3A_224 = vector.shape_cast %div3A_220 : vector<16xf32> to vector<16xf32>
    tpu.vector_store %arg13[%swap3A_221], %swap3A_224 {strides = array<i32>} : memref<512xf32, #tpu.memory_space<vmem>>, vector<16xf32>,
    %get3A_225 = arith.constant 1 : i32
    %get3A_226 = arith.index_cast %get3A_225 : i32 to index
    %get3A_227 = arith.constant 0 : index
    %get3A_228 = tpu.vector_load %arg12[%get3A_226, %get3A_227] {strides = array<i32>} : memref<4x128xf32, #tpu.memory_space<vmem>>, vector<1x16xf32>,
    %get3A_229 = vector.shape_cast %get3A_228 : vector<1x16xf32> to vector<16xf32>
    %add3A_230 = arith.constant 1.000000e+00 : f32
    %add3A_231 = vector.broadcast %add3A_230 : f32 to vector<16xf32>
    %add3A_232 = arith.addf %get3A_229, %add3A_231 : vector<16xf32>
    %div3A_233 = arith.constant 5.000000e-01 : f32
    %div3A_234 = vector.broadcast %div3A_233 : f32 to vector<16xf32>
    %div3A_235 = arith.divf %div3A_234, %add3A_232 : vector<16xf32>
    %swap3A_236 = arith.constant 128 : index
    %swap3A_237 = tpu.vector_load %arg13[%swap3A_236] {strides = array<i32>} : memref<512xf32, #tpu.memory_space<vmem>>, vector<16xf32>,
    %swap3A_238 = vector.shape_cast %swap3A_237 : vector<16xf32> to vector<16xf32>
    %swap3A_239 = vector.shape_cast %div3A_235 : vector<16xf32> to vector<16xf32>
    tpu.vector_store %arg13[%swap3A_236], %swap3A_239 {strides = array<i32>} : memref<512xf32, #tpu.memory_space<vmem>>, vector<16xf32>,
    %get3A_240 = arith.constant 1 : i32
    %get3A_241 = arith.index_cast %get3A_240 : i32 to index
    %get3A_242 = arith.constant 16 : index
    %get3A_243 = tpu.vector_load %arg12[%get3A_241, %get3A_242] {strides = array<i32>} : memref<4x128xf32, #tpu.memory_space<vmem>>, vector<1x16xf32>,
    %get3A_244 = vector.shape_cast %get3A_243 : vector<1x16xf32> to vector<16xf32>
    %add3A_245 = arith.constant 1.000000e+00 : f32
    %add3A_246 = vector.broadcast %add3A_245 : f32 to vector<16xf32>
    %add3A_247 = arith.addf %get3A_244, %add3A_246 : vector<16xf32>
    %div3A_248 = arith.constant 5.000000e-01 : f32
    %div3A_249 = vector.broadcast %div3A_248 : f32 to vector<16xf32>
    %div3A_250 = arith.divf %div3A_249, %add3A_247 : vector<16xf32>
    %swap3A_251 = arith.constant 144 : index
    %swap3A_252 = tpu.vector_load %arg13[%swap3A_251] {strides = array<i32>} : memref<512xf32, #tpu.memory_space<vmem>>, vector<16xf32>,
    %swap3A_253 = vector.shape_cast %swap3A_252 : vector<16xf32> to vector<16xf32>
    %swap3A_254 = vector.shape_cast %div3A_250 : vector<16xf32> to vector<16xf32>
    tpu.vector_store %arg13[%swap3A_251], %swap3A_254 {strides = array<i32>} : memref<512xf32, #tpu.memory_space<vmem>>, vector<16xf32>,
    %get3A_255 = arith.constant 1 : i32
    %get3A_256 = arith.index_cast %get3A_255 : i32 to index
    %get3A_257 = arith.constant 32 : index
    %get3A_258 = tpu.vector_load %arg12[%get3A_256, %get3A_257] {strides = array<i32>} : memref<4x128xf32, #tpu.memory_space<vmem>>, vector<1x16xf32>,
    %get3A_259 = vector.shape_cast %get3A_258 : vector<1x16xf32> to vector<16xf32>
    %add3A_260 = arith.constant 1.000000e+00 : f32
    %add3A_261 = vector.broadcast %add3A_260 : f32 to vector<16xf32>
    %add3A_262 = arith.addf %get3A_259, %add3A_261 : vector<16xf32>
    %div3A_263 = arith.constant 5.000000e-01 : f32
    %div3A_264 = vector.broadcast %div3A_263 : f32 to vector<16xf32>
    %div3A_265 = arith.divf %div3A_264, %add3A_262 : vector<16xf32>
    %swap3A_266 = arith.constant 160 : index
    %swap3A_267 = tpu.vector_load %arg13[%swap3A_266] {strides = array<i32>} : memref<512xf32, #tpu.memory_space<vmem>>, vector<16xf32>,
    %swap3A_268 = vector.shape_cast %swap3A_267 : vector<16xf32> to vector<16xf32>
    %swap3A_269 = vector.shape_cast %div3A_265 : vector<16xf32> to vector<16xf32>
    tpu.vector_store %arg13[%swap3A_266], %swap3A_269 {strides = array<i32>} : memref<512xf32, #tpu.memory_space<vmem>>, vector<16xf32>,
    %get3A_270 = arith.constant 1 : i32
    %get3A_271 = arith.index_cast %get3A_270 : i32 to index
    %get3A_272 = arith.constant 48 : index
    %get3A_273 = tpu.vector_load %arg12[%get3A_271, %get3A_272] {strides = array<i32>} : memref<4x128xf32, #tpu.memory_space<vmem>>, vector<1x16xf32>,
    %get3A_274 = vector.shape_cast %get3A_273 : vector<1x16xf32> to vector<16xf32>
    %add3A_275 = arith.constant 1.000000e+00 : f32
    %add3A_276 = vector.broadcast %add3A_275 : f32 to vector<16xf32>
    %add3A_277 = arith.addf %get3A_274, %add3A_276 : vector<16xf32>
    %div3A_278 = arith.constant 5.000000e-01 : f32
    %div3A_279 = vector.broadcast %div3A_278 : f32 to vector<16xf32>
    %div3A_280 = arith.divf %div3A_279, %add3A_277 : vector<16xf32>
    %swap3A_281 = arith.constant 176 : index
    %swap3A_282 = tpu.vector_load %arg13[%swap3A_281] {strides = array<i32>} : memref<512xf32, #tpu.memory_space<vmem>>, vector<16xf32>,
    %swap3A_283 = vector.shape_cast %swap3A_282 : vector<16xf32> to vector<16xf32>
    %swap3A_284 = vector.shape_cast %div3A_280 : vector<16xf32> to vector<16xf32>
    tpu.vector_store %arg13[%swap3A_281], %swap3A_284 {strides = array<i32>} : memref<512xf32, #tpu.memory_space<vmem>>, vector<16xf32>,
    %get3A_285 = arith.constant 1 : i32
    %get3A_286 = arith.index_cast %get3A_285 : i32 to index
    %get3A_287 = arith.constant 64 : index
    %get3A_288 = tpu.vector_load %arg12[%get3A_286, %get3A_287] {strides = array<i32>} : memref<4x128xf32, #tpu.memory_space<vmem>>, vector<1x16xf32>,
    %get3A_289 = vector.shape_cast %get3A_288 : vector<1x16xf32> to vector<16xf32>
    %add3A_290 = arith.constant 1.000000e+00 : f32
    %add3A_291 = vector.broadcast %add3A_290 : f32 to vector<16xf32>
    %add3A_292 = arith.addf %get3A_289, %add3A_291 : vector<16xf32>
    %div3A_293 = arith.constant 5.000000e-01 : f32
    %div3A_294 = vector.broadcast %div3A_293 : f32 to vector<16xf32>
    %div3A_295 = arith.divf %div3A_294, %add3A_292 : vector<16xf32>
    %swap3A_296 = arith.constant 192 : index
    %swap3A_297 = tpu.vector_load %arg13[%swap3A_296] {strides = array<i32>} : memref<512xf32, #tpu.memory_space<vmem>>, vector<16xf32>,
    %swap3A_298 = vector.shape_cast %swap3A_297 : vector<16xf32> to vector<16xf32>
    %swap3A_299 = vector.shape_cast %div3A_295 : vector<16xf32> to vector<16xf32>
    tpu.vector_store %arg13[%swap3A_296], %swap3A_299 {strides = array<i32>} : memref<512xf32, #tpu.memory_space<vmem>>, vector<16xf32>,
    %get3A_300 = arith.constant 1 : i32
    %get3A_301 = arith.index_cast %get3A_300 : i32 to index
    %get3A_302 = arith.constant 80 : index
    %get3A_303 = tpu.vector_load %arg12[%get3A_301, %get3A_302] {strides = array<i32>} : memref<4x128xf32, #tpu.memory_space<vmem>>, vector<1x16xf32>,
    %get3A_304 = vector.shape_cast %get3A_303 : vector<1x16xf32> to vector<16xf32>
    %add3A_305 = arith.constant 1.000000e+00 : f32
    %add3A_306 = vector.broadcast %add3A_305 : f32 to vector<16xf32>
    %add3A_307 = arith.addf %get3A_304, %add3A_306 : vector<16xf32>
    %div3A_308 = arith.constant 5.000000e-01 : f32
    %div3A_309 = vector.broadcast %div3A_308 : f32 to vector<16xf32>
    %div3A_310 = arith.divf %div3A_309, %add3A_307 : vector<16xf32>
    %swap3A_311 = arith.constant 208 : index
    %swap3A_312 = tpu.vector_load %arg13[%swap3A_311] {strides = array<i32>} : memref<512xf32, #tpu.memory_space<vmem>>, vector<16xf32>,
    %swap3A_313 = vector.shape_cast %swap3A_312 : vector<16xf32> to vector<16xf32>
    %swap3A_314 = vector.shape_cast %div3A_310 : vector<16xf32> to vector<16xf32>
    tpu.vector_store %arg13[%swap3A_311], %swap3A_314 {strides = array<i32>} : memref<512xf32, #tpu.memory_space<vmem>>, vector<16xf32>,
    %get3A_315 = arith.constant 1 : i32
    %get3A_316 = arith.index_cast %get3A_315 : i32 to index
    %get3A_317 = arith.constant 96 : index
    %get3A_318 = tpu.vector_load %arg12[%get3A_316, %get3A_317] {strides = array<i32>} : memref<4x128xf32, #tpu.memory_space<vmem>>, vector<1x16xf32>,
    %get3A_319 = vector.shape_cast %get3A_318 : vector<1x16xf32> to vector<16xf32>
    %add3A_320 = arith.constant 1.000000e+00 : f32
    %add3A_321 = vector.broadcast %add3A_320 : f32 to vector<16xf32>
    %add3A_322 = arith.addf %get3A_319, %add3A_321 : vector<16xf32>
    %div3A_323 = arith.constant 5.000000e-01 : f32
    %div3A_324 = vector.broadcast %div3A_323 : f32 to vector<16xf32>
    %div3A_325 = arith.divf %div3A_324, %add3A_322 : vector<16xf32>
    %swap3A_326 = arith.constant 224 : index
    %swap3A_327 = tpu.vector_load %arg13[%swap3A_326] {strides = array<i32>} : memref<512xf32, #tpu.memory_space<vmem>>, vector<16xf32>,
    %swap3A_328 = vector.shape_cast %swap3A_327 : vector<16xf32> to vector<16xf32>
    %swap3A_329 = vector.shape_cast %div3A_325 : vector<16xf32> to vector<16xf32>
    tpu.vector_store %arg13[%swap3A_326], %swap3A_329 {strides = array<i32>} : memref<512xf32, #tpu.memory_space<vmem>>, vector<16xf32>,
    %get3A_330 = arith.constant 1 : i32
    %get3A_331 = arith.index_cast %get3A_330 : i32 to index
    %get3A_332 = arith.constant 112 : index
    %get3A_333 = tpu.vector_load %arg12[%get3A_331, %get3A_332] {strides = array<i32>} : memref<4x128xf32, #tpu.memory_space<vmem>>, vector<1x16xf32>,
    %get3A_334 = vector.shape_cast %get3A_333 : vector<1x16xf32> to vector<16xf32>
    %add3A_335 = arith.constant 1.000000e+00 : f32
    %add3A_336 = vector.broadcast %add3A_335 : f32 to vector<16xf32>
    %add3A_337 = arith.addf %get3A_334, %add3A_336 : vector<16xf32>
    %div3A_338 = arith.constant 5.000000e-01 : f32
    %div3A_339 = vector.broadcast %div3A_338 : f32 to vector<16xf32>
    %div3A_340 = arith.divf %div3A_339, %add3A_337 : vector<16xf32>
    %swap3A_341 = arith.constant 240 : index
    %swap3A_342 = tpu.vector_load %arg13[%swap3A_341] {strides = array<i32>} : memref<512xf32, #tpu.memory_space<vmem>>, vector<16xf32>,
    %swap3A_343 = vector.shape_cast %swap3A_342 : vector<16xf32> to vector<16xf32>
    %swap3A_344 = vector.shape_cast %div3A_340 : vector<16xf32> to vector<16xf32>
    tpu.vector_store %arg13[%swap3A_341], %swap3A_344 {strides = array<i32>} : memref<512xf32, #tpu.memory_space<vmem>>, vector<16xf32>,
    %get3A_345 = arith.constant 2 : i32
    %get3A_346 = arith.index_cast %get3A_345 : i32 to index
    %get3A_347 = arith.constant 0 : index
    %get3A_348 = tpu.vector_load %arg12[%get3A_346, %get3A_347] {strides = array<i32>} : memref<4x128xf32, #tpu.memory_space<vmem>>, vector<1x16xf32>,
    %get3A_349 = vector.shape_cast %get3A_348 : vector<1x16xf32> to vector<16xf32>
    %add3A_350 = arith.constant 1.000000e+00 : f32
    %add3A_351 = vector.broadcast %add3A_350 : f32 to vector<16xf32>
    %add3A_352 = arith.addf %get3A_349, %add3A_351 : vector<16xf32>
    %div3A_353 = arith.constant 5.000000e-01 : f32
    %div3A_354 = vector.broadcast %div3A_353 : f32 to vector<16xf32>
    %div3A_355 = arith.divf %div3A_354, %add3A_352 : vector<16xf32>
    %swap3A_356 = arith.constant 256 : index
    %swap3A_357 = tpu.vector_load %arg13[%swap3A_356] {strides = array<i32>} : memref<512xf32, #tpu.memory_space<vmem>>, vector<16xf32>,
    %swap3A_358 = vector.shape_cast %swap3A_357 : vector<16xf32> to vector<16xf32>
    %swap3A_359 = vector.shape_cast %div3A_355 : vector<16xf32> to vector<16xf32>
    tpu.vector_store %arg13[%swap3A_356], %swap3A_359 {strides = array<i32>} : memref<512xf32, #tpu.memory_space<vmem>>, vector<16xf32>,
    %get3A_360 = arith.constant 2 : i32
    %get3A_361 = arith.index_cast %get3A_360 : i32 to index
    %get3A_362 = arith.constant 16 : index
    %get3A_363 = tpu.vector_load %arg12[%get3A_361, %get3A_362] {strides = array<i32>} : memref<4x128xf32, #tpu.memory_space<vmem>>, vector<1x16xf32>,
    %get3A_364 = vector.shape_cast %get3A_363 : vector<1x16xf32> to vector<16xf32>
    %add3A_365 = arith.constant 1.000000e+00 : f32
    %add3A_366 = vector.broadcast %add3A_365 : f32 to vector<16xf32>
    %add3A_367 = arith.addf %get3A_364, %add3A_366 : vector<16xf32>
    %div3A_368 = arith.constant 5.000000e-01 : f32
    %div3A_369 = vector.broadcast %div3A_368 : f32 to vector<16xf32>
    %div3A_370 = arith.divf %div3A_369, %add3A_367 : vector<16xf32>
    %swap3A_371 = arith.constant 272 : index
    %swap3A_372 = tpu.vector_load %arg13[%swap3A_371] {strides = array<i32>} : memref<512xf32, #tpu.memory_space<vmem>>, vector<16xf32>,
    %swap3A_373 = vector.shape_cast %swap3A_372 : vector<16xf32> to vector<16xf32>
    %swap3A_374 = vector.shape_cast %div3A_370 : vector<16xf32> to vector<16xf32>
    tpu.vector_store %arg13[%swap3A_371], %swap3A_374 {strides = array<i32>} : memref<512xf32, #tpu.memory_space<vmem>>, vector<16xf32>,
    %get3A_375 = arith.constant 2 : i32
    %get3A_376 = arith.index_cast %get3A_375 : i32 to index
    %get3A_377 = arith.constant 32 : index
    %get3A_378 = tpu.vector_load %arg12[%get3A_376, %get3A_377] {strides = array<i32>} : memref<4x128xf32, #tpu.memory_space<vmem>>, vector<1x16xf32>,
    %get3A_379 = vector.shape_cast %get3A_378 : vector<1x16xf32> to vector<16xf32>
    %add3A_380 = arith.constant 1.000000e+00 : f32
    %add3A_381 = vector.broadcast %add3A_380 : f32 to vector<16xf32>
    %add3A_382 = arith.addf %get3A_379, %add3A_381 : vector<16xf32>
    %div3A_383 = arith.constant 5.000000e-01 : f32
    %div3A_384 = vector.broadcast %div3A_383 : f32 to vector<16xf32>
    %div3A_385 = arith.divf %div3A_384, %add3A_382 : vector<16xf32>
    %swap3A_386 = arith.constant 288 : index
    %swap3A_387 = tpu.vector_load %arg13[%swap3A_386] {strides = array<i32>} : memref<512xf32, #tpu.memory_space<vmem>>, vector<16xf32>,
    %swap3A_388 = vector.shape_cast %swap3A_387 : vector<16xf32> to vector<16xf32>
    %swap3A_389 = vector.shape_cast %div3A_385 : vector<16xf32> to vector<16xf32>
    tpu.vector_store %arg13[%swap3A_386], %swap3A_389 {strides = array<i32>} : memref<512xf32, #tpu.memory_space<vmem>>, vector<16xf32>,
    %get3A_390 = arith.constant 2 : i32
    %get3A_391 = arith.index_cast %get3A_390 : i32 to index
    %get3A_392 = arith.constant 48 : index
    %get3A_393 = tpu.vector_load %arg12[%get3A_391, %get3A_392] {strides = array<i32>} : memref<4x128xf32, #tpu.memory_space<vmem>>, vector<1x16xf32>,
    %get3A_394 = vector.shape_cast %get3A_393 : vector<1x16xf32> to vector<16xf32>
    %add3A_395 = arith.constant 1.000000e+00 : f32
    %add3A_396 = vector.broadcast %add3A_395 : f32 to vector<16xf32>
    %add3A_397 = arith.addf %get3A_394, %add3A_396 : vector<16xf32>
    %div3A_398 = arith.constant 5.000000e-01 : f32
    %div3A_399 = vector.broadcast %div3A_398 : f32 to vector<16xf32>
    %div3A_400 = arith.divf %div3A_399, %add3A_397 : vector<16xf32>
    %swap3A_401 = arith.constant 304 : index
    %swap3A_402 = tpu.vector_load %arg13[%swap3A_401] {strides = array<i32>} : memref<512xf32, #tpu.memory_space<vmem>>, vector<16xf32>,
    %swap3A_403 = vector.shape_cast %swap3A_402 : vector<16xf32> to vector<16xf32>
    %swap3A_404 = vector.shape_cast %div3A_400 : vector<16xf32> to vector<16xf32>
    tpu.vector_store %arg13[%swap3A_401], %swap3A_404 {strides = array<i32>} : memref<512xf32, #tpu.memory_space<vmem>>, vector<16xf32>,
    %get3A_405 = arith.constant 2 : i32
    %get3A_406 = arith.index_cast %get3A_405 : i32 to index
    %get3A_407 = arith.constant 64 : index
    %get3A_408 = tpu.vector_load %arg12[%get3A_406, %get3A_407] {strides = array<i32>} : memref<4x128xf32, #tpu.memory_space<vmem>>, vector<1x16xf32>,
    %get3A_409 = vector.shape_cast %get3A_408 : vector<1x16xf32> to vector<16xf32>
    %add3A_410 = arith.constant 1.000000e+00 : f32
    %add3A_411 = vector.broadcast %add3A_410 : f32 to vector<16xf32>
    %add3A_412 = arith.addf %get3A_409, %add3A_411 : vector<16xf32>
    %div3A_413 = arith.constant 5.000000e-01 : f32
    %div3A_414 = vector.broadcast %div3A_413 : f32 to vector<16xf32>
    %div3A_415 = arith.divf %div3A_414, %add3A_412 : vector<16xf32>
    %swap3A_416 = arith.constant 320 : index
    %swap3A_417 = tpu.vector_load %arg13[%swap3A_416] {strides = array<i32>} : memref<512xf32, #tpu.memory_space<vmem>>, vector<16xf32>,
    %swap3A_418 = vector.shape_cast %swap3A_417 : vector<16xf32> to vector<16xf32>
    %swap3A_419 = vector.shape_cast %div3A_415 : vector<16xf32> to vector<16xf32>
    tpu.vector_store %arg13[%swap3A_416], %swap3A_419 {strides = array<i32>} : memref<512xf32, #tpu.memory_space<vmem>>, vector<16xf32>,
    %get3A_420 = arith.constant 2 : i32
    %get3A_421 = arith.index_cast %get3A_420 : i32 to index
    %get3A_422 = arith.constant 80 : index
    %get3A_423 = tpu.vector_load %arg12[%get3A_421, %get3A_422] {strides = array<i32>} : memref<4x128xf32, #tpu.memory_space<vmem>>, vector<1x16xf32>,
    %get3A_424 = vector.shape_cast %get3A_423 : vector<1x16xf32> to vector<16xf32>
    %add3A_425 = arith.constant 1.000000e+00 : f32
    %add3A_426 = vector.broadcast %add3A_425 : f32 to vector<16xf32>
    %add3A_427 = arith.addf %get3A_424, %add3A_426 : vector<16xf32>
    %div3A_428 = arith.constant 5.000000e-01 : f32
    %div3A_429 = vector.broadcast %div3A_428 : f32 to vector<16xf32>
    %div3A_430 = arith.divf %div3A_429, %add3A_427 : vector<16xf32>
    %swap3A_431 = arith.constant 336 : index
    %swap3A_432 = tpu.vector_load %arg13[%swap3A_431] {strides = array<i32>} : memref<512xf32, #tpu.memory_space<vmem>>, vector<16xf32>,
    %swap3A_433 = vector.shape_cast %swap3A_432 : vector<16xf32> to vector<16xf32>
    %swap3A_434 = vector.shape_cast %div3A_430 : vector<16xf32> to vector<16xf32>
    tpu.vector_store %arg13[%swap3A_431], %swap3A_434 {strides = array<i32>} : memref<512xf32, #tpu.memory_space<vmem>>, vector<16xf32>,
    %get3A_435 = arith.constant 2 : i32
    %get3A_436 = arith.index_cast %get3A_435 : i32 to index
    %get3A_437 = arith.constant 96 : index
    %get3A_438 = tpu.vector_load %arg12[%get3A_436, %get3A_437] {strides = array<i32>} : memref<4x128xf32, #tpu.memory_space<vmem>>, vector<1x16xf32>,
    %get3A_439 = vector.shape_cast %get3A_438 : vector<1x16xf32> to vector<16xf32>
    %add3A_440 = arith.constant 1.000000e+00 : f32
    %add3A_441 = vector.broadcast %add3A_440 : f32 to vector<16xf32>
    %add3A_442 = arith.addf %get3A_439, %add3A_441 : vector<16xf32>
    %div3A_443 = arith.constant 5.000000e-01 : f32
    %div3A_444 = vector.broadcast %div3A_443 : f32 to vector<16xf32>
    %div3A_445 = arith.divf %div3A_444, %add3A_442 : vector<16xf32>
    %swap3A_446 = arith.constant 352 : index
    %swap3A_447 = tpu.vector_load %arg13[%swap3A_446] {strides = array<i32>} : memref<512xf32, #tpu.memory_space<vmem>>, vector<16xf32>,
    %swap3A_448 = vector.shape_cast %swap3A_447 : vector<16xf32> to vector<16xf32>
    %swap3A_449 = vector.shape_cast %div3A_445 : vector<16xf32> to vector<16xf32>
    tpu.vector_store %arg13[%swap3A_446], %swap3A_449 {strides = array<i32>} : memref<512xf32, #tpu.memory_space<vmem>>, vector<16xf32>,
    %get3A_450 = arith.constant 2 : i32
    %get3A_451 = arith.index_cast %get3A_450 : i32 to index
    %get3A_452 = arith.constant 112 : index
    %get3A_453 = tpu.vector_load %arg12[%get3A_451, %get3A_452] {strides = array<i32>} : memref<4x128xf32, #tpu.memory_space<vmem>>, vector<1x16xf32>,
    %get3A_454 = vector.shape_cast %get3A_453 : vector<1x16xf32> to vector<16xf32>
    %add3A_455 = arith.constant 1.000000e+00 : f32
    %add3A_456 = vector.broadcast %add3A_455 : f32 to vector<16xf32>
    %add3A_457 = arith.addf %get3A_454, %add3A_456 : vector<16xf32>
    %div3A_458 = arith.constant 5.000000e-01 : f32
    %div3A_459 = vector.broadcast %div3A_458 : f32 to vector<16xf32>
    %div3A_460 = arith.divf %div3A_459, %add3A_457 : vector<16xf32>
    %swap3A_461 = arith.constant 368 : index
    %swap3A_462 = tpu.vector_load %arg13[%swap3A_461] {strides = array<i32>} : memref<512xf32, #tpu.memory_space<vmem>>, vector<16xf32>,
    %swap3A_463 = vector.shape_cast %swap3A_462 : vector<16xf32> to vector<16xf32>
    %swap3A_464 = vector.shape_cast %div3A_460 : vector<16xf32> to vector<16xf32>
    tpu.vector_store %arg13[%swap3A_461], %swap3A_464 {strides = array<i32>} : memref<512xf32, #tpu.memory_space<vmem>>, vector<16xf32>,
    %get3A_465 = arith.constant 3 : i32
    %get3A_466 = arith.index_cast %get3A_465 : i32 to index
    %get3A_467 = arith.constant 0 : index
    %get3A_468 = tpu.vector_load %arg12[%get3A_466, %get3A_467] {strides = array<i32>} : memref<4x128xf32, #tpu.memory_space<vmem>>, vector<1x16xf32>,
    %get3A_469 = vector.shape_cast %get3A_468 : vector<1x16xf32> to vector<16xf32>
    %add3A_470 = arith.constant 1.000000e+00 : f32
    %add3A_471 = vector.broadcast %add3A_470 : f32 to vector<16xf32>
    %add3A_472 = arith.addf %get3A_469, %add3A_471 : vector<16xf32>
    %div3A_473 = arith.constant 5.000000e-01 : f32
    %div3A_474 = vector.broadcast %div3A_473 : f32 to vector<16xf32>
    %div3A_475 = arith.divf %div3A_474, %add3A_472 : vector<16xf32>
    %swap3A_476 = arith.constant 384 : index
    %swap3A_477 = tpu.vector_load %arg13[%swap3A_476] {strides = array<i32>} : memref<512xf32, #tpu.memory_space<vmem>>, vector<16xf32>,
    %swap3A_478 = vector.shape_cast %swap3A_477 : vector<16xf32> to vector<16xf32>
    %swap3A_479 = vector.shape_cast %div3A_475 : vector<16xf32> to vector<16xf32>
    tpu.vector_store %arg13[%swap3A_476], %swap3A_479 {strides = array<i32>} : memref<512xf32, #tpu.memory_space<vmem>>, vector<16xf32>,
    %get3A_480 = arith.constant 3 : i32
    %get3A_481 = arith.index_cast %get3A_480 : i32 to index
    %get3A_482 = arith.constant 16 : index
    %get3A_483 = tpu.vector_load %arg12[%get3A_481, %get3A_482] {strides = array<i32>} : memref<4x128xf32, #tpu.memory_space<vmem>>, vector<1x16xf32>,
    %get3A_484 = vector.shape_cast %get3A_483 : vector<1x16xf32> to vector<16xf32>
    %add3A_485 = arith.constant 1.000000e+00 : f32
    %add3A_486 = vector.broadcast %add3A_485 : f32 to vector<16xf32>
    %add3A_487 = arith.addf %get3A_484, %add3A_486 : vector<16xf32>
    %div3A_488 = arith.constant 5.000000e-01 : f32
    %div3A_489 = vector.broadcast %div3A_488 : f32 to vector<16xf32>
    %div3A_490 = arith.divf %div3A_489, %add3A_487 : vector<16xf32>
    %swap3A_491 = arith.constant 400 : index
    %swap3A_492 = tpu.vector_load %arg13[%swap3A_491] {strides = array<i32>} : memref<512xf32, #tpu.memory_space<vmem>>, vector<16xf32>,
    %swap3A_493 = vector.shape_cast %swap3A_492 : vector<16xf32> to vector<16xf32>
    %swap3A_494 = vector.shape_cast %div3A_490 : vector<16xf32> to vector<16xf32>
    tpu.vector_store %arg13[%swap3A_491], %swap3A_494 {strides = array<i32>} : memref<512xf32, #tpu.memory_space<vmem>>, vector<16xf32>,
    %get3A_495 = arith.constant 3 : i32
    %get3A_496 = arith.index_cast %get3A_495 : i32 to index
    %get3A_497 = arith.constant 32 : index
    %get3A_498 = tpu.vector_load %arg12[%get3A_496, %get3A_497] {strides = array<i32>} : memref<4x128xf32, #tpu.memory_space<vmem>>, vector<1x16xf32>,
    %get3A_499 = vector.shape_cast %get3A_498 : vector<1x16xf32> to vector<16xf32>
    %add3A_500 = arith.constant 1.000000e+00 : f32
    %add3A_501 = vector.broadcast %add3A_500 : f32 to vector<16xf32>
    %add3A_502 = arith.addf %get3A_499, %add3A_501 : vector<16xf32>
    %div3A_503 = arith.constant 5.000000e-01 : f32
    %div3A_504 = vector.broadcast %div3A_503 : f32 to vector<16xf32>
    %div3A_505 = arith.divf %div3A_504, %add3A_502 : vector<16xf32>
    %swap3A_506 = arith.constant 416 : index
    %swap3A_507 = tpu.vector_load %arg13[%swap3A_506] {strides = array<i32>} : memref<512xf32, #tpu.memory_space<vmem>>, vector<16xf32>,
    %swap3A_508 = vector.shape_cast %swap3A_507 : vector<16xf32> to vector<16xf32>
    %swap3A_509 = vector.shape_cast %div3A_505 : vector<16xf32> to vector<16xf32>
    tpu.vector_store %arg13[%swap3A_506], %swap3A_509 {strides = array<i32>} : memref<512xf32, #tpu.memory_space<vmem>>, vector<16xf32>,
    %get3A_510 = arith.constant 3 : i32
    %get3A_511 = arith.index_cast %get3A_510 : i32 to index
    %get3A_512 = arith.constant 48 : index
    %get3A_513 = tpu.vector_load %arg12[%get3A_511, %get3A_512] {strides = array<i32>} : memref<4x128xf32, #tpu.memory_space<vmem>>, vector<1x16xf32>,
    %get3A_514 = vector.shape_cast %get3A_513 : vector<1x16xf32> to vector<16xf32>
    %add3A_515 = arith.constant 1.000000e+00 : f32
    %add3A_516 = vector.broadcast %add3A_515 : f32 to vector<16xf32>
    %add3A_517 = arith.addf %get3A_514, %add3A_516 : vector<16xf32>
    %div3A_518 = arith.constant 5.000000e-01 : f32
    %div3A_519 = vector.broadcast %div3A_518 : f32 to vector<16xf32>
    %div3A_520 = arith.divf %div3A_519, %add3A_517 : vector<16xf32>
    %swap3A_521 = arith.constant 432 : index
    %swap3A_522 = tpu.vector_load %arg13[%swap3A_521] {strides = array<i32>} : memref<512xf32, #tpu.memory_space<vmem>>, vector<16xf32>,
    %swap3A_523 = vector.shape_cast %swap3A_522 : vector<16xf32> to vector<16xf32>
    %swap3A_524 = vector.shape_cast %div3A_520 : vector<16xf32> to vector<16xf32>
    tpu.vector_store %arg13[%swap3A_521], %swap3A_524 {strides = array<i32>} : memref<512xf32, #tpu.memory_space<vmem>>, vector<16xf32>,
    %get3A_525 = arith.constant 3 : i32
    %get3A_526 = arith.index_cast %get3A_525 : i32 to index
    %get3A_527 = arith.constant 64 : index
    %get3A_528 = tpu.vector_load %arg12[%get3A_526, %get3A_527] {strides = array<i32>} : memref<4x128xf32, #tpu.memory_space<vmem>>, vector<1x16xf32>,
    %get3A_529 = vector.shape_cast %get3A_528 : vector<1x16xf32> to vector<16xf32>
    %add3A_530 = arith.constant 1.000000e+00 : f32
    %add3A_531 = vector.broadcast %add3A_530 : f32 to vector<16xf32>
    %add3A_532 = arith.addf %get3A_529, %add3A_531 : vector<16xf32>
    %div3A_533 = arith.constant 5.000000e-01 : f32
    %div3A_534 = vector.broadcast %div3A_533 : f32 to vector<16xf32>
    %div3A_535 = arith.divf %div3A_534, %add3A_532 : vector<16xf32>
    %swap3A_536 = arith.constant 448 : index
    %swap3A_537 = tpu.vector_load %arg13[%swap3A_536] {strides = array<i32>} : memref<512xf32, #tpu.memory_space<vmem>>, vector<16xf32>,
    %swap3A_538 = vector.shape_cast %swap3A_537 : vector<16xf32> to vector<16xf32>
    %swap3A_539 = vector.shape_cast %div3A_535 : vector<16xf32> to vector<16xf32>
    tpu.vector_store %arg13[%swap3A_536], %swap3A_539 {strides = array<i32>} : memref<512xf32, #tpu.memory_space<vmem>>, vector<16xf32>,
    %get3A_540 = arith.constant 3 : i32
    %get3A_541 = arith.index_cast %get3A_540 : i32 to index
    %get3A_542 = arith.constant 80 : index
    %get3A_543 = tpu.vector_load %arg12[%get3A_541, %get3A_542] {strides = array<i32>} : memref<4x128xf32, #tpu.memory_space<vmem>>, vector<1x16xf32>,
    %get3A_544 = vector.shape_cast %get3A_543 : vector<1x16xf32> to vector<16xf32>
    %add3A_545 = arith.constant 1.000000e+00 : f32
    %add3A_546 = vector.broadcast %add3A_545 : f32 to vector<16xf32>
    %add3A_547 = arith.addf %get3A_544, %add3A_546 : vector<16xf32>
    %div3A_548 = arith.constant 5.000000e-01 : f32
    %div3A_549 = vector.broadcast %div3A_548 : f32 to vector<16xf32>
    %div3A_550 = arith.divf %div3A_549, %add3A_547 : vector<16xf32>
    %swap3A_551 = arith.constant 464 : index
    %swap3A_552 = tpu.vector_load %arg13[%swap3A_551] {strides = array<i32>} : memref<512xf32, #tpu.memory_space<vmem>>, vector<16xf32>,
    %swap3A_553 = vector.shape_cast %swap3A_552 : vector<16xf32> to vector<16xf32>
    %swap3A_554 = vector.shape_cast %div3A_550 : vector<16xf32> to vector<16xf32>
    tpu.vector_store %arg13[%swap3A_551], %swap3A_554 {strides = array<i32>} : memref<512xf32, #tpu.memory_space<vmem>>, vector<16xf32>,
    %get3A_555 = arith.constant 3 : i32
    %get3A_556 = arith.index_cast %get3A_555 : i32 to index
    %get3A_557 = arith.constant 96 : index
    %get3A_558 = tpu.vector_load %arg12[%get3A_556, %get3A_557] {strides = array<i32>} : memref<4x128xf32, #tpu.memory_space<vmem>>, vector<1x16xf32>,
    %get3A_559 = vector.shape_cast %get3A_558 : vector<1x16xf32> to vector<16xf32>
    %add3A_560 = arith.constant 1.000000e+00 : f32
    %add3A_561 = vector.broadcast %add3A_560 : f32 to vector<16xf32>
    %add3A_562 = arith.addf %get3A_559, %add3A_561 : vector<16xf32>
    %div3A_563 = arith.constant 5.000000e-01 : f32
    %div3A_564 = vector.broadcast %div3A_563 : f32 to vector<16xf32>
    %div3A_565 = arith.divf %div3A_564, %add3A_562 : vector<16xf32>
    %swap3A_566 = arith.constant 480 : index
    %swap3A_567 = tpu.vector_load %arg13[%swap3A_566] {strides = array<i32>} : memref<512xf32, #tpu.memory_space<vmem>>, vector<16xf32>,
    %swap3A_568 = vector.shape_cast %swap3A_567 : vector<16xf32> to vector<16xf32>
    %swap3A_569 = vector.shape_cast %div3A_565 : vector<16xf32> to vector<16xf32>
    tpu.vector_store %arg13[%swap3A_566], %swap3A_569 {strides = array<i32>} : memref<512xf32, #tpu.memory_space<vmem>>, vector<16xf32>,
    %get3A_570 = arith.constant 3 : i32
    %get3A_571 = arith.index_cast %get3A_570 : i32 to index
    %get3A_572 = arith.constant 112 : index
    %get3A_573 = tpu.vector_load %arg12[%get3A_571, %get3A_572] {strides = array<i32>} : memref<4x128xf32, #tpu.memory_space<vmem>>, vector<1x16xf32>,
    %get3A_574 = vector.shape_cast %get3A_573 : vector<1x16xf32> to vector<16xf32>
    %add3A_575 = arith.constant 1.000000e+00 : f32
    %add3A_576 = vector.broadcast %add3A_575 : f32 to vector<16xf32>
    %add3A_577 = arith.addf %get3A_574, %add3A_576 : vector<16xf32>
    %div3A_578 = arith.constant 5.000000e-01 : f32
    %div3A_579 = vector.broadcast %div3A_578 : f32 to vector<16xf32>
    %div3A_580 = arith.divf %div3A_579, %add3A_577 : vector<16xf32>
    %swap3A_581 = arith.constant 496 : index
    %swap3A_582 = tpu.vector_load %arg13[%swap3A_581] {strides = array<i32>} : memref<512xf32, #tpu.memory_space<vmem>>, vector<16xf32>,
    %swap3A_583 = vector.shape_cast %swap3A_582 : vector<16xf32> to vector<16xf32>
    %swap3A_584 = vector.shape_cast %div3A_580 : vector<16xf32> to vector<16xf32>
    tpu.vector_store %arg13[%swap3A_581], %swap3A_584 {strides = array<i32>} : memref<512xf32, #tpu.memory_space<vmem>>, vector<16xf32>,
    %dma_wait3A = arith.constant 0 : i32
    %dma_wait3A_585 = tpu.memref_slice %arg2[%mul3A_7, %dma_wait3A] : memref<16384x64xf32, #tpu.memory_space<hbm>> -> memref<512x64xf32, #tpu.memory_space<hbm>>
    %dma_wait3A_586 = arith.constant 0 : i32
    %dma_wait3A_587 = tpu.memref_slice %arg2[%mul3A_7, %dma_wait3A_586] : memref<16384x64xf32, #tpu.memory_space<hbm>> -> memref<512x64xf32, #tpu.memory_space<hbm>>
    tpu.wait_dma2 semaphore(%arg17 : memref<!tpu.dma_semaphore, #tpu.memory_space<semaphore_mem>>) src(%dma_wait3A_587 : memref<512x64xf32, #tpu.memory_space<hbm>>) dst(%arg10 : memref<512x64xf32, #tpu.memory_space<vmem>>)
    %dma_wait3A_588 = arith.constant 0 : i32
    %dma_wait3A_589 = arith.constant 0 : i32
    %dma_wait3A_590 = arith.constant 0 : i32
    %dma_wait3A_591 = tpu.memref_slice %arg11[%dma_wait3A_589, %dma_wait3A_590] : memref<512x64xf32, #tpu.memory_space<vmem>> -> memref<128x64xf32, #tpu.memory_space<vmem>>
    %dma_wait3A_592 = arith.constant 0 : i32
    %dma_wait3A_593 = tpu.memref_slice %arg7[%dma_wait3A_588, %dma_wait3A_592] : memref<4x128xi32, #tpu.memory_space<vmem>> -> memref<1x128xi32, #tpu.memory_space<vmem>>
    %dma_wait3A_594 = tpu.memref_squeeze %dma_wait3A_593 : memref<1x128xi32, #tpu.memory_space<vmem>> -> memref<128xi32, #tpu.memory_space<vmem>>
    %dma_wait3A_595 = arith.constant 0 : i32
    %dma_wait3A_596 = arith.constant 0 : i32
    %dma_wait3A_597 = tpu.memref_slice %arg4[%dma_wait3A_595, %dma_wait3A_596] : memref<100000x64xf32, #tpu.memory_space<hbm>> -> memref<100000x64xf32, #tpu.memory_space<hbm>>
    tpu.wait_indirect_dma semaphore(%arg16 : memref<!tpu.dma_semaphore, #tpu.memory_space<semaphore_mem>>) src(%dma_wait3A_597 : memref<100000x64xf32, #tpu.memory_space<hbm>>) dst(%dma_wait3A_591 : memref<128x64xf32, #tpu.memory_space<vmem>>)
    %dma_wait3A_598 = arith.constant 1 : i32
    %dma_wait3A_599 = arith.constant 128 : i32
    %dma_wait3A_600 = arith.constant 0 : i32
    %dma_wait3A_601 = tpu.memref_slice %arg11[%dma_wait3A_599, %dma_wait3A_600] : memref<512x64xf32, #tpu.memory_space<vmem>> -> memref<128x64xf32, #tpu.memory_space<vmem>>
    %dma_wait3A_602 = arith.constant 0 : i32
    %dma_wait3A_603 = tpu.memref_slice %arg7[%dma_wait3A_598, %dma_wait3A_602] : memref<4x128xi32, #tpu.memory_space<vmem>> -> memref<1x128xi32, #tpu.memory_space<vmem>>
    %dma_wait3A_604 = tpu.memref_squeeze %dma_wait3A_603 : memref<1x128xi32, #tpu.memory_space<vmem>> -> memref<128xi32, #tpu.memory_space<vmem>>
    %dma_wait3A_605 = arith.constant 0 : i32
    %dma_wait3A_606 = arith.constant 0 : i32
    %dma_wait3A_607 = tpu.memref_slice %arg4[%dma_wait3A_605, %dma_wait3A_606] : memref<100000x64xf32, #tpu.memory_space<hbm>> -> memref<100000x64xf32, #tpu.memory_space<hbm>>
    tpu.wait_indirect_dma semaphore(%arg16 : memref<!tpu.dma_semaphore, #tpu.memory_space<semaphore_mem>>) src(%dma_wait3A_607 : memref<100000x64xf32, #tpu.memory_space<hbm>>) dst(%dma_wait3A_601 : memref<128x64xf32, #tpu.memory_space<vmem>>)
    %dma_wait3A_608 = arith.constant 2 : i32
    %dma_wait3A_609 = arith.constant 256 : i32
    %dma_wait3A_610 = arith.constant 0 : i32
    %dma_wait3A_611 = tpu.memref_slice %arg11[%dma_wait3A_609, %dma_wait3A_610] : memref<512x64xf32, #tpu.memory_space<vmem>> -> memref<128x64xf32, #tpu.memory_space<vmem>>
    %dma_wait3A_612 = arith.constant 0 : i32
    %dma_wait3A_613 = tpu.memref_slice %arg7[%dma_wait3A_608, %dma_wait3A_612] : memref<4x128xi32, #tpu.memory_space<vmem>> -> memref<1x128xi32, #tpu.memory_space<vmem>>
    %dma_wait3A_614 = tpu.memref_squeeze %dma_wait3A_613 : memref<1x128xi32, #tpu.memory_space<vmem>> -> memref<128xi32, #tpu.memory_space<vmem>>
    %dma_wait3A_615 = arith.constant 0 : i32
    %dma_wait3A_616 = arith.constant 0 : i32
    %dma_wait3A_617 = tpu.memref_slice %arg4[%dma_wait3A_615, %dma_wait3A_616] : memref<100000x64xf32, #tpu.memory_space<hbm>> -> memref<100000x64xf32, #tpu.memory_space<hbm>>
    tpu.wait_indirect_dma semaphore(%arg16 : memref<!tpu.dma_semaphore, #tpu.memory_space<semaphore_mem>>) src(%dma_wait3A_617 : memref<100000x64xf32, #tpu.memory_space<hbm>>) dst(%dma_wait3A_611 : memref<128x64xf32, #tpu.memory_space<vmem>>)
    %dma_wait3A_618 = arith.constant 3 : i32
    %dma_wait3A_619 = arith.constant 384 : i32
    %dma_wait3A_620 = arith.constant 0 : i32
    %dma_wait3A_621 = tpu.memref_slice %arg11[%dma_wait3A_619, %dma_wait3A_620] : memref<512x64xf32, #tpu.memory_space<vmem>> -> memref<128x64xf32, #tpu.memory_space<vmem>>
    %dma_wait3A_622 = arith.constant 0 : i32
    %dma_wait3A_623 = tpu.memref_slice %arg7[%dma_wait3A_618, %dma_wait3A_622] : memref<4x128xi32, #tpu.memory_space<vmem>> -> memref<1x128xi32, #tpu.memory_space<vmem>>
    %dma_wait3A_624 = tpu.memref_squeeze %dma_wait3A_623 : memref<1x128xi32, #tpu.memory_space<vmem>> -> memref<128xi32, #tpu.memory_space<vmem>>
    %dma_wait3A_625 = arith.constant 0 : i32
    %dma_wait3A_626 = arith.constant 0 : i32
    %dma_wait3A_627 = tpu.memref_slice %arg4[%dma_wait3A_625, %dma_wait3A_626] : memref<100000x64xf32, #tpu.memory_space<hbm>> -> memref<100000x64xf32, #tpu.memory_space<hbm>>
    tpu.wait_indirect_dma semaphore(%arg16 : memref<!tpu.dma_semaphore, #tpu.memory_space<semaphore_mem>>) src(%dma_wait3A_627 : memref<100000x64xf32, #tpu.memory_space<hbm>>) dst(%dma_wait3A_621 : memref<128x64xf32, #tpu.memory_space<vmem>>)
    %broadcast_in_dim3A_628 = arith.constant 0.000000e+00 : f32
    %broadcast_in_dim3A_629 = vector.broadcast %broadcast_in_dim3A_628 : f32 to vector<16xf32>
    %scan3A_630 = arith.constant 0 : i32
    %scan3A_631 = arith.constant 32 : i32
    %scan3A_632 = arith.addi %scan3A_630, %scan3A_631 : i32
    %scan3A_633 = arith.constant 1 : i32
    %scan3A_634 = scf.for %scan3A_640 = %scan3A_630 to %scan3A_632 step %scan3A_633 iter_args(%scan3A_641 = %broadcast_in_dim3A_629) -> (vector<16xf32>)  : i32 {
      %mul3A_642 = arith.constant 16 : i32
      %mul3A_643 = arith.muli %scan3A_640, %mul3A_642 : i32
      %get3A_644 = arith.index_cast %mul3A_643 : i32 to index
      %get3A_645 = tpu.vector_load %arg13[%get3A_644] {strides = array<i32>} : memref<512xf32, #tpu.memory_space<vmem>>, vector<16xf32>,
      %get3A_646 = vector.shape_cast %get3A_645 : vector<16xf32> to vector<16xf32>
      %mul3A_647 = arith.constant 16 : i32
      %mul3A_648 = arith.muli %scan3A_640, %mul3A_647 : i32
      %slice3A = vector.extract_strided_slice %get3A_646 {offsets = [0], sizes = [1], strides = [1]} : vector<16xf32> to vector<1xf32>
      %squeeze3A = vector.extract %slice3A[0] : f32 from vector<1xf32>
      %add3A_649 = arith.constant 0 : i32
      %add3A_650 = arith.addi %mul3A_648, %add3A_649 : i32
      %get3A_651 = arith.index_cast %add3A_650 : i32 to index
      %get3A_652 = arith.constant 0 : index
      %get3A_653 = tpu.vector_load %arg10[%get3A_651, %get3A_652] {strides = array<i32>} : memref<512x64xf32, #tpu.memory_space<vmem>>, vector<1x16xf32>,
      %get3A_654 = vector.shape_cast %get3A_653 : vector<1x16xf32> to vector<16xf32>
      %get3A_655 = arith.index_cast %add3A_650 : i32 to index
      %get3A_656 = arith.constant 0 : index
      %get3A_657 = tpu.vector_load %arg11[%get3A_655, %get3A_656] {strides = array<i32>} : memref<512x64xf32, #tpu.memory_space<vmem>>, vector<1x16xf32>,
      %get3A_658 = vector.shape_cast %get3A_657 : vector<1x16xf32> to vector<16xf32>
      %sub3A = arith.subf %get3A_654, %get3A_658 : vector<16xf32>
      %mul3A_659 = arith.mulf %sub3A, %sub3A : vector<16xf32>
      %mul3A_660 = vector.broadcast %squeeze3A : f32 to vector<16xf32>
      %mul3A_661 = arith.mulf %mul3A_659, %mul3A_660 : vector<16xf32>
      %add3A_662 = arith.addf %scan3A_641, %mul3A_661 : vector<16xf32>
      %get3A_663 = arith.index_cast %add3A_650 : i32 to index
      %get3A_664 = arith.constant 16 : index
      %get3A_665 = tpu.vector_load %arg10[%get3A_663, %get3A_664] {strides = array<i32>} : memref<512x64xf32, #tpu.memory_space<vmem>>, vector<1x16xf32>,
      %get3A_666 = vector.shape_cast %get3A_665 : vector<1x16xf32> to vector<16xf32>
      %get3A_667 = arith.index_cast %add3A_650 : i32 to index
      %get3A_668 = arith.constant 16 : index
      %get3A_669 = tpu.vector_load %arg11[%get3A_667, %get3A_668] {strides = array<i32>} : memref<512x64xf32, #tpu.memory_space<vmem>>, vector<1x16xf32>,
      %get3A_670 = vector.shape_cast %get3A_669 : vector<1x16xf32> to vector<16xf32>
      %sub3A_671 = arith.subf %get3A_666, %get3A_670 : vector<16xf32>
      %mul3A_672 = arith.mulf %sub3A_671, %sub3A_671 : vector<16xf32>
      %mul3A_673 = vector.broadcast %squeeze3A : f32 to vector<16xf32>
      %mul3A_674 = arith.mulf %mul3A_672, %mul3A_673 : vector<16xf32>
      %add3A_675 = arith.addf %add3A_662, %mul3A_674 : vector<16xf32>
      %get3A_676 = arith.index_cast %add3A_650 : i32 to index
      %get3A_677 = arith.constant 32 : index
      %get3A_678 = tpu.vector_load %arg10[%get3A_676, %get3A_677] {strides = array<i32>} : memref<512x64xf32, #tpu.memory_space<vmem>>, vector<1x16xf32>,
      %get3A_679 = vector.shape_cast %get3A_678 : vector<1x16xf32> to vector<16xf32>
      %get3A_680 = arith.index_cast %add3A_650 : i32 to index
      %get3A_681 = arith.constant 32 : index
      %get3A_682 = tpu.vector_load %arg11[%get3A_680, %get3A_681] {strides = array<i32>} : memref<512x64xf32, #tpu.memory_space<vmem>>, vector<1x16xf32>,
      %get3A_683 = vector.shape_cast %get3A_682 : vector<1x16xf32> to vector<16xf32>
      %sub3A_684 = arith.subf %get3A_679, %get3A_683 : vector<16xf32>
      %mul3A_685 = arith.mulf %sub3A_684, %sub3A_684 : vector<16xf32>
      %mul3A_686 = vector.broadcast %squeeze3A : f32 to vector<16xf32>
      %mul3A_687 = arith.mulf %mul3A_685, %mul3A_686 : vector<16xf32>
      %add3A_688 = arith.addf %add3A_675, %mul3A_687 : vector<16xf32>
      %get3A_689 = arith.index_cast %add3A_650 : i32 to index
      %get3A_690 = arith.constant 48 : index
      %get3A_691 = tpu.vector_load %arg10[%get3A_689, %get3A_690] {strides = array<i32>} : memref<512x64xf32, #tpu.memory_space<vmem>>, vector<1x16xf32>,
      %get3A_692 = vector.shape_cast %get3A_691 : vector<1x16xf32> to vector<16xf32>
      %get3A_693 = arith.index_cast %add3A_650 : i32 to index
      %get3A_694 = arith.constant 48 : index
      %get3A_695 = tpu.vector_load %arg11[%get3A_693, %get3A_694] {strides = array<i32>} : memref<512x64xf32, #tpu.memory_space<vmem>>, vector<1x16xf32>,
      %get3A_696 = vector.shape_cast %get3A_695 : vector<1x16xf32> to vector<16xf32>
      %sub3A_697 = arith.subf %get3A_692, %get3A_696 : vector<16xf32>
      %mul3A_698 = arith.mulf %sub3A_697, %sub3A_697 : vector<16xf32>
      %mul3A_699 = vector.broadcast %squeeze3A : f32 to vector<16xf32>
      %mul3A_700 = arith.mulf %mul3A_698, %mul3A_699 : vector<16xf32>
      %add3A_701 = arith.addf %add3A_688, %mul3A_700 : vector<16xf32>
      %slice3A_702 = vector.extract_strided_slice %get3A_646 {offsets = [1], sizes = [1], strides = [1]} : vector<16xf32> to vector<1xf32>
      %squeeze3A_703 = vector.extract %slice3A_702[0] : f32 from vector<1xf32>
      %add3A_704 = arith.constant 1 : i32
      %add3A_705 = arith.addi %mul3A_648, %add3A_704 : i32
      %get3A_706 = arith.index_cast %add3A_705 : i32 to index
      %get3A_707 = arith.constant 0 : index
      %get3A_708 = tpu.vector_load %arg10[%get3A_706, %get3A_707] {strides = array<i32>} : memref<512x64xf32, #tpu.memory_space<vmem>>, vector<1x16xf32>,
      %get3A_709 = vector.shape_cast %get3A_708 : vector<1x16xf32> to vector<16xf32>
      %get3A_710 = arith.index_cast %add3A_705 : i32 to index
      %get3A_711 = arith.constant 0 : index
      %get3A_712 = tpu.vector_load %arg11[%get3A_710, %get3A_711] {strides = array<i32>} : memref<512x64xf32, #tpu.memory_space<vmem>>, vector<1x16xf32>,
      %get3A_713 = vector.shape_cast %get3A_712 : vector<1x16xf32> to vector<16xf32>
      %sub3A_714 = arith.subf %get3A_709, %get3A_713 : vector<16xf32>
      %mul3A_715 = arith.mulf %sub3A_714, %sub3A_714 : vector<16xf32>
      %mul3A_716 = vector.broadcast %squeeze3A_703 : f32 to vector<16xf32>
      %mul3A_717 = arith.mulf %mul3A_715, %mul3A_716 : vector<16xf32>
      %add3A_718 = arith.addf %add3A_701, %mul3A_717 : vector<16xf32>
      %get3A_719 = arith.index_cast %add3A_705 : i32 to index
      %get3A_720 = arith.constant 16 : index
      %get3A_721 = tpu.vector_load %arg10[%get3A_719, %get3A_720] {strides = array<i32>} : memref<512x64xf32, #tpu.memory_space<vmem>>, vector<1x16xf32>,
      %get3A_722 = vector.shape_cast %get3A_721 : vector<1x16xf32> to vector<16xf32>
      %get3A_723 = arith.index_cast %add3A_705 : i32 to index
      %get3A_724 = arith.constant 16 : index
      %get3A_725 = tpu.vector_load %arg11[%get3A_723, %get3A_724] {strides = array<i32>} : memref<512x64xf32, #tpu.memory_space<vmem>>, vector<1x16xf32>,
      %get3A_726 = vector.shape_cast %get3A_725 : vector<1x16xf32> to vector<16xf32>
      %sub3A_727 = arith.subf %get3A_722, %get3A_726 : vector<16xf32>
      %mul3A_728 = arith.mulf %sub3A_727, %sub3A_727 : vector<16xf32>
      %mul3A_729 = vector.broadcast %squeeze3A_703 : f32 to vector<16xf32>
      %mul3A_730 = arith.mulf %mul3A_728, %mul3A_729 : vector<16xf32>
      %add3A_731 = arith.addf %add3A_718, %mul3A_730 : vector<16xf32>
      %get3A_732 = arith.index_cast %add3A_705 : i32 to index
      %get3A_733 = arith.constant 32 : index
      %get3A_734 = tpu.vector_load %arg10[%get3A_732, %get3A_733] {strides = array<i32>} : memref<512x64xf32, #tpu.memory_space<vmem>>, vector<1x16xf32>,
      %get3A_735 = vector.shape_cast %get3A_734 : vector<1x16xf32> to vector<16xf32>
      %get3A_736 = arith.index_cast %add3A_705 : i32 to index
      %get3A_737 = arith.constant 32 : index
      %get3A_738 = tpu.vector_load %arg11[%get3A_736, %get3A_737] {strides = array<i32>} : memref<512x64xf32, #tpu.memory_space<vmem>>, vector<1x16xf32>,
      %get3A_739 = vector.shape_cast %get3A_738 : vector<1x16xf32> to vector<16xf32>
      %sub3A_740 = arith.subf %get3A_735, %get3A_739 : vector<16xf32>
      %mul3A_741 = arith.mulf %sub3A_740, %sub3A_740 : vector<16xf32>
      %mul3A_742 = vector.broadcast %squeeze3A_703 : f32 to vector<16xf32>
      %mul3A_743 = arith.mulf %mul3A_741, %mul3A_742 : vector<16xf32>
      %add3A_744 = arith.addf %add3A_731, %mul3A_743 : vector<16xf32>
      %get3A_745 = arith.index_cast %add3A_705 : i32 to index
      %get3A_746 = arith.constant 48 : index
      %get3A_747 = tpu.vector_load %arg10[%get3A_745, %get3A_746] {strides = array<i32>} : memref<512x64xf32, #tpu.memory_space<vmem>>, vector<1x16xf32>,
      %get3A_748 = vector.shape_cast %get3A_747 : vector<1x16xf32> to vector<16xf32>
      %get3A_749 = arith.index_cast %add3A_705 : i32 to index
      %get3A_750 = arith.constant 48 : index
      %get3A_751 = tpu.vector_load %arg11[%get3A_749, %get3A_750] {strides = array<i32>} : memref<512x64xf32, #tpu.memory_space<vmem>>, vector<1x16xf32>,
      %get3A_752 = vector.shape_cast %get3A_751 : vector<1x16xf32> to vector<16xf32>
      %sub3A_753 = arith.subf %get3A_748, %get3A_752 : vector<16xf32>
      %mul3A_754 = arith.mulf %sub3A_753, %sub3A_753 : vector<16xf32>
      %mul3A_755 = vector.broadcast %squeeze3A_703 : f32 to vector<16xf32>
      %mul3A_756 = arith.mulf %mul3A_754, %mul3A_755 : vector<16xf32>
      %add3A_757 = arith.addf %add3A_744, %mul3A_756 : vector<16xf32>
      %slice3A_758 = vector.extract_strided_slice %get3A_646 {offsets = [2], sizes = [1], strides = [1]} : vector<16xf32> to vector<1xf32>
      %squeeze3A_759 = vector.extract %slice3A_758[0] : f32 from vector<1xf32>
      %add3A_760 = arith.constant 2 : i32
      %add3A_761 = arith.addi %mul3A_648, %add3A_760 : i32
      %get3A_762 = arith.index_cast %add3A_761 : i32 to index
      %get3A_763 = arith.constant 0 : index
      %get3A_764 = tpu.vector_load %arg10[%get3A_762, %get3A_763] {strides = array<i32>} : memref<512x64xf32, #tpu.memory_space<vmem>>, vector<1x16xf32>,
      %get3A_765 = vector.shape_cast %get3A_764 : vector<1x16xf32> to vector<16xf32>
      %get3A_766 = arith.index_cast %add3A_761 : i32 to index
      %get3A_767 = arith.constant 0 : index
      %get3A_768 = tpu.vector_load %arg11[%get3A_766, %get3A_767] {strides = array<i32>} : memref<512x64xf32, #tpu.memory_space<vmem>>, vector<1x16xf32>,
      %get3A_769 = vector.shape_cast %get3A_768 : vector<1x16xf32> to vector<16xf32>
      %sub3A_770 = arith.subf %get3A_765, %get3A_769 : vector<16xf32>
      %mul3A_771 = arith.mulf %sub3A_770, %sub3A_770 : vector<16xf32>
      %mul3A_772 = vector.broadcast %squeeze3A_759 : f32 to vector<16xf32>
      %mul3A_773 = arith.mulf %mul3A_771, %mul3A_772 : vector<16xf32>
      %add3A_774 = arith.addf %add3A_757, %mul3A_773 : vector<16xf32>
      %get3A_775 = arith.index_cast %add3A_761 : i32 to index
      %get3A_776 = arith.constant 16 : index
      %get3A_777 = tpu.vector_load %arg10[%get3A_775, %get3A_776] {strides = array<i32>} : memref<512x64xf32, #tpu.memory_space<vmem>>, vector<1x16xf32>,
      %get3A_778 = vector.shape_cast %get3A_777 : vector<1x16xf32> to vector<16xf32>
      %get3A_779 = arith.index_cast %add3A_761 : i32 to index
      %get3A_780 = arith.constant 16 : index
      %get3A_781 = tpu.vector_load %arg11[%get3A_779, %get3A_780] {strides = array<i32>} : memref<512x64xf32, #tpu.memory_space<vmem>>, vector<1x16xf32>,
      %get3A_782 = vector.shape_cast %get3A_781 : vector<1x16xf32> to vector<16xf32>
      %sub3A_783 = arith.subf %get3A_778, %get3A_782 : vector<16xf32>
      %mul3A_784 = arith.mulf %sub3A_783, %sub3A_783 : vector<16xf32>
      %mul3A_785 = vector.broadcast %squeeze3A_759 : f32 to vector<16xf32>
      %mul3A_786 = arith.mulf %mul3A_784, %mul3A_785 : vector<16xf32>
      %add3A_787 = arith.addf %add3A_774, %mul3A_786 : vector<16xf32>
      %get3A_788 = arith.index_cast %add3A_761 : i32 to index
      %get3A_789 = arith.constant 32 : index
      %get3A_790 = tpu.vector_load %arg10[%get3A_788, %get3A_789] {strides = array<i32>} : memref<512x64xf32, #tpu.memory_space<vmem>>, vector<1x16xf32>,
      %get3A_791 = vector.shape_cast %get3A_790 : vector<1x16xf32> to vector<16xf32>
      %get3A_792 = arith.index_cast %add3A_761 : i32 to index
      %get3A_793 = arith.constant 32 : index
      %get3A_794 = tpu.vector_load %arg11[%get3A_792, %get3A_793] {strides = array<i32>} : memref<512x64xf32, #tpu.memory_space<vmem>>, vector<1x16xf32>,
      %get3A_795 = vector.shape_cast %get3A_794 : vector<1x16xf32> to vector<16xf32>
      %sub3A_796 = arith.subf %get3A_791, %get3A_795 : vector<16xf32>
      %mul3A_797 = arith.mulf %sub3A_796, %sub3A_796 : vector<16xf32>
      %mul3A_798 = vector.broadcast %squeeze3A_759 : f32 to vector<16xf32>
      %mul3A_799 = arith.mulf %mul3A_797, %mul3A_798 : vector<16xf32>
      %add3A_800 = arith.addf %add3A_787, %mul3A_799 : vector<16xf32>
      %get3A_801 = arith.index_cast %add3A_761 : i32 to index
      %get3A_802 = arith.constant 48 : index
      %get3A_803 = tpu.vector_load %arg10[%get3A_801, %get3A_802] {strides = array<i32>} : memref<512x64xf32, #tpu.memory_space<vmem>>, vector<1x16xf32>,
      %get3A_804 = vector.shape_cast %get3A_803 : vector<1x16xf32> to vector<16xf32>
      %get3A_805 = arith.index_cast %add3A_761 : i32 to index
      %get3A_806 = arith.constant 48 : index
      %get3A_807 = tpu.vector_load %arg11[%get3A_805, %get3A_806] {strides = array<i32>} : memref<512x64xf32, #tpu.memory_space<vmem>>, vector<1x16xf32>,
      %get3A_808 = vector.shape_cast %get3A_807 : vector<1x16xf32> to vector<16xf32>
      %sub3A_809 = arith.subf %get3A_804, %get3A_808 : vector<16xf32>
      %mul3A_810 = arith.mulf %sub3A_809, %sub3A_809 : vector<16xf32>
      %mul3A_811 = vector.broadcast %squeeze3A_759 : f32 to vector<16xf32>
      %mul3A_812 = arith.mulf %mul3A_810, %mul3A_811 : vector<16xf32>
      %add3A_813 = arith.addf %add3A_800, %mul3A_812 : vector<16xf32>
      %slice3A_814 = vector.extract_strided_slice %get3A_646 {offsets = [3], sizes = [1], strides = [1]} : vector<16xf32> to vector<1xf32>
      %squeeze3A_815 = vector.extract %slice3A_814[0] : f32 from vector<1xf32>
      %add3A_816 = arith.constant 3 : i32
      %add3A_817 = arith.addi %mul3A_648, %add3A_816 : i32
      %get3A_818 = arith.index_cast %add3A_817 : i32 to index
      %get3A_819 = arith.constant 0 : index
      %get3A_820 = tpu.vector_load %arg10[%get3A_818, %get3A_819] {strides = array<i32>} : memref<512x64xf32, #tpu.memory_space<vmem>>, vector<1x16xf32>,
      %get3A_821 = vector.shape_cast %get3A_820 : vector<1x16xf32> to vector<16xf32>
      %get3A_822 = arith.index_cast %add3A_817 : i32 to index
      %get3A_823 = arith.constant 0 : index
      %get3A_824 = tpu.vector_load %arg11[%get3A_822, %get3A_823] {strides = array<i32>} : memref<512x64xf32, #tpu.memory_space<vmem>>, vector<1x16xf32>,
      %get3A_825 = vector.shape_cast %get3A_824 : vector<1x16xf32> to vector<16xf32>
      %sub3A_826 = arith.subf %get3A_821, %get3A_825 : vector<16xf32>
      %mul3A_827 = arith.mulf %sub3A_826, %sub3A_826 : vector<16xf32>
      %mul3A_828 = vector.broadcast %squeeze3A_815 : f32 to vector<16xf32>
      %mul3A_829 = arith.mulf %mul3A_827, %mul3A_828 : vector<16xf32>
      %add3A_830 = arith.addf %add3A_813, %mul3A_829 : vector<16xf32>
      %get3A_831 = arith.index_cast %add3A_817 : i32 to index
      %get3A_832 = arith.constant 16 : index
      %get3A_833 = tpu.vector_load %arg10[%get3A_831, %get3A_832] {strides = array<i32>} : memref<512x64xf32, #tpu.memory_space<vmem>>, vector<1x16xf32>,
      %get3A_834 = vector.shape_cast %get3A_833 : vector<1x16xf32> to vector<16xf32>
      %get3A_835 = arith.index_cast %add3A_817 : i32 to index
      %get3A_836 = arith.constant 16 : index
      %get3A_837 = tpu.vector_load %arg11[%get3A_835, %get3A_836] {strides = array<i32>} : memref<512x64xf32, #tpu.memory_space<vmem>>, vector<1x16xf32>,
      %get3A_838 = vector.shape_cast %get3A_837 : vector<1x16xf32> to vector<16xf32>
      %sub3A_839 = arith.subf %get3A_834, %get3A_838 : vector<16xf32>
      %mul3A_840 = arith.mulf %sub3A_839, %sub3A_839 : vector<16xf32>
      %mul3A_841 = vector.broadcast %squeeze3A_815 : f32 to vector<16xf32>
      %mul3A_842 = arith.mulf %mul3A_840, %mul3A_841 : vector<16xf32>
      %add3A_843 = arith.addf %add3A_830, %mul3A_842 : vector<16xf32>
      %get3A_844 = arith.index_cast %add3A_817 : i32 to index
      %get3A_845 = arith.constant 32 : index
      %get3A_846 = tpu.vector_load %arg10[%get3A_844, %get3A_845] {strides = array<i32>} : memref<512x64xf32, #tpu.memory_space<vmem>>, vector<1x16xf32>,
      %get3A_847 = vector.shape_cast %get3A_846 : vector<1x16xf32> to vector<16xf32>
      %get3A_848 = arith.index_cast %add3A_817 : i32 to index
      %get3A_849 = arith.constant 32 : index
      %get3A_850 = tpu.vector_load %arg11[%get3A_848, %get3A_849] {strides = array<i32>} : memref<512x64xf32, #tpu.memory_space<vmem>>, vector<1x16xf32>,
      %get3A_851 = vector.shape_cast %get3A_850 : vector<1x16xf32> to vector<16xf32>
      %sub3A_852 = arith.subf %get3A_847, %get3A_851 : vector<16xf32>
      %mul3A_853 = arith.mulf %sub3A_852, %sub3A_852 : vector<16xf32>
      %mul3A_854 = vector.broadcast %squeeze3A_815 : f32 to vector<16xf32>
      %mul3A_855 = arith.mulf %mul3A_853, %mul3A_854 : vector<16xf32>
      %add3A_856 = arith.addf %add3A_843, %mul3A_855 : vector<16xf32>
      %get3A_857 = arith.index_cast %add3A_817 : i32 to index
      %get3A_858 = arith.constant 48 : index
      %get3A_859 = tpu.vector_load %arg10[%get3A_857, %get3A_858] {strides = array<i32>} : memref<512x64xf32, #tpu.memory_space<vmem>>, vector<1x16xf32>,
      %get3A_860 = vector.shape_cast %get3A_859 : vector<1x16xf32> to vector<16xf32>
      %get3A_861 = arith.index_cast %add3A_817 : i32 to index
      %get3A_862 = arith.constant 48 : index
      %get3A_863 = tpu.vector_load %arg11[%get3A_861, %get3A_862] {strides = array<i32>} : memref<512x64xf32, #tpu.memory_space<vmem>>, vector<1x16xf32>,
      %get3A_864 = vector.shape_cast %get3A_863 : vector<1x16xf32> to vector<16xf32>
      %sub3A_865 = arith.subf %get3A_860, %get3A_864 : vector<16xf32>
      %mul3A_866 = arith.mulf %sub3A_865, %sub3A_865 : vector<16xf32>
      %mul3A_867 = vector.broadcast %squeeze3A_815 : f32 to vector<16xf32>
      %mul3A_868 = arith.mulf %mul3A_866, %mul3A_867 : vector<16xf32>
      %add3A_869 = arith.addf %add3A_856, %mul3A_868 : vector<16xf32>
      %slice3A_870 = vector.extract_strided_slice %get3A_646 {offsets = [4], sizes = [1], strides = [1]} : vector<16xf32> to vector<1xf32>
      %squeeze3A_871 = vector.extract %slice3A_870[0] : f32 from vector<1xf32>
      %add3A_872 = arith.constant 4 : i32
      %add3A_873 = arith.addi %mul3A_648, %add3A_872 : i32
      %get3A_874 = arith.index_cast %add3A_873 : i32 to index
      %get3A_875 = arith.constant 0 : index
      %get3A_876 = tpu.vector_load %arg10[%get3A_874, %get3A_875] {strides = array<i32>} : memref<512x64xf32, #tpu.memory_space<vmem>>, vector<1x16xf32>,
      %get3A_877 = vector.shape_cast %get3A_876 : vector<1x16xf32> to vector<16xf32>
      %get3A_878 = arith.index_cast %add3A_873 : i32 to index
      %get3A_879 = arith.constant 0 : index
      %get3A_880 = tpu.vector_load %arg11[%get3A_878, %get3A_879] {strides = array<i32>} : memref<512x64xf32, #tpu.memory_space<vmem>>, vector<1x16xf32>,
      %get3A_881 = vector.shape_cast %get3A_880 : vector<1x16xf32> to vector<16xf32>
      %sub3A_882 = arith.subf %get3A_877, %get3A_881 : vector<16xf32>
      %mul3A_883 = arith.mulf %sub3A_882, %sub3A_882 : vector<16xf32>
      %mul3A_884 = vector.broadcast %squeeze3A_871 : f32 to vector<16xf32>
      %mul3A_885 = arith.mulf %mul3A_883, %mul3A_884 : vector<16xf32>
      %add3A_886 = arith.addf %add3A_869, %mul3A_885 : vector<16xf32>
      %get3A_887 = arith.index_cast %add3A_873 : i32 to index
      %get3A_888 = arith.constant 16 : index
      %get3A_889 = tpu.vector_load %arg10[%get3A_887, %get3A_888] {strides = array<i32>} : memref<512x64xf32, #tpu.memory_space<vmem>>, vector<1x16xf32>,
      %get3A_890 = vector.shape_cast %get3A_889 : vector<1x16xf32> to vector<16xf32>
      %get3A_891 = arith.index_cast %add3A_873 : i32 to index
      %get3A_892 = arith.constant 16 : index
      %get3A_893 = tpu.vector_load %arg11[%get3A_891, %get3A_892] {strides = array<i32>} : memref<512x64xf32, #tpu.memory_space<vmem>>, vector<1x16xf32>,
      %get3A_894 = vector.shape_cast %get3A_893 : vector<1x16xf32> to vector<16xf32>
      %sub3A_895 = arith.subf %get3A_890, %get3A_894 : vector<16xf32>
      %mul3A_896 = arith.mulf %sub3A_895, %sub3A_895 : vector<16xf32>
      %mul3A_897 = vector.broadcast %squeeze3A_871 : f32 to vector<16xf32>
      %mul3A_898 = arith.mulf %mul3A_896, %mul3A_897 : vector<16xf32>
      %add3A_899 = arith.addf %add3A_886, %mul3A_898 : vector<16xf32>
      %get3A_900 = arith.index_cast %add3A_873 : i32 to index
      %get3A_901 = arith.constant 32 : index
      %get3A_902 = tpu.vector_load %arg10[%get3A_900, %get3A_901] {strides = array<i32>} : memref<512x64xf32, #tpu.memory_space<vmem>>, vector<1x16xf32>,
      %get3A_903 = vector.shape_cast %get3A_902 : vector<1x16xf32> to vector<16xf32>
      %get3A_904 = arith.index_cast %add3A_873 : i32 to index
      %get3A_905 = arith.constant 32 : index
      %get3A_906 = tpu.vector_load %arg11[%get3A_904, %get3A_905] {strides = array<i32>} : memref<512x64xf32, #tpu.memory_space<vmem>>, vector<1x16xf32>,
      %get3A_907 = vector.shape_cast %get3A_906 : vector<1x16xf32> to vector<16xf32>
      %sub3A_908 = arith.subf %get3A_903, %get3A_907 : vector<16xf32>
      %mul3A_909 = arith.mulf %sub3A_908, %sub3A_908 : vector<16xf32>
      %mul3A_910 = vector.broadcast %squeeze3A_871 : f32 to vector<16xf32>
      %mul3A_911 = arith.mulf %mul3A_909, %mul3A_910 : vector<16xf32>
      %add3A_912 = arith.addf %add3A_899, %mul3A_911 : vector<16xf32>
      %get3A_913 = arith.index_cast %add3A_873 : i32 to index
      %get3A_914 = arith.constant 48 : index
      %get3A_915 = tpu.vector_load %arg10[%get3A_913, %get3A_914] {strides = array<i32>} : memref<512x64xf32, #tpu.memory_space<vmem>>, vector<1x16xf32>,
      %get3A_916 = vector.shape_cast %get3A_915 : vector<1x16xf32> to vector<16xf32>
      %get3A_917 = arith.index_cast %add3A_873 : i32 to index
      %get3A_918 = arith.constant 48 : index
      %get3A_919 = tpu.vector_load %arg11[%get3A_917, %get3A_918] {strides = array<i32>} : memref<512x64xf32, #tpu.memory_space<vmem>>, vector<1x16xf32>,
      %get3A_920 = vector.shape_cast %get3A_919 : vector<1x16xf32> to vector<16xf32>
      %sub3A_921 = arith.subf %get3A_916, %get3A_920 : vector<16xf32>
      %mul3A_922 = arith.mulf %sub3A_921, %sub3A_921 : vector<16xf32>
      %mul3A_923 = vector.broadcast %squeeze3A_871 : f32 to vector<16xf32>
      %mul3A_924 = arith.mulf %mul3A_922, %mul3A_923 : vector<16xf32>
      %add3A_925 = arith.addf %add3A_912, %mul3A_924 : vector<16xf32>
      %slice3A_926 = vector.extract_strided_slice %get3A_646 {offsets = [5], sizes = [1], strides = [1]} : vector<16xf32> to vector<1xf32>
      %squeeze3A_927 = vector.extract %slice3A_926[0] : f32 from vector<1xf32>
      %add3A_928 = arith.constant 5 : i32
      %add3A_929 = arith.addi %mul3A_648, %add3A_928 : i32
      %get3A_930 = arith.index_cast %add3A_929 : i32 to index
      %get3A_931 = arith.constant 0 : index
      %get3A_932 = tpu.vector_load %arg10[%get3A_930, %get3A_931] {strides = array<i32>} : memref<512x64xf32, #tpu.memory_space<vmem>>, vector<1x16xf32>,
      %get3A_933 = vector.shape_cast %get3A_932 : vector<1x16xf32> to vector<16xf32>
      %get3A_934 = arith.index_cast %add3A_929 : i32 to index
      %get3A_935 = arith.constant 0 : index
      %get3A_936 = tpu.vector_load %arg11[%get3A_934, %get3A_935] {strides = array<i32>} : memref<512x64xf32, #tpu.memory_space<vmem>>, vector<1x16xf32>,
      %get3A_937 = vector.shape_cast %get3A_936 : vector<1x16xf32> to vector<16xf32>
      %sub3A_938 = arith.subf %get3A_933, %get3A_937 : vector<16xf32>
      %mul3A_939 = arith.mulf %sub3A_938, %sub3A_938 : vector<16xf32>
      %mul3A_940 = vector.broadcast %squeeze3A_927 : f32 to vector<16xf32>
      %mul3A_941 = arith.mulf %mul3A_939, %mul3A_940 : vector<16xf32>
      %add3A_942 = arith.addf %add3A_925, %mul3A_941 : vector<16xf32>
      %get3A_943 = arith.index_cast %add3A_929 : i32 to index
      %get3A_944 = arith.constant 16 : index
      %get3A_945 = tpu.vector_load %arg10[%get3A_943, %get3A_944] {strides = array<i32>} : memref<512x64xf32, #tpu.memory_space<vmem>>, vector<1x16xf32>,
      %get3A_946 = vector.shape_cast %get3A_945 : vector<1x16xf32> to vector<16xf32>
      %get3A_947 = arith.index_cast %add3A_929 : i32 to index
      %get3A_948 = arith.constant 16 : index
      %get3A_949 = tpu.vector_load %arg11[%get3A_947, %get3A_948] {strides = array<i32>} : memref<512x64xf32, #tpu.memory_space<vmem>>, vector<1x16xf32>,
      %get3A_950 = vector.shape_cast %get3A_949 : vector<1x16xf32> to vector<16xf32>
      %sub3A_951 = arith.subf %get3A_946, %get3A_950 : vector<16xf32>
      %mul3A_952 = arith.mulf %sub3A_951, %sub3A_951 : vector<16xf32>
      %mul3A_953 = vector.broadcast %squeeze3A_927 : f32 to vector<16xf32>
      %mul3A_954 = arith.mulf %mul3A_952, %mul3A_953 : vector<16xf32>
      %add3A_955 = arith.addf %add3A_942, %mul3A_954 : vector<16xf32>
      %get3A_956 = arith.index_cast %add3A_929 : i32 to index
      %get3A_957 = arith.constant 32 : index
      %get3A_958 = tpu.vector_load %arg10[%get3A_956, %get3A_957] {strides = array<i32>} : memref<512x64xf32, #tpu.memory_space<vmem>>, vector<1x16xf32>,
      %get3A_959 = vector.shape_cast %get3A_958 : vector<1x16xf32> to vector<16xf32>
      %get3A_960 = arith.index_cast %add3A_929 : i32 to index
      %get3A_961 = arith.constant 32 : index
      %get3A_962 = tpu.vector_load %arg11[%get3A_960, %get3A_961] {strides = array<i32>} : memref<512x64xf32, #tpu.memory_space<vmem>>, vector<1x16xf32>,
      %get3A_963 = vector.shape_cast %get3A_962 : vector<1x16xf32> to vector<16xf32>
      %sub3A_964 = arith.subf %get3A_959, %get3A_963 : vector<16xf32>
      %mul3A_965 = arith.mulf %sub3A_964, %sub3A_964 : vector<16xf32>
      %mul3A_966 = vector.broadcast %squeeze3A_927 : f32 to vector<16xf32>
      %mul3A_967 = arith.mulf %mul3A_965, %mul3A_966 : vector<16xf32>
      %add3A_968 = arith.addf %add3A_955, %mul3A_967 : vector<16xf32>
      %get3A_969 = arith.index_cast %add3A_929 : i32 to index
      %get3A_970 = arith.constant 48 : index
      %get3A_971 = tpu.vector_load %arg10[%get3A_969, %get3A_970] {strides = array<i32>} : memref<512x64xf32, #tpu.memory_space<vmem>>, vector<1x16xf32>,
      %get3A_972 = vector.shape_cast %get3A_971 : vector<1x16xf32> to vector<16xf32>
      %get3A_973 = arith.index_cast %add3A_929 : i32 to index
      %get3A_974 = arith.constant 48 : index
      %get3A_975 = tpu.vector_load %arg11[%get3A_973, %get3A_974] {strides = array<i32>} : memref<512x64xf32, #tpu.memory_space<vmem>>, vector<1x16xf32>,
      %get3A_976 = vector.shape_cast %get3A_975 : vector<1x16xf32> to vector<16xf32>
      %sub3A_977 = arith.subf %get3A_972, %get3A_976 : vector<16xf32>
      %mul3A_978 = arith.mulf %sub3A_977, %sub3A_977 : vector<16xf32>
      %mul3A_979 = vector.broadcast %squeeze3A_927 : f32 to vector<16xf32>
      %mul3A_980 = arith.mulf %mul3A_978, %mul3A_979 : vector<16xf32>
      %add3A_981 = arith.addf %add3A_968, %mul3A_980 : vector<16xf32>
      %slice3A_982 = vector.extract_strided_slice %get3A_646 {offsets = [6], sizes = [1], strides = [1]} : vector<16xf32> to vector<1xf32>
      %squeeze3A_983 = vector.extract %slice3A_982[0] : f32 from vector<1xf32>
      %add3A_984 = arith.constant 6 : i32
      %add3A_985 = arith.addi %mul3A_648, %add3A_984 : i32
      %get3A_986 = arith.index_cast %add3A_985 : i32 to index
      %get3A_987 = arith.constant 0 : index
      %get3A_988 = tpu.vector_load %arg10[%get3A_986, %get3A_987] {strides = array<i32>} : memref<512x64xf32, #tpu.memory_space<vmem>>, vector<1x16xf32>,
      %get3A_989 = vector.shape_cast %get3A_988 : vector<1x16xf32> to vector<16xf32>
      %get3A_990 = arith.index_cast %add3A_985 : i32 to index
      %get3A_991 = arith.constant 0 : index
      %get3A_992 = tpu.vector_load %arg11[%get3A_990, %get3A_991] {strides = array<i32>} : memref<512x64xf32, #tpu.memory_space<vmem>>, vector<1x16xf32>,
      %get3A_993 = vector.shape_cast %get3A_992 : vector<1x16xf32> to vector<16xf32>
      %sub3A_994 = arith.subf %get3A_989, %get3A_993 : vector<16xf32>
      %mul3A_995 = arith.mulf %sub3A_994, %sub3A_994 : vector<16xf32>
      %mul3A_996 = vector.broadcast %squeeze3A_983 : f32 to vector<16xf32>
      %mul3A_997 = arith.mulf %mul3A_995, %mul3A_996 : vector<16xf32>
      %add3A_998 = arith.addf %add3A_981, %mul3A_997 : vector<16xf32>
      %get3A_999 = arith.index_cast %add3A_985 : i32 to index
      %get3A_1000 = arith.constant 16 : index
      %get3A_1001 = tpu.vector_load %arg10[%get3A_999, %get3A_1000] {strides = array<i32>} : memref<512x64xf32, #tpu.memory_space<vmem>>, vector<1x16xf32>,
      %get3A_1002 = vector.shape_cast %get3A_1001 : vector<1x16xf32> to vector<16xf32>
      %get3A_1003 = arith.index_cast %add3A_985 : i32 to index
      %get3A_1004 = arith.constant 16 : index
      %get3A_1005 = tpu.vector_load %arg11[%get3A_1003, %get3A_1004] {strides = array<i32>} : memref<512x64xf32, #tpu.memory_space<vmem>>, vector<1x16xf32>,
      %get3A_1006 = vector.shape_cast %get3A_1005 : vector<1x16xf32> to vector<16xf32>
      %sub3A_1007 = arith.subf %get3A_1002, %get3A_1006 : vector<16xf32>
      %mul3A_1008 = arith.mulf %sub3A_1007, %sub3A_1007 : vector<16xf32>
      %mul3A_1009 = vector.broadcast %squeeze3A_983 : f32 to vector<16xf32>
      %mul3A_1010 = arith.mulf %mul3A_1008, %mul3A_1009 : vector<16xf32>
      %add3A_1011 = arith.addf %add3A_998, %mul3A_1010 : vector<16xf32>
      %get3A_1012 = arith.index_cast %add3A_985 : i32 to index
      %get3A_1013 = arith.constant 32 : index
      %get3A_1014 = tpu.vector_load %arg10[%get3A_1012, %get3A_1013] {strides = array<i32>} : memref<512x64xf32, #tpu.memory_space<vmem>>, vector<1x16xf32>,
      %get3A_1015 = vector.shape_cast %get3A_1014 : vector<1x16xf32> to vector<16xf32>
      %get3A_1016 = arith.index_cast %add3A_985 : i32 to index
      %get3A_1017 = arith.constant 32 : index
      %get3A_1018 = tpu.vector_load %arg11[%get3A_1016, %get3A_1017] {strides = array<i32>} : memref<512x64xf32, #tpu.memory_space<vmem>>, vector<1x16xf32>,
      %get3A_1019 = vector.shape_cast %get3A_1018 : vector<1x16xf32> to vector<16xf32>
      %sub3A_1020 = arith.subf %get3A_1015, %get3A_1019 : vector<16xf32>
      %mul3A_1021 = arith.mulf %sub3A_1020, %sub3A_1020 : vector<16xf32>
      %mul3A_1022 = vector.broadcast %squeeze3A_983 : f32 to vector<16xf32>
      %mul3A_1023 = arith.mulf %mul3A_1021, %mul3A_1022 : vector<16xf32>
      %add3A_1024 = arith.addf %add3A_1011, %mul3A_1023 : vector<16xf32>
      %get3A_1025 = arith.index_cast %add3A_985 : i32 to index
      %get3A_1026 = arith.constant 48 : index
      %get3A_1027 = tpu.vector_load %arg10[%get3A_1025, %get3A_1026] {strides = array<i32>} : memref<512x64xf32, #tpu.memory_space<vmem>>, vector<1x16xf32>,
      %get3A_1028 = vector.shape_cast %get3A_1027 : vector<1x16xf32> to vector<16xf32>
      %get3A_1029 = arith.index_cast %add3A_985 : i32 to index
      %get3A_1030 = arith.constant 48 : index
      %get3A_1031 = tpu.vector_load %arg11[%get3A_1029, %get3A_1030] {strides = array<i32>} : memref<512x64xf32, #tpu.memory_space<vmem>>, vector<1x16xf32>,
      %get3A_1032 = vector.shape_cast %get3A_1031 : vector<1x16xf32> to vector<16xf32>
      %sub3A_1033 = arith.subf %get3A_1028, %get3A_1032 : vector<16xf32>
      %mul3A_1034 = arith.mulf %sub3A_1033, %sub3A_1033 : vector<16xf32>
      %mul3A_1035 = vector.broadcast %squeeze3A_983 : f32 to vector<16xf32>
      %mul3A_1036 = arith.mulf %mul3A_1034, %mul3A_1035 : vector<16xf32>
      %add3A_1037 = arith.addf %add3A_1024, %mul3A_1036 : vector<16xf32>
      %slice3A_1038 = vector.extract_strided_slice %get3A_646 {offsets = [7], sizes = [1], strides = [1]} : vector<16xf32> to vector<1xf32>
      %squeeze3A_1039 = vector.extract %slice3A_1038[0] : f32 from vector<1xf32>
      %add3A_1040 = arith.constant 7 : i32
      %add3A_1041 = arith.addi %mul3A_648, %add3A_1040 : i32
      %get3A_1042 = arith.index_cast %add3A_1041 : i32 to index
      %get3A_1043 = arith.constant 0 : index
      %get3A_1044 = tpu.vector_load %arg10[%get3A_1042, %get3A_1043] {strides = array<i32>} : memref<512x64xf32, #tpu.memory_space<vmem>>, vector<1x16xf32>,
      %get3A_1045 = vector.shape_cast %get3A_1044 : vector<1x16xf32> to vector<16xf32>
      %get3A_1046 = arith.index_cast %add3A_1041 : i32 to index
      %get3A_1047 = arith.constant 0 : index
      %get3A_1048 = tpu.vector_load %arg11[%get3A_1046, %get3A_1047] {strides = array<i32>} : memref<512x64xf32, #tpu.memory_space<vmem>>, vector<1x16xf32>,
      %get3A_1049 = vector.shape_cast %get3A_1048 : vector<1x16xf32> to vector<16xf32>
      %sub3A_1050 = arith.subf %get3A_1045, %get3A_1049 : vector<16xf32>
      %mul3A_1051 = arith.mulf %sub3A_1050, %sub3A_1050 : vector<16xf32>
      %mul3A_1052 = vector.broadcast %squeeze3A_1039 : f32 to vector<16xf32>
      %mul3A_1053 = arith.mulf %mul3A_1051, %mul3A_1052 : vector<16xf32>
      %add3A_1054 = arith.addf %add3A_1037, %mul3A_1053 : vector<16xf32>
      %get3A_1055 = arith.index_cast %add3A_1041 : i32 to index
      %get3A_1056 = arith.constant 16 : index
      %get3A_1057 = tpu.vector_load %arg10[%get3A_1055, %get3A_1056] {strides = array<i32>} : memref<512x64xf32, #tpu.memory_space<vmem>>, vector<1x16xf32>,
      %get3A_1058 = vector.shape_cast %get3A_1057 : vector<1x16xf32> to vector<16xf32>
      %get3A_1059 = arith.index_cast %add3A_1041 : i32 to index
      %get3A_1060 = arith.constant 16 : index
      %get3A_1061 = tpu.vector_load %arg11[%get3A_1059, %get3A_1060] {strides = array<i32>} : memref<512x64xf32, #tpu.memory_space<vmem>>, vector<1x16xf32>,
      %get3A_1062 = vector.shape_cast %get3A_1061 : vector<1x16xf32> to vector<16xf32>
      %sub3A_1063 = arith.subf %get3A_1058, %get3A_1062 : vector<16xf32>
      %mul3A_1064 = arith.mulf %sub3A_1063, %sub3A_1063 : vector<16xf32>
      %mul3A_1065 = vector.broadcast %squeeze3A_1039 : f32 to vector<16xf32>
      %mul3A_1066 = arith.mulf %mul3A_1064, %mul3A_1065 : vector<16xf32>
      %add3A_1067 = arith.addf %add3A_1054, %mul3A_1066 : vector<16xf32>
      %get3A_1068 = arith.index_cast %add3A_1041 : i32 to index
      %get3A_1069 = arith.constant 32 : index
      %get3A_1070 = tpu.vector_load %arg10[%get3A_1068, %get3A_1069] {strides = array<i32>} : memref<512x64xf32, #tpu.memory_space<vmem>>, vector<1x16xf32>,
      %get3A_1071 = vector.shape_cast %get3A_1070 : vector<1x16xf32> to vector<16xf32>
      %get3A_1072 = arith.index_cast %add3A_1041 : i32 to index
      %get3A_1073 = arith.constant 32 : index
      %get3A_1074 = tpu.vector_load %arg11[%get3A_1072, %get3A_1073] {strides = array<i32>} : memref<512x64xf32, #tpu.memory_space<vmem>>, vector<1x16xf32>,
      %get3A_1075 = vector.shape_cast %get3A_1074 : vector<1x16xf32> to vector<16xf32>
      %sub3A_1076 = arith.subf %get3A_1071, %get3A_1075 : vector<16xf32>
      %mul3A_1077 = arith.mulf %sub3A_1076, %sub3A_1076 : vector<16xf32>
      %mul3A_1078 = vector.broadcast %squeeze3A_1039 : f32 to vector<16xf32>
      %mul3A_1079 = arith.mulf %mul3A_1077, %mul3A_1078 : vector<16xf32>
      %add3A_1080 = arith.addf %add3A_1067, %mul3A_1079 : vector<16xf32>
      %get3A_1081 = arith.index_cast %add3A_1041 : i32 to index
      %get3A_1082 = arith.constant 48 : index
      %get3A_1083 = tpu.vector_load %arg10[%get3A_1081, %get3A_1082] {strides = array<i32>} : memref<512x64xf32, #tpu.memory_space<vmem>>, vector<1x16xf32>,
      %get3A_1084 = vector.shape_cast %get3A_1083 : vector<1x16xf32> to vector<16xf32>
      %get3A_1085 = arith.index_cast %add3A_1041 : i32 to index
      %get3A_1086 = arith.constant 48 : index
      %get3A_1087 = tpu.vector_load %arg11[%get3A_1085, %get3A_1086] {strides = array<i32>} : memref<512x64xf32, #tpu.memory_space<vmem>>, vector<1x16xf32>,
      %get3A_1088 = vector.shape_cast %get3A_1087 : vector<1x16xf32> to vector<16xf32>
      %sub3A_1089 = arith.subf %get3A_1084, %get3A_1088 : vector<16xf32>
      %mul3A_1090 = arith.mulf %sub3A_1089, %sub3A_1089 : vector<16xf32>
      %mul3A_1091 = vector.broadcast %squeeze3A_1039 : f32 to vector<16xf32>
      %mul3A_1092 = arith.mulf %mul3A_1090, %mul3A_1091 : vector<16xf32>
      %add3A_1093 = arith.addf %add3A_1080, %mul3A_1092 : vector<16xf32>
      %slice3A_1094 = vector.extract_strided_slice %get3A_646 {offsets = [8], sizes = [1], strides = [1]} : vector<16xf32> to vector<1xf32>
      %squeeze3A_1095 = vector.extract %slice3A_1094[0] : f32 from vector<1xf32>
      %add3A_1096 = arith.constant 8 : i32
      %add3A_1097 = arith.addi %mul3A_648, %add3A_1096 : i32
      %get3A_1098 = arith.index_cast %add3A_1097 : i32 to index
      %get3A_1099 = arith.constant 0 : index
      %get3A_1100 = tpu.vector_load %arg10[%get3A_1098, %get3A_1099] {strides = array<i32>} : memref<512x64xf32, #tpu.memory_space<vmem>>, vector<1x16xf32>,
      %get3A_1101 = vector.shape_cast %get3A_1100 : vector<1x16xf32> to vector<16xf32>
      %get3A_1102 = arith.index_cast %add3A_1097 : i32 to index
      %get3A_1103 = arith.constant 0 : index
      %get3A_1104 = tpu.vector_load %arg11[%get3A_1102, %get3A_1103] {strides = array<i32>} : memref<512x64xf32, #tpu.memory_space<vmem>>, vector<1x16xf32>,
      %get3A_1105 = vector.shape_cast %get3A_1104 : vector<1x16xf32> to vector<16xf32>
      %sub3A_1106 = arith.subf %get3A_1101, %get3A_1105 : vector<16xf32>
      %mul3A_1107 = arith.mulf %sub3A_1106, %sub3A_1106 : vector<16xf32>
      %mul3A_1108 = vector.broadcast %squeeze3A_1095 : f32 to vector<16xf32>
      %mul3A_1109 = arith.mulf %mul3A_1107, %mul3A_1108 : vector<16xf32>
      %add3A_1110 = arith.addf %add3A_1093, %mul3A_1109 : vector<16xf32>
      %get3A_1111 = arith.index_cast %add3A_1097 : i32 to index
      %get3A_1112 = arith.constant 16 : index
      %get3A_1113 = tpu.vector_load %arg10[%get3A_1111, %get3A_1112] {strides = array<i32>} : memref<512x64xf32, #tpu.memory_space<vmem>>, vector<1x16xf32>,
      %get3A_1114 = vector.shape_cast %get3A_1113 : vector<1x16xf32> to vector<16xf32>
      %get3A_1115 = arith.index_cast %add3A_1097 : i32 to index
      %get3A_1116 = arith.constant 16 : index
      %get3A_1117 = tpu.vector_load %arg11[%get3A_1115, %get3A_1116] {strides = array<i32>} : memref<512x64xf32, #tpu.memory_space<vmem>>, vector<1x16xf32>,
      %get3A_1118 = vector.shape_cast %get3A_1117 : vector<1x16xf32> to vector<16xf32>
      %sub3A_1119 = arith.subf %get3A_1114, %get3A_1118 : vector<16xf32>
      %mul3A_1120 = arith.mulf %sub3A_1119, %sub3A_1119 : vector<16xf32>
      %mul3A_1121 = vector.broadcast %squeeze3A_1095 : f32 to vector<16xf32>
      %mul3A_1122 = arith.mulf %mul3A_1120, %mul3A_1121 : vector<16xf32>
      %add3A_1123 = arith.addf %add3A_1110, %mul3A_1122 : vector<16xf32>
      %get3A_1124 = arith.index_cast %add3A_1097 : i32 to index
      %get3A_1125 = arith.constant 32 : index
      %get3A_1126 = tpu.vector_load %arg10[%get3A_1124, %get3A_1125] {strides = array<i32>} : memref<512x64xf32, #tpu.memory_space<vmem>>, vector<1x16xf32>,
      %get3A_1127 = vector.shape_cast %get3A_1126 : vector<1x16xf32> to vector<16xf32>
      %get3A_1128 = arith.index_cast %add3A_1097 : i32 to index
      %get3A_1129 = arith.constant 32 : index
      %get3A_1130 = tpu.vector_load %arg11[%get3A_1128, %get3A_1129] {strides = array<i32>} : memref<512x64xf32, #tpu.memory_space<vmem>>, vector<1x16xf32>,
      %get3A_1131 = vector.shape_cast %get3A_1130 : vector<1x16xf32> to vector<16xf32>
      %sub3A_1132 = arith.subf %get3A_1127, %get3A_1131 : vector<16xf32>
      %mul3A_1133 = arith.mulf %sub3A_1132, %sub3A_1132 : vector<16xf32>
      %mul3A_1134 = vector.broadcast %squeeze3A_1095 : f32 to vector<16xf32>
      %mul3A_1135 = arith.mulf %mul3A_1133, %mul3A_1134 : vector<16xf32>
      %add3A_1136 = arith.addf %add3A_1123, %mul3A_1135 : vector<16xf32>
      %get3A_1137 = arith.index_cast %add3A_1097 : i32 to index
      %get3A_1138 = arith.constant 48 : index
      %get3A_1139 = tpu.vector_load %arg10[%get3A_1137, %get3A_1138] {strides = array<i32>} : memref<512x64xf32, #tpu.memory_space<vmem>>, vector<1x16xf32>,
      %get3A_1140 = vector.shape_cast %get3A_1139 : vector<1x16xf32> to vector<16xf32>
      %get3A_1141 = arith.index_cast %add3A_1097 : i32 to index
      %get3A_1142 = arith.constant 48 : index
      %get3A_1143 = tpu.vector_load %arg11[%get3A_1141, %get3A_1142] {strides = array<i32>} : memref<512x64xf32, #tpu.memory_space<vmem>>, vector<1x16xf32>,
      %get3A_1144 = vector.shape_cast %get3A_1143 : vector<1x16xf32> to vector<16xf32>
      %sub3A_1145 = arith.subf %get3A_1140, %get3A_1144 : vector<16xf32>
      %mul3A_1146 = arith.mulf %sub3A_1145, %sub3A_1145 : vector<16xf32>
      %mul3A_1147 = vector.broadcast %squeeze3A_1095 : f32 to vector<16xf32>
      %mul3A_1148 = arith.mulf %mul3A_1146, %mul3A_1147 : vector<16xf32>
      %add3A_1149 = arith.addf %add3A_1136, %mul3A_1148 : vector<16xf32>
      %slice3A_1150 = vector.extract_strided_slice %get3A_646 {offsets = [9], sizes = [1], strides = [1]} : vector<16xf32> to vector<1xf32>
      %squeeze3A_1151 = vector.extract %slice3A_1150[0] : f32 from vector<1xf32>
      %add3A_1152 = arith.constant 9 : i32
      %add3A_1153 = arith.addi %mul3A_648, %add3A_1152 : i32
      %get3A_1154 = arith.index_cast %add3A_1153 : i32 to index
      %get3A_1155 = arith.constant 0 : index
      %get3A_1156 = tpu.vector_load %arg10[%get3A_1154, %get3A_1155] {strides = array<i32>} : memref<512x64xf32, #tpu.memory_space<vmem>>, vector<1x16xf32>,
      %get3A_1157 = vector.shape_cast %get3A_1156 : vector<1x16xf32> to vector<16xf32>
      %get3A_1158 = arith.index_cast %add3A_1153 : i32 to index
      %get3A_1159 = arith.constant 0 : index
      %get3A_1160 = tpu.vector_load %arg11[%get3A_1158, %get3A_1159] {strides = array<i32>} : memref<512x64xf32, #tpu.memory_space<vmem>>, vector<1x16xf32>,
      %get3A_1161 = vector.shape_cast %get3A_1160 : vector<1x16xf32> to vector<16xf32>
      %sub3A_1162 = arith.subf %get3A_1157, %get3A_1161 : vector<16xf32>
      %mul3A_1163 = arith.mulf %sub3A_1162, %sub3A_1162 : vector<16xf32>
      %mul3A_1164 = vector.broadcast %squeeze3A_1151 : f32 to vector<16xf32>
      %mul3A_1165 = arith.mulf %mul3A_1163, %mul3A_1164 : vector<16xf32>
      %add3A_1166 = arith.addf %add3A_1149, %mul3A_1165 : vector<16xf32>
      %get3A_1167 = arith.index_cast %add3A_1153 : i32 to index
      %get3A_1168 = arith.constant 16 : index
      %get3A_1169 = tpu.vector_load %arg10[%get3A_1167, %get3A_1168] {strides = array<i32>} : memref<512x64xf32, #tpu.memory_space<vmem>>, vector<1x16xf32>,
      %get3A_1170 = vector.shape_cast %get3A_1169 : vector<1x16xf32> to vector<16xf32>
      %get3A_1171 = arith.index_cast %add3A_1153 : i32 to index
      %get3A_1172 = arith.constant 16 : index
      %get3A_1173 = tpu.vector_load %arg11[%get3A_1171, %get3A_1172] {strides = array<i32>} : memref<512x64xf32, #tpu.memory_space<vmem>>, vector<1x16xf32>,
      %get3A_1174 = vector.shape_cast %get3A_1173 : vector<1x16xf32> to vector<16xf32>
      %sub3A_1175 = arith.subf %get3A_1170, %get3A_1174 : vector<16xf32>
      %mul3A_1176 = arith.mulf %sub3A_1175, %sub3A_1175 : vector<16xf32>
      %mul3A_1177 = vector.broadcast %squeeze3A_1151 : f32 to vector<16xf32>
      %mul3A_1178 = arith.mulf %mul3A_1176, %mul3A_1177 : vector<16xf32>
      %add3A_1179 = arith.addf %add3A_1166, %mul3A_1178 : vector<16xf32>
      %get3A_1180 = arith.index_cast %add3A_1153 : i32 to index
      %get3A_1181 = arith.constant 32 : index
      %get3A_1182 = tpu.vector_load %arg10[%get3A_1180, %get3A_1181] {strides = array<i32>} : memref<512x64xf32, #tpu.memory_space<vmem>>, vector<1x16xf32>,
      %get3A_1183 = vector.shape_cast %get3A_1182 : vector<1x16xf32> to vector<16xf32>
      %get3A_1184 = arith.index_cast %add3A_1153 : i32 to index
      %get3A_1185 = arith.constant 32 : index
      %get3A_1186 = tpu.vector_load %arg11[%get3A_1184, %get3A_1185] {strides = array<i32>} : memref<512x64xf32, #tpu.memory_space<vmem>>, vector<1x16xf32>,
      %get3A_1187 = vector.shape_cast %get3A_1186 : vector<1x16xf32> to vector<16xf32>
      %sub3A_1188 = arith.subf %get3A_1183, %get3A_1187 : vector<16xf32>
      %mul3A_1189 = arith.mulf %sub3A_1188, %sub3A_1188 : vector<16xf32>
      %mul3A_1190 = vector.broadcast %squeeze3A_1151 : f32 to vector<16xf32>
      %mul3A_1191 = arith.mulf %mul3A_1189, %mul3A_1190 : vector<16xf32>
      %add3A_1192 = arith.addf %add3A_1179, %mul3A_1191 : vector<16xf32>
      %get3A_1193 = arith.index_cast %add3A_1153 : i32 to index
      %get3A_1194 = arith.constant 48 : index
      %get3A_1195 = tpu.vector_load %arg10[%get3A_1193, %get3A_1194] {strides = array<i32>} : memref<512x64xf32, #tpu.memory_space<vmem>>, vector<1x16xf32>,
      %get3A_1196 = vector.shape_cast %get3A_1195 : vector<1x16xf32> to vector<16xf32>
      %get3A_1197 = arith.index_cast %add3A_1153 : i32 to index
      %get3A_1198 = arith.constant 48 : index
      %get3A_1199 = tpu.vector_load %arg11[%get3A_1197, %get3A_1198] {strides = array<i32>} : memref<512x64xf32, #tpu.memory_space<vmem>>, vector<1x16xf32>,
      %get3A_1200 = vector.shape_cast %get3A_1199 : vector<1x16xf32> to vector<16xf32>
      %sub3A_1201 = arith.subf %get3A_1196, %get3A_1200 : vector<16xf32>
      %mul3A_1202 = arith.mulf %sub3A_1201, %sub3A_1201 : vector<16xf32>
      %mul3A_1203 = vector.broadcast %squeeze3A_1151 : f32 to vector<16xf32>
      %mul3A_1204 = arith.mulf %mul3A_1202, %mul3A_1203 : vector<16xf32>
      %add3A_1205 = arith.addf %add3A_1192, %mul3A_1204 : vector<16xf32>
      %slice3A_1206 = vector.extract_strided_slice %get3A_646 {offsets = [10], sizes = [1], strides = [1]} : vector<16xf32> to vector<1xf32>
      %squeeze3A_1207 = vector.extract %slice3A_1206[0] : f32 from vector<1xf32>
      %add3A_1208 = arith.constant 10 : i32
      %add3A_1209 = arith.addi %mul3A_648, %add3A_1208 : i32
      %get3A_1210 = arith.index_cast %add3A_1209 : i32 to index
      %get3A_1211 = arith.constant 0 : index
      %get3A_1212 = tpu.vector_load %arg10[%get3A_1210, %get3A_1211] {strides = array<i32>} : memref<512x64xf32, #tpu.memory_space<vmem>>, vector<1x16xf32>,
      %get3A_1213 = vector.shape_cast %get3A_1212 : vector<1x16xf32> to vector<16xf32>
      %get3A_1214 = arith.index_cast %add3A_1209 : i32 to index
      %get3A_1215 = arith.constant 0 : index
      %get3A_1216 = tpu.vector_load %arg11[%get3A_1214, %get3A_1215] {strides = array<i32>} : memref<512x64xf32, #tpu.memory_space<vmem>>, vector<1x16xf32>,
      %get3A_1217 = vector.shape_cast %get3A_1216 : vector<1x16xf32> to vector<16xf32>
      %sub3A_1218 = arith.subf %get3A_1213, %get3A_1217 : vector<16xf32>
      %mul3A_1219 = arith.mulf %sub3A_1218, %sub3A_1218 : vector<16xf32>
      %mul3A_1220 = vector.broadcast %squeeze3A_1207 : f32 to vector<16xf32>
      %mul3A_1221 = arith.mulf %mul3A_1219, %mul3A_1220 : vector<16xf32>
      %add3A_1222 = arith.addf %add3A_1205, %mul3A_1221 : vector<16xf32>
      %get3A_1223 = arith.index_cast %add3A_1209 : i32 to index
      %get3A_1224 = arith.constant 16 : index
      %get3A_1225 = tpu.vector_load %arg10[%get3A_1223, %get3A_1224] {strides = array<i32>} : memref<512x64xf32, #tpu.memory_space<vmem>>, vector<1x16xf32>,
      %get3A_1226 = vector.shape_cast %get3A_1225 : vector<1x16xf32> to vector<16xf32>
      %get3A_1227 = arith.index_cast %add3A_1209 : i32 to index
      %get3A_1228 = arith.constant 16 : index
      %get3A_1229 = tpu.vector_load %arg11[%get3A_1227, %get3A_1228] {strides = array<i32>} : memref<512x64xf32, #tpu.memory_space<vmem>>, vector<1x16xf32>,
      %get3A_1230 = vector.shape_cast %get3A_1229 : vector<1x16xf32> to vector<16xf32>
      %sub3A_1231 = arith.subf %get3A_1226, %get3A_1230 : vector<16xf32>
      %mul3A_1232 = arith.mulf %sub3A_1231, %sub3A_1231 : vector<16xf32>
      %mul3A_1233 = vector.broadcast %squeeze3A_1207 : f32 to vector<16xf32>
      %mul3A_1234 = arith.mulf %mul3A_1232, %mul3A_1233 : vector<16xf32>
      %add3A_1235 = arith.addf %add3A_1222, %mul3A_1234 : vector<16xf32>
      %get3A_1236 = arith.index_cast %add3A_1209 : i32 to index
      %get3A_1237 = arith.constant 32 : index
      %get3A_1238 = tpu.vector_load %arg10[%get3A_1236, %get3A_1237] {strides = array<i32>} : memref<512x64xf32, #tpu.memory_space<vmem>>, vector<1x16xf32>,
      %get3A_1239 = vector.shape_cast %get3A_1238 : vector<1x16xf32> to vector<16xf32>
      %get3A_1240 = arith.index_cast %add3A_1209 : i32 to index
      %get3A_1241 = arith.constant 32 : index
      %get3A_1242 = tpu.vector_load %arg11[%get3A_1240, %get3A_1241] {strides = array<i32>} : memref<512x64xf32, #tpu.memory_space<vmem>>, vector<1x16xf32>,
      %get3A_1243 = vector.shape_cast %get3A_1242 : vector<1x16xf32> to vector<16xf32>
      %sub3A_1244 = arith.subf %get3A_1239, %get3A_1243 : vector<16xf32>
      %mul3A_1245 = arith.mulf %sub3A_1244, %sub3A_1244 : vector<16xf32>
      %mul3A_1246 = vector.broadcast %squeeze3A_1207 : f32 to vector<16xf32>
      %mul3A_1247 = arith.mulf %mul3A_1245, %mul3A_1246 : vector<16xf32>
      %add3A_1248 = arith.addf %add3A_1235, %mul3A_1247 : vector<16xf32>
      %get3A_1249 = arith.index_cast %add3A_1209 : i32 to index
      %get3A_1250 = arith.constant 48 : index
      %get3A_1251 = tpu.vector_load %arg10[%get3A_1249, %get3A_1250] {strides = array<i32>} : memref<512x64xf32, #tpu.memory_space<vmem>>, vector<1x16xf32>,
      %get3A_1252 = vector.shape_cast %get3A_1251 : vector<1x16xf32> to vector<16xf32>
      %get3A_1253 = arith.index_cast %add3A_1209 : i32 to index
      %get3A_1254 = arith.constant 48 : index
      %get3A_1255 = tpu.vector_load %arg11[%get3A_1253, %get3A_1254] {strides = array<i32>} : memref<512x64xf32, #tpu.memory_space<vmem>>, vector<1x16xf32>,
      %get3A_1256 = vector.shape_cast %get3A_1255 : vector<1x16xf32> to vector<16xf32>
      %sub3A_1257 = arith.subf %get3A_1252, %get3A_1256 : vector<16xf32>
      %mul3A_1258 = arith.mulf %sub3A_1257, %sub3A_1257 : vector<16xf32>
      %mul3A_1259 = vector.broadcast %squeeze3A_1207 : f32 to vector<16xf32>
      %mul3A_1260 = arith.mulf %mul3A_1258, %mul3A_1259 : vector<16xf32>
      %add3A_1261 = arith.addf %add3A_1248, %mul3A_1260 : vector<16xf32>
      %slice3A_1262 = vector.extract_strided_slice %get3A_646 {offsets = [11], sizes = [1], strides = [1]} : vector<16xf32> to vector<1xf32>
      %squeeze3A_1263 = vector.extract %slice3A_1262[0] : f32 from vector<1xf32>
      %add3A_1264 = arith.constant 11 : i32
      %add3A_1265 = arith.addi %mul3A_648, %add3A_1264 : i32
      %get3A_1266 = arith.index_cast %add3A_1265 : i32 to index
      %get3A_1267 = arith.constant 0 : index
      %get3A_1268 = tpu.vector_load %arg10[%get3A_1266, %get3A_1267] {strides = array<i32>} : memref<512x64xf32, #tpu.memory_space<vmem>>, vector<1x16xf32>,
      %get3A_1269 = vector.shape_cast %get3A_1268 : vector<1x16xf32> to vector<16xf32>
      %get3A_1270 = arith.index_cast %add3A_1265 : i32 to index
      %get3A_1271 = arith.constant 0 : index
      %get3A_1272 = tpu.vector_load %arg11[%get3A_1270, %get3A_1271] {strides = array<i32>} : memref<512x64xf32, #tpu.memory_space<vmem>>, vector<1x16xf32>,
      %get3A_1273 = vector.shape_cast %get3A_1272 : vector<1x16xf32> to vector<16xf32>
      %sub3A_1274 = arith.subf %get3A_1269, %get3A_1273 : vector<16xf32>
      %mul3A_1275 = arith.mulf %sub3A_1274, %sub3A_1274 : vector<16xf32>
      %mul3A_1276 = vector.broadcast %squeeze3A_1263 : f32 to vector<16xf32>
      %mul3A_1277 = arith.mulf %mul3A_1275, %mul3A_1276 : vector<16xf32>
      %add3A_1278 = arith.addf %add3A_1261, %mul3A_1277 : vector<16xf32>
      %get3A_1279 = arith.index_cast %add3A_1265 : i32 to index
      %get3A_1280 = arith.constant 16 : index
      %get3A_1281 = tpu.vector_load %arg10[%get3A_1279, %get3A_1280] {strides = array<i32>} : memref<512x64xf32, #tpu.memory_space<vmem>>, vector<1x16xf32>,
      %get3A_1282 = vector.shape_cast %get3A_1281 : vector<1x16xf32> to vector<16xf32>
      %get3A_1283 = arith.index_cast %add3A_1265 : i32 to index
      %get3A_1284 = arith.constant 16 : index
      %get3A_1285 = tpu.vector_load %arg11[%get3A_1283, %get3A_1284] {strides = array<i32>} : memref<512x64xf32, #tpu.memory_space<vmem>>, vector<1x16xf32>,
      %get3A_1286 = vector.shape_cast %get3A_1285 : vector<1x16xf32> to vector<16xf32>
      %sub3A_1287 = arith.subf %get3A_1282, %get3A_1286 : vector<16xf32>
      %mul3A_1288 = arith.mulf %sub3A_1287, %sub3A_1287 : vector<16xf32>
      %mul3A_1289 = vector.broadcast %squeeze3A_1263 : f32 to vector<16xf32>
      %mul3A_1290 = arith.mulf %mul3A_1288, %mul3A_1289 : vector<16xf32>
      %add3A_1291 = arith.addf %add3A_1278, %mul3A_1290 : vector<16xf32>
      %get3A_1292 = arith.index_cast %add3A_1265 : i32 to index
      %get3A_1293 = arith.constant 32 : index
      %get3A_1294 = tpu.vector_load %arg10[%get3A_1292, %get3A_1293] {strides = array<i32>} : memref<512x64xf32, #tpu.memory_space<vmem>>, vector<1x16xf32>,
      %get3A_1295 = vector.shape_cast %get3A_1294 : vector<1x16xf32> to vector<16xf32>
      %get3A_1296 = arith.index_cast %add3A_1265 : i32 to index
      %get3A_1297 = arith.constant 32 : index
      %get3A_1298 = tpu.vector_load %arg11[%get3A_1296, %get3A_1297] {strides = array<i32>} : memref<512x64xf32, #tpu.memory_space<vmem>>, vector<1x16xf32>,
      %get3A_1299 = vector.shape_cast %get3A_1298 : vector<1x16xf32> to vector<16xf32>
      %sub3A_1300 = arith.subf %get3A_1295, %get3A_1299 : vector<16xf32>
      %mul3A_1301 = arith.mulf %sub3A_1300, %sub3A_1300 : vector<16xf32>
      %mul3A_1302 = vector.broadcast %squeeze3A_1263 : f32 to vector<16xf32>
      %mul3A_1303 = arith.mulf %mul3A_1301, %mul3A_1302 : vector<16xf32>
      %add3A_1304 = arith.addf %add3A_1291, %mul3A_1303 : vector<16xf32>
      %get3A_1305 = arith.index_cast %add3A_1265 : i32 to index
      %get3A_1306 = arith.constant 48 : index
      %get3A_1307 = tpu.vector_load %arg10[%get3A_1305, %get3A_1306] {strides = array<i32>} : memref<512x64xf32, #tpu.memory_space<vmem>>, vector<1x16xf32>,
      %get3A_1308 = vector.shape_cast %get3A_1307 : vector<1x16xf32> to vector<16xf32>
      %get3A_1309 = arith.index_cast %add3A_1265 : i32 to index
      %get3A_1310 = arith.constant 48 : index
      %get3A_1311 = tpu.vector_load %arg11[%get3A_1309, %get3A_1310] {strides = array<i32>} : memref<512x64xf32, #tpu.memory_space<vmem>>, vector<1x16xf32>,
      %get3A_1312 = vector.shape_cast %get3A_1311 : vector<1x16xf32> to vector<16xf32>
      %sub3A_1313 = arith.subf %get3A_1308, %get3A_1312 : vector<16xf32>
      %mul3A_1314 = arith.mulf %sub3A_1313, %sub3A_1313 : vector<16xf32>
      %mul3A_1315 = vector.broadcast %squeeze3A_1263 : f32 to vector<16xf32>
      %mul3A_1316 = arith.mulf %mul3A_1314, %mul3A_1315 : vector<16xf32>
      %add3A_1317 = arith.addf %add3A_1304, %mul3A_1316 : vector<16xf32>
      %slice3A_1318 = vector.extract_strided_slice %get3A_646 {offsets = [12], sizes = [1], strides = [1]} : vector<16xf32> to vector<1xf32>
      %squeeze3A_1319 = vector.extract %slice3A_1318[0] : f32 from vector<1xf32>
      %add3A_1320 = arith.constant 12 : i32
      %add3A_1321 = arith.addi %mul3A_648, %add3A_1320 : i32
      %get3A_1322 = arith.index_cast %add3A_1321 : i32 to index
      %get3A_1323 = arith.constant 0 : index
      %get3A_1324 = tpu.vector_load %arg10[%get3A_1322, %get3A_1323] {strides = array<i32>} : memref<512x64xf32, #tpu.memory_space<vmem>>, vector<1x16xf32>,
      %get3A_1325 = vector.shape_cast %get3A_1324 : vector<1x16xf32> to vector<16xf32>
      %get3A_1326 = arith.index_cast %add3A_1321 : i32 to index
      %get3A_1327 = arith.constant 0 : index
      %get3A_1328 = tpu.vector_load %arg11[%get3A_1326, %get3A_1327] {strides = array<i32>} : memref<512x64xf32, #tpu.memory_space<vmem>>, vector<1x16xf32>,
      %get3A_1329 = vector.shape_cast %get3A_1328 : vector<1x16xf32> to vector<16xf32>
      %sub3A_1330 = arith.subf %get3A_1325, %get3A_1329 : vector<16xf32>
      %mul3A_1331 = arith.mulf %sub3A_1330, %sub3A_1330 : vector<16xf32>
      %mul3A_1332 = vector.broadcast %squeeze3A_1319 : f32 to vector<16xf32>
      %mul3A_1333 = arith.mulf %mul3A_1331, %mul3A_1332 : vector<16xf32>
      %add3A_1334 = arith.addf %add3A_1317, %mul3A_1333 : vector<16xf32>
      %get3A_1335 = arith.index_cast %add3A_1321 : i32 to index
      %get3A_1336 = arith.constant 16 : index
      %get3A_1337 = tpu.vector_load %arg10[%get3A_1335, %get3A_1336] {strides = array<i32>} : memref<512x64xf32, #tpu.memory_space<vmem>>, vector<1x16xf32>,
      %get3A_1338 = vector.shape_cast %get3A_1337 : vector<1x16xf32> to vector<16xf32>
      %get3A_1339 = arith.index_cast %add3A_1321 : i32 to index
      %get3A_1340 = arith.constant 16 : index
      %get3A_1341 = tpu.vector_load %arg11[%get3A_1339, %get3A_1340] {strides = array<i32>} : memref<512x64xf32, #tpu.memory_space<vmem>>, vector<1x16xf32>,
      %get3A_1342 = vector.shape_cast %get3A_1341 : vector<1x16xf32> to vector<16xf32>
      %sub3A_1343 = arith.subf %get3A_1338, %get3A_1342 : vector<16xf32>
      %mul3A_1344 = arith.mulf %sub3A_1343, %sub3A_1343 : vector<16xf32>
      %mul3A_1345 = vector.broadcast %squeeze3A_1319 : f32 to vector<16xf32>
      %mul3A_1346 = arith.mulf %mul3A_1344, %mul3A_1345 : vector<16xf32>
      %add3A_1347 = arith.addf %add3A_1334, %mul3A_1346 : vector<16xf32>
      %get3A_1348 = arith.index_cast %add3A_1321 : i32 to index
      %get3A_1349 = arith.constant 32 : index
      %get3A_1350 = tpu.vector_load %arg10[%get3A_1348, %get3A_1349] {strides = array<i32>} : memref<512x64xf32, #tpu.memory_space<vmem>>, vector<1x16xf32>,
      %get3A_1351 = vector.shape_cast %get3A_1350 : vector<1x16xf32> to vector<16xf32>
      %get3A_1352 = arith.index_cast %add3A_1321 : i32 to index
      %get3A_1353 = arith.constant 32 : index
      %get3A_1354 = tpu.vector_load %arg11[%get3A_1352, %get3A_1353] {strides = array<i32>} : memref<512x64xf32, #tpu.memory_space<vmem>>, vector<1x16xf32>,
      %get3A_1355 = vector.shape_cast %get3A_1354 : vector<1x16xf32> to vector<16xf32>
      %sub3A_1356 = arith.subf %get3A_1351, %get3A_1355 : vector<16xf32>
      %mul3A_1357 = arith.mulf %sub3A_1356, %sub3A_1356 : vector<16xf32>
      %mul3A_1358 = vector.broadcast %squeeze3A_1319 : f32 to vector<16xf32>
      %mul3A_1359 = arith.mulf %mul3A_1357, %mul3A_1358 : vector<16xf32>
      %add3A_1360 = arith.addf %add3A_1347, %mul3A_1359 : vector<16xf32>
      %get3A_1361 = arith.index_cast %add3A_1321 : i32 to index
      %get3A_1362 = arith.constant 48 : index
      %get3A_1363 = tpu.vector_load %arg10[%get3A_1361, %get3A_1362] {strides = array<i32>} : memref<512x64xf32, #tpu.memory_space<vmem>>, vector<1x16xf32>,
      %get3A_1364 = vector.shape_cast %get3A_1363 : vector<1x16xf32> to vector<16xf32>
      %get3A_1365 = arith.index_cast %add3A_1321 : i32 to index
      %get3A_1366 = arith.constant 48 : index
      %get3A_1367 = tpu.vector_load %arg11[%get3A_1365, %get3A_1366] {strides = array<i32>} : memref<512x64xf32, #tpu.memory_space<vmem>>, vector<1x16xf32>,
      %get3A_1368 = vector.shape_cast %get3A_1367 : vector<1x16xf32> to vector<16xf32>
      %sub3A_1369 = arith.subf %get3A_1364, %get3A_1368 : vector<16xf32>
      %mul3A_1370 = arith.mulf %sub3A_1369, %sub3A_1369 : vector<16xf32>
      %mul3A_1371 = vector.broadcast %squeeze3A_1319 : f32 to vector<16xf32>
      %mul3A_1372 = arith.mulf %mul3A_1370, %mul3A_1371 : vector<16xf32>
      %add3A_1373 = arith.addf %add3A_1360, %mul3A_1372 : vector<16xf32>
      %slice3A_1374 = vector.extract_strided_slice %get3A_646 {offsets = [13], sizes = [1], strides = [1]} : vector<16xf32> to vector<1xf32>
      %squeeze3A_1375 = vector.extract %slice3A_1374[0] : f32 from vector<1xf32>
      %add3A_1376 = arith.constant 13 : i32
      %add3A_1377 = arith.addi %mul3A_648, %add3A_1376 : i32
      %get3A_1378 = arith.index_cast %add3A_1377 : i32 to index
      %get3A_1379 = arith.constant 0 : index
      %get3A_1380 = tpu.vector_load %arg10[%get3A_1378, %get3A_1379] {strides = array<i32>} : memref<512x64xf32, #tpu.memory_space<vmem>>, vector<1x16xf32>,
      %get3A_1381 = vector.shape_cast %get3A_1380 : vector<1x16xf32> to vector<16xf32>
      %get3A_1382 = arith.index_cast %add3A_1377 : i32 to index
      %get3A_1383 = arith.constant 0 : index
      %get3A_1384 = tpu.vector_load %arg11[%get3A_1382, %get3A_1383] {strides = array<i32>} : memref<512x64xf32, #tpu.memory_space<vmem>>, vector<1x16xf32>,
      %get3A_1385 = vector.shape_cast %get3A_1384 : vector<1x16xf32> to vector<16xf32>
      %sub3A_1386 = arith.subf %get3A_1381, %get3A_1385 : vector<16xf32>
      %mul3A_1387 = arith.mulf %sub3A_1386, %sub3A_1386 : vector<16xf32>
      %mul3A_1388 = vector.broadcast %squeeze3A_1375 : f32 to vector<16xf32>
      %mul3A_1389 = arith.mulf %mul3A_1387, %mul3A_1388 : vector<16xf32>
      %add3A_1390 = arith.addf %add3A_1373, %mul3A_1389 : vector<16xf32>
      %get3A_1391 = arith.index_cast %add3A_1377 : i32 to index
      %get3A_1392 = arith.constant 16 : index
      %get3A_1393 = tpu.vector_load %arg10[%get3A_1391, %get3A_1392] {strides = array<i32>} : memref<512x64xf32, #tpu.memory_space<vmem>>, vector<1x16xf32>,
      %get3A_1394 = vector.shape_cast %get3A_1393 : vector<1x16xf32> to vector<16xf32>
      %get3A_1395 = arith.index_cast %add3A_1377 : i32 to index
      %get3A_1396 = arith.constant 16 : index
      %get3A_1397 = tpu.vector_load %arg11[%get3A_1395, %get3A_1396] {strides = array<i32>} : memref<512x64xf32, #tpu.memory_space<vmem>>, vector<1x16xf32>,
      %get3A_1398 = vector.shape_cast %get3A_1397 : vector<1x16xf32> to vector<16xf32>
      %sub3A_1399 = arith.subf %get3A_1394, %get3A_1398 : vector<16xf32>
      %mul3A_1400 = arith.mulf %sub3A_1399, %sub3A_1399 : vector<16xf32>
      %mul3A_1401 = vector.broadcast %squeeze3A_1375 : f32 to vector<16xf32>
      %mul3A_1402 = arith.mulf %mul3A_1400, %mul3A_1401 : vector<16xf32>
      %add3A_1403 = arith.addf %add3A_1390, %mul3A_1402 : vector<16xf32>
      %get3A_1404 = arith.index_cast %add3A_1377 : i32 to index
      %get3A_1405 = arith.constant 32 : index
      %get3A_1406 = tpu.vector_load %arg10[%get3A_1404, %get3A_1405] {strides = array<i32>} : memref<512x64xf32, #tpu.memory_space<vmem>>, vector<1x16xf32>,
      %get3A_1407 = vector.shape_cast %get3A_1406 : vector<1x16xf32> to vector<16xf32>
      %get3A_1408 = arith.index_cast %add3A_1377 : i32 to index
      %get3A_1409 = arith.constant 32 : index
      %get3A_1410 = tpu.vector_load %arg11[%get3A_1408, %get3A_1409] {strides = array<i32>} : memref<512x64xf32, #tpu.memory_space<vmem>>, vector<1x16xf32>,
      %get3A_1411 = vector.shape_cast %get3A_1410 : vector<1x16xf32> to vector<16xf32>
      %sub3A_1412 = arith.subf %get3A_1407, %get3A_1411 : vector<16xf32>
      %mul3A_1413 = arith.mulf %sub3A_1412, %sub3A_1412 : vector<16xf32>
      %mul3A_1414 = vector.broadcast %squeeze3A_1375 : f32 to vector<16xf32>
      %mul3A_1415 = arith.mulf %mul3A_1413, %mul3A_1414 : vector<16xf32>
      %add3A_1416 = arith.addf %add3A_1403, %mul3A_1415 : vector<16xf32>
      %get3A_1417 = arith.index_cast %add3A_1377 : i32 to index
      %get3A_1418 = arith.constant 48 : index
      %get3A_1419 = tpu.vector_load %arg10[%get3A_1417, %get3A_1418] {strides = array<i32>} : memref<512x64xf32, #tpu.memory_space<vmem>>, vector<1x16xf32>,
      %get3A_1420 = vector.shape_cast %get3A_1419 : vector<1x16xf32> to vector<16xf32>
      %get3A_1421 = arith.index_cast %add3A_1377 : i32 to index
      %get3A_1422 = arith.constant 48 : index
      %get3A_1423 = tpu.vector_load %arg11[%get3A_1421, %get3A_1422] {strides = array<i32>} : memref<512x64xf32, #tpu.memory_space<vmem>>, vector<1x16xf32>,
      %get3A_1424 = vector.shape_cast %get3A_1423 : vector<1x16xf32> to vector<16xf32>
      %sub3A_1425 = arith.subf %get3A_1420, %get3A_1424 : vector<16xf32>
      %mul3A_1426 = arith.mulf %sub3A_1425, %sub3A_1425 : vector<16xf32>
      %mul3A_1427 = vector.broadcast %squeeze3A_1375 : f32 to vector<16xf32>
      %mul3A_1428 = arith.mulf %mul3A_1426, %mul3A_1427 : vector<16xf32>
      %add3A_1429 = arith.addf %add3A_1416, %mul3A_1428 : vector<16xf32>
      %slice3A_1430 = vector.extract_strided_slice %get3A_646 {offsets = [14], sizes = [1], strides = [1]} : vector<16xf32> to vector<1xf32>
      %squeeze3A_1431 = vector.extract %slice3A_1430[0] : f32 from vector<1xf32>
      %add3A_1432 = arith.constant 14 : i32
      %add3A_1433 = arith.addi %mul3A_648, %add3A_1432 : i32
      %get3A_1434 = arith.index_cast %add3A_1433 : i32 to index
      %get3A_1435 = arith.constant 0 : index
      %get3A_1436 = tpu.vector_load %arg10[%get3A_1434, %get3A_1435] {strides = array<i32>} : memref<512x64xf32, #tpu.memory_space<vmem>>, vector<1x16xf32>,
      %get3A_1437 = vector.shape_cast %get3A_1436 : vector<1x16xf32> to vector<16xf32>
      %get3A_1438 = arith.index_cast %add3A_1433 : i32 to index
      %get3A_1439 = arith.constant 0 : index
      %get3A_1440 = tpu.vector_load %arg11[%get3A_1438, %get3A_1439] {strides = array<i32>} : memref<512x64xf32, #tpu.memory_space<vmem>>, vector<1x16xf32>,
      %get3A_1441 = vector.shape_cast %get3A_1440 : vector<1x16xf32> to vector<16xf32>
      %sub3A_1442 = arith.subf %get3A_1437, %get3A_1441 : vector<16xf32>
      %mul3A_1443 = arith.mulf %sub3A_1442, %sub3A_1442 : vector<16xf32>
      %mul3A_1444 = vector.broadcast %squeeze3A_1431 : f32 to vector<16xf32>
      %mul3A_1445 = arith.mulf %mul3A_1443, %mul3A_1444 : vector<16xf32>
      %add3A_1446 = arith.addf %add3A_1429, %mul3A_1445 : vector<16xf32>
      %get3A_1447 = arith.index_cast %add3A_1433 : i32 to index
      %get3A_1448 = arith.constant 16 : index
      %get3A_1449 = tpu.vector_load %arg10[%get3A_1447, %get3A_1448] {strides = array<i32>} : memref<512x64xf32, #tpu.memory_space<vmem>>, vector<1x16xf32>,
      %get3A_1450 = vector.shape_cast %get3A_1449 : vector<1x16xf32> to vector<16xf32>
      %get3A_1451 = arith.index_cast %add3A_1433 : i32 to index
      %get3A_1452 = arith.constant 16 : index
      %get3A_1453 = tpu.vector_load %arg11[%get3A_1451, %get3A_1452] {strides = array<i32>} : memref<512x64xf32, #tpu.memory_space<vmem>>, vector<1x16xf32>,
      %get3A_1454 = vector.shape_cast %get3A_1453 : vector<1x16xf32> to vector<16xf32>
      %sub3A_1455 = arith.subf %get3A_1450, %get3A_1454 : vector<16xf32>
      %mul3A_1456 = arith.mulf %sub3A_1455, %sub3A_1455 : vector<16xf32>
      %mul3A_1457 = vector.broadcast %squeeze3A_1431 : f32 to vector<16xf32>
      %mul3A_1458 = arith.mulf %mul3A_1456, %mul3A_1457 : vector<16xf32>
      %add3A_1459 = arith.addf %add3A_1446, %mul3A_1458 : vector<16xf32>
      %get3A_1460 = arith.index_cast %add3A_1433 : i32 to index
      %get3A_1461 = arith.constant 32 : index
      %get3A_1462 = tpu.vector_load %arg10[%get3A_1460, %get3A_1461] {strides = array<i32>} : memref<512x64xf32, #tpu.memory_space<vmem>>, vector<1x16xf32>,
      %get3A_1463 = vector.shape_cast %get3A_1462 : vector<1x16xf32> to vector<16xf32>
      %get3A_1464 = arith.index_cast %add3A_1433 : i32 to index
      %get3A_1465 = arith.constant 32 : index
      %get3A_1466 = tpu.vector_load %arg11[%get3A_1464, %get3A_1465] {strides = array<i32>} : memref<512x64xf32, #tpu.memory_space<vmem>>, vector<1x16xf32>,
      %get3A_1467 = vector.shape_cast %get3A_1466 : vector<1x16xf32> to vector<16xf32>
      %sub3A_1468 = arith.subf %get3A_1463, %get3A_1467 : vector<16xf32>
      %mul3A_1469 = arith.mulf %sub3A_1468, %sub3A_1468 : vector<16xf32>
      %mul3A_1470 = vector.broadcast %squeeze3A_1431 : f32 to vector<16xf32>
      %mul3A_1471 = arith.mulf %mul3A_1469, %mul3A_1470 : vector<16xf32>
      %add3A_1472 = arith.addf %add3A_1459, %mul3A_1471 : vector<16xf32>
      %get3A_1473 = arith.index_cast %add3A_1433 : i32 to index
      %get3A_1474 = arith.constant 48 : index
      %get3A_1475 = tpu.vector_load %arg10[%get3A_1473, %get3A_1474] {strides = array<i32>} : memref<512x64xf32, #tpu.memory_space<vmem>>, vector<1x16xf32>,
      %get3A_1476 = vector.shape_cast %get3A_1475 : vector<1x16xf32> to vector<16xf32>
      %get3A_1477 = arith.index_cast %add3A_1433 : i32 to index
      %get3A_1478 = arith.constant 48 : index
      %get3A_1479 = tpu.vector_load %arg11[%get3A_1477, %get3A_1478] {strides = array<i32>} : memref<512x64xf32, #tpu.memory_space<vmem>>, vector<1x16xf32>,
      %get3A_1480 = vector.shape_cast %get3A_1479 : vector<1x16xf32> to vector<16xf32>
      %sub3A_1481 = arith.subf %get3A_1476, %get3A_1480 : vector<16xf32>
      %mul3A_1482 = arith.mulf %sub3A_1481, %sub3A_1481 : vector<16xf32>
      %mul3A_1483 = vector.broadcast %squeeze3A_1431 : f32 to vector<16xf32>
      %mul3A_1484 = arith.mulf %mul3A_1482, %mul3A_1483 : vector<16xf32>
      %add3A_1485 = arith.addf %add3A_1472, %mul3A_1484 : vector<16xf32>
      %slice3A_1486 = vector.extract_strided_slice %get3A_646 {offsets = [15], sizes = [1], strides = [1]} : vector<16xf32> to vector<1xf32>
      %squeeze3A_1487 = vector.extract %slice3A_1486[0] : f32 from vector<1xf32>
      %add3A_1488 = arith.constant 15 : i32
      %add3A_1489 = arith.addi %mul3A_648, %add3A_1488 : i32
      %get3A_1490 = arith.index_cast %add3A_1489 : i32 to index
      %get3A_1491 = arith.constant 0 : index
      %get3A_1492 = tpu.vector_load %arg10[%get3A_1490, %get3A_1491] {strides = array<i32>} : memref<512x64xf32, #tpu.memory_space<vmem>>, vector<1x16xf32>,
      %get3A_1493 = vector.shape_cast %get3A_1492 : vector<1x16xf32> to vector<16xf32>
      %get3A_1494 = arith.index_cast %add3A_1489 : i32 to index
      %get3A_1495 = arith.constant 0 : index
      %get3A_1496 = tpu.vector_load %arg11[%get3A_1494, %get3A_1495] {strides = array<i32>} : memref<512x64xf32, #tpu.memory_space<vmem>>, vector<1x16xf32>,
      %get3A_1497 = vector.shape_cast %get3A_1496 : vector<1x16xf32> to vector<16xf32>
      %sub3A_1498 = arith.subf %get3A_1493, %get3A_1497 : vector<16xf32>
      %mul3A_1499 = arith.mulf %sub3A_1498, %sub3A_1498 : vector<16xf32>
      %mul3A_1500 = vector.broadcast %squeeze3A_1487 : f32 to vector<16xf32>
      %mul3A_1501 = arith.mulf %mul3A_1499, %mul3A_1500 : vector<16xf32>
      %add3A_1502 = arith.addf %add3A_1485, %mul3A_1501 : vector<16xf32>
      %get3A_1503 = arith.index_cast %add3A_1489 : i32 to index
      %get3A_1504 = arith.constant 16 : index
      %get3A_1505 = tpu.vector_load %arg10[%get3A_1503, %get3A_1504] {strides = array<i32>} : memref<512x64xf32, #tpu.memory_space<vmem>>, vector<1x16xf32>,
      %get3A_1506 = vector.shape_cast %get3A_1505 : vector<1x16xf32> to vector<16xf32>
      %get3A_1507 = arith.index_cast %add3A_1489 : i32 to index
      %get3A_1508 = arith.constant 16 : index
      %get3A_1509 = tpu.vector_load %arg11[%get3A_1507, %get3A_1508] {strides = array<i32>} : memref<512x64xf32, #tpu.memory_space<vmem>>, vector<1x16xf32>,
      %get3A_1510 = vector.shape_cast %get3A_1509 : vector<1x16xf32> to vector<16xf32>
      %sub3A_1511 = arith.subf %get3A_1506, %get3A_1510 : vector<16xf32>
      %mul3A_1512 = arith.mulf %sub3A_1511, %sub3A_1511 : vector<16xf32>
      %mul3A_1513 = vector.broadcast %squeeze3A_1487 : f32 to vector<16xf32>
      %mul3A_1514 = arith.mulf %mul3A_1512, %mul3A_1513 : vector<16xf32>
      %add3A_1515 = arith.addf %add3A_1502, %mul3A_1514 : vector<16xf32>
      %get3A_1516 = arith.index_cast %add3A_1489 : i32 to index
      %get3A_1517 = arith.constant 32 : index
      %get3A_1518 = tpu.vector_load %arg10[%get3A_1516, %get3A_1517] {strides = array<i32>} : memref<512x64xf32, #tpu.memory_space<vmem>>, vector<1x16xf32>,
      %get3A_1519 = vector.shape_cast %get3A_1518 : vector<1x16xf32> to vector<16xf32>
      %get3A_1520 = arith.index_cast %add3A_1489 : i32 to index
      %get3A_1521 = arith.constant 32 : index
      %get3A_1522 = tpu.vector_load %arg11[%get3A_1520, %get3A_1521] {strides = array<i32>} : memref<512x64xf32, #tpu.memory_space<vmem>>, vector<1x16xf32>,
      %get3A_1523 = vector.shape_cast %get3A_1522 : vector<1x16xf32> to vector<16xf32>
      %sub3A_1524 = arith.subf %get3A_1519, %get3A_1523 : vector<16xf32>
      %mul3A_1525 = arith.mulf %sub3A_1524, %sub3A_1524 : vector<16xf32>
      %mul3A_1526 = vector.broadcast %squeeze3A_1487 : f32 to vector<16xf32>
      %mul3A_1527 = arith.mulf %mul3A_1525, %mul3A_1526 : vector<16xf32>
      %add3A_1528 = arith.addf %add3A_1515, %mul3A_1527 : vector<16xf32>
      %get3A_1529 = arith.index_cast %add3A_1489 : i32 to index
      %get3A_1530 = arith.constant 48 : index
      %get3A_1531 = tpu.vector_load %arg10[%get3A_1529, %get3A_1530] {strides = array<i32>} : memref<512x64xf32, #tpu.memory_space<vmem>>, vector<1x16xf32>,
      %get3A_1532 = vector.shape_cast %get3A_1531 : vector<1x16xf32> to vector<16xf32>
      %get3A_1533 = arith.index_cast %add3A_1489 : i32 to index
      %get3A_1534 = arith.constant 48 : index
      %get3A_1535 = tpu.vector_load %arg11[%get3A_1533, %get3A_1534] {strides = array<i32>} : memref<512x64xf32, #tpu.memory_space<vmem>>, vector<1x16xf32>,
      %get3A_1536 = vector.shape_cast %get3A_1535 : vector<1x16xf32> to vector<16xf32>
      %sub3A_1537 = arith.subf %get3A_1532, %get3A_1536 : vector<16xf32>
      %mul3A_1538 = arith.mulf %sub3A_1537, %sub3A_1537 : vector<16xf32>
      %mul3A_1539 = vector.broadcast %squeeze3A_1487 : f32 to vector<16xf32>
      %mul3A_1540 = arith.mulf %mul3A_1538, %mul3A_1539 : vector<16xf32>
      %add3A_1541 = arith.addf %add3A_1528, %mul3A_1540 : vector<16xf32>
      scf.yield %add3A_1541 : vector<16xf32>
    }
    %scan3A_635 = arith.constant 32 : i32
    %swap3A_636 = arith.constant 0 : index
    %swap3A_637 = tpu.vector_load %arg14[%swap3A_636] {strides = array<i32>} : memref<16xf32, #tpu.memory_space<vmem>>, vector<16xf32>,
    %swap3A_638 = vector.shape_cast %swap3A_637 : vector<16xf32> to vector<16xf32>
    %swap3A_639 = vector.shape_cast %scan3A_634 : vector<16xf32> to vector<16xf32>
    tpu.vector_store %arg14[%swap3A_636], %swap3A_639 {strides = array<i32>} : memref<16xf32, #tpu.memory_space<vmem>>, vector<16xf32>,
    "tpu.region"() ({
      %run_scoped3A_640 = tpu.sem_alloc : memref<!tpu.dma_semaphore, #tpu.memory_space<semaphore_mem>>
      %dma_start3A_641 = arith.constant 0 : i32
      %dma_start3A_642 = tpu.memref_slice %arg5[%add3A, %dma_start3A_641] : memref<32x16xf32, #tpu.memory_space<hbm>> -> memref<1x16xf32, #tpu.memory_space<hbm>>
      %dma_start3A_643 = tpu.memref_squeeze %dma_start3A_642 : memref<1x16xf32, #tpu.memory_space<hbm>> -> memref<16xf32, #tpu.memory_space<hbm>>
      %dma_start3A_644 = arith.constant 0 : i32
      %dma_start3A_645 = tpu.memref_slice %arg5[%add3A, %dma_start3A_644] : memref<32x16xf32, #tpu.memory_space<hbm>> -> memref<1x16xf32, #tpu.memory_space<hbm>>
      %dma_start3A_646 = tpu.memref_squeeze %dma_start3A_645 : memref<1x16xf32, #tpu.memory_space<hbm>> -> memref<16xf32, #tpu.memory_space<hbm>>
      tpu.enqueue_dma source(%arg14 : memref<16xf32, #tpu.memory_space<vmem>>) target(%dma_start3A_646 : memref<16xf32, #tpu.memory_space<hbm>>) target_semaphore(%run_scoped3A_640 : memref<!tpu.dma_semaphore, #tpu.memory_space<semaphore_mem>>)
      %dma_wait3A_647 = arith.constant 0 : i32
      %dma_wait3A_648 = tpu.memref_slice %arg5[%add3A, %dma_wait3A_647] : memref<32x16xf32, #tpu.memory_space<hbm>> -> memref<1x16xf32, #tpu.memory_space<hbm>>
      %dma_wait3A_649 = tpu.memref_squeeze %dma_wait3A_648 : memref<1x16xf32, #tpu.memory_space<hbm>> -> memref<16xf32, #tpu.memory_space<hbm>>
      %dma_wait3A_650 = arith.constant 0 : i32
      %dma_wait3A_651 = tpu.memref_slice %arg5[%add3A, %dma_wait3A_650] : memref<32x16xf32, #tpu.memory_space<hbm>> -> memref<1x16xf32, #tpu.memory_space<hbm>>
      %dma_wait3A_652 = tpu.memref_squeeze %dma_wait3A_651 : memref<1x16xf32, #tpu.memory_space<hbm>> -> memref<16xf32, #tpu.memory_space<hbm>>
      tpu.wait_dma2 semaphore(%run_scoped3A_640 : memref<!tpu.dma_semaphore, #tpu.memory_space<semaphore_mem>>) src(%arg14 : memref<16xf32, #tpu.memory_space<vmem>>) dst(%dma_wait3A_652 : memref<16xf32, #tpu.memory_space<hbm>>)
      tpu.yield
    }) : () -> ()
    return
  }
}

</mosaic_0001>

<sc_bundles>
// kernel: kernel.3.cloned.1.call-start
scs
__scs_entry_jumppad:
0x0: {  	(pc) =	sbr.rel $0x88, $3  }
0x1: {  	(tag) =	ssettag $0x0;
	lr =	simm.s32 $0x1  }
0x2: {  	[smem:$0x3F9E] =	sst lr;
	_ =	strace $0xD0000000  }
0x3: {  	_ = 	snop  }
0x4: {  	_ = 	snop  }
0x5: {  	_ = 	snop  }
0x6: {  	_ = 	snop  }
0x7: {  	_ = 	snop  }
__scs_overlays_trampoline_lowered:
0x8: {  	[smem:$0x3FAD] =	sst s0  }
0x9: {  	[smem:$0x3FAE] =	sst s1  }
0xa: {  	[smem:$0x3FAF] =	sst s2  }
0xb: {  	[smem:$0x3FB0] =	sst s3  }
0xc: {  	[smem:$0x3FB1] =	sst s4  }
0xd: {  	[smem:$0x3FB2] =	sst s5  }
0xe: {  	[smem:$0x3FB3] =	sst s6  }
0xf: {  	[smem:$0x3FB4] =	sst s7  }
0x10: {  	[smem:$0x3FB5] =	sst s8  }
0x11: {  	[smem:$0x3FB6] =	sst s9;
	s0 =	simm.s32 @!p0 $0x0  }
0x12: {  	s1 =	sld [smem:$0x3F9C];
	s0 =	simm.s32 @p0 $0x1  }
0x13: {  	[smem:$0x3FB7] =	sst s0;
	s0 =	simm.s32 @!p1 $0x0  }
0x14: {  	s2 =	sld [smem:$0x3F9B];
	s0 =	simm.s32 @p1 $0x1  }
0x15: {  	[smem:$0x3FB8] =	sst s0;
	s0 =	simm.s32 @!p2 $0x0  }
0x16: {  	s3 =	sld [smem:$0x3FDB];
	s0 =	simm.s32 @p2 $0x1  }
0x17: {  	s4 =	simm.s32 $0x1BF5;
	[smem:$0x3FBA] =	sst s0  }
0x18: {  	s0 =	sld [smem:$0x3F9D];
	_ =	swait.ge [sflag:s4], $0x0  }
0x19: {  	s7 =	sld [smem:$0x3F9E]  }
0x1a: {  	s8 =	sadd.s32 $0xFFFFE003, lr  }
0x1b: {  	s9 =	sadd.s32 $0xFFFFFEF7, lr;
	s5 =	simm.s32 $0xFFFFFFFF;
	p2 =	slt.u32 s8, $0xFFFFF086  }
0x1c: {  	p1 =	slt.u32 s9, $0xF7A;
	s5 =	simm.s32 @!p2 $0x0  }
0x1d: {  	s5 =	simm.s32 @p1 $0x1;
	p0 =	seq.s32 s7, s2  }
0x1e: {  	s7 =	smul.u32 @!p0 $0xF7A, s2;
	p2 =	seq.s32 @!p0 s5, $0x0  }
0x1f: {  	s9 =	smul.u32 $0xF7A, s1;
	s8 =	simm.s32 @!p0 $0x1BF5;
	p2 =	por !p2, p0  }
0x20: {  	[sflag:s8] =	ssyncset.s32 @!p0 $0xFFFFF086;
	s6 =	sadd.s32 @!p0 s3, s7;
	s7 =	simm.s32 @!p0 $0x108  }
0x21: {  	s3 =	sadd.s32 s3, s9;
	s6 =	sadd.s32 @!p0 $0x88, s6;
	s7 =	simm.s32 @p2 $0x1082  }
0x22: {  	[simem:s7], [sflag:s8] =	dma.local @!p0 [hbm:s6], $0xF7A  }
0x23: {  	s9 =	sor.u32 $0xD0000000, s2;
	s6 =	simm.s32 $0x108;
	_ =	swait.ge @!p0 [sflag:s8], $0x0  }
0x24: {  	s3 =	sadd.s32 $0x88, s3;
	s6 =	simm.s32 @!p1 $0x1082;
	[sflag:s4] =	ssyncset.s32 $0xFFFFF086  }
0x25: {  	[simem:s6], [sflag:s4] =	dma.local [hbm:s3], $0xF7A  }
0x26: {  	[smem:$0x3F9E] =	sst s1;
	(tag) =	ssettag s2;
	_ =	strace s9  }
0x27: {  	s1 =	sld [smem:$0x3FAE]  }
0x28: {  	s2 =	sld [smem:$0x3FAF]  }
0x29: {  	s4 =	sld [smem:$0x3FB1]  }
0x2a: {  	p0 =	seq.s32 s5, $0x0;
	s5 =	sld [smem:$0x3FB2]  }
0x2b: {  	s6 =	sld [smem:$0x3FB3]  }
0x2c: {  	s7 =	sld [smem:$0x3FB4]  }
0x2d: {  	s3 =	simm.s32 $0x108;
	s8 =	sld [smem:$0x3FB5]  }
0x2e: {  	s3 =	simm.s32 @!p0 $0x1082;
	s9 =	sld [smem:$0x3FB6]  }
0x2f: {  	lr =	sadd.s32 s0, s3;
	s0 =	sld [smem:$0x3FAD]  }
0x30: {  	s3 =	sld [smem:$0x3FB0]  }
0x31: {  	[smem:$0x3FB9] =	sst s10  }
0x32: {  	s10 =	sld [smem:$0x3FB7];
	_ =	sdelay $0x3  }
0x33: {  	p0 =	seq.s32 s10, $0x1;
	s10 =	sld [smem:$0x3FB9];
	_ =	sdelay $0x3  }
0x34: {  	[smem:$0x3FB9] =	sst s10  }
0x35: {  	s10 =	sld [smem:$0x3FB8];
	_ =	sdelay $0x3  }
0x36: {  	p1 =	seq.s32 s10, $0x1;
	s10 =	sld [smem:$0x3FB9];
	_ =	sdelay $0x3  }
0x37: {  	[smem:$0x3FB9] =	sst s10  }
0x38: {  	s10 =	sld [smem:$0x3FBA]  }
0x39: {  	_ = 	snop;
	(pc) =	sbr.ind lr, $3  }
0x3a: {  	_ = 	snop  }
0x3b: {  	_ = 	snop  }
0x3c: {  	p2 =	seq.s32 s10, $0x1;
	s10 =	sld [smem:$0x3FB9]  }
0x3d: {  	_ =	shalt  }
0x3e: {  	_ =	shalt  }
0x3f: {  	_ =	shalt  }
0x40: {  	_ =	shalt  }
0x41: {  	_ =	shalt  }
0x42: {  	_ =	shalt  }
0x43: {  	_ =	shalt  }
0x44: {  	_ =	shalt  }
0x45: {  	_ =	shalt  }
0x46: {  	_ =	shalt  }
0x47: {  	_ =	shalt  }
0x48: {  	_ =	shalt  }
0x49: {  	_ =	shalt  }
0x4a: {  	_ =	shalt  }
0x4b: {  	_ =	shalt  }
0x4c: {  	_ =	shalt  }
0x4d: {  	_ =	shalt  }
0x4e: {  	_ =	shalt  }
0x4f: {  	_ =	shalt  }
0x50: {  	_ =	shalt  }
0x51: {  	_ =	shalt  }
0x52: {  	_ =	shalt  }
0x53: {  	_ =	shalt  }
0x54: {  	_ =	shalt  }
0x55: {  	_ =	shalt  }
0x56: {  	_ =	shalt  }
0x57: {  	_ =	shalt  }
0x58: {  	_ =	shalt  }
0x59: {  	_ =	shalt  }
0x5a: {  	_ =	shalt  }
0x5b: {  	_ =	shalt  }
0x5c: {  	_ =	shalt  }
0x5d: {  	_ =	shalt  }
0x5e: {  	_ =	shalt  }
0x5f: {  	_ =	shalt  }
0x60: {  	_ =	shalt  }
0x61: {  	_ =	shalt  }
0x62: {  	_ =	shalt  }
0x63: {  	_ =	shalt  }
0x64: {  	_ =	shalt  }
0x65: {  	_ =	shalt  }
0x66: {  	_ =	shalt  }
0x67: {  	_ =	shalt  }
0x68: {  	_ =	shalt  }
0x69: {  	_ =	shalt  }
0x6a: {  	_ =	shalt  }
0x6b: {  	_ =	shalt  }
0x6c: {  	_ =	shalt  }
0x6d: {  	_ =	shalt  }
0x6e: {  	_ =	shalt  }
0x6f: {  	_ =	shalt  }
0x70: {  	_ =	shalt  }
0x71: {  	_ =	shalt  }
0x72: {  	_ =	shalt  }
0x73: {  	_ =	shalt  }
0x74: {  	_ =	shalt  }
0x75: {  	_ =	shalt  }
0x76: {  	_ =	shalt  }
0x77: {  	_ =	shalt  }
0x78: {  	_ =	shalt  }
0x79: {  	_ =	shalt  }
0x7a: {  	_ =	shalt  }
0x7b: {  	_ =	shalt  }
0x7c: {  	_ =	shalt  }
0x7d: {  	_ =	shalt  }
0x7e: {  	_ =	shalt  }
0x7f: {  	_ =	shalt  }
0x80: {  	_ =	shalt  }
0x81: {  	_ =	shalt  }
0x82: {  	_ =	shalt  }
0x83: {  	_ =	shalt  }
0x84: {  	_ =	shalt  }
0x85: {  	_ =	shalt  }
0x86: {  	_ =	shalt  }
0x87: {  	_ =	shalt  }
.Lfunc_end0:
.L_simem_size_0:
called_computation_lowered:
.L_overlay_start_0:
0x88: {  	s2 =	sld [smem:$0x3FD9]  }
0x89: {  	s3 =	sld [smem:$0x3FFE];
	_ =	sdelay $0x1  }
0x8a: {  	s1 =	srdreg.scid  }
0x8b: {  	s0 =	sand.u32 $0x1, s1  }
0x8c: {  	s17 =	sshll.u32 s0, $0xA;
	s2 =	sadd.s32 s3, s2  }
0x8d: {  	s2 =	sadd.s32 s2, s17  }
0x8e: {  	[smem:$0x3FC5] =	sst s2  }
0x8f: {  	_ = 	snop  }
0x90: {  	s2 =	sld [smem:$0x3FC8];
	(tm) =	ssettm $0x1  }
0x91: {  	s18 =	sld [smem:$0x3FFB];
	_ =	sdelay $0x3  }
0x92: {  	_ =	strace s18  }
0x93: {  	s3 =	sld [smem:$0x3FFC];
	_ =	sdelay $0x3  }
0x94: {  	_ =	strace s3  }
0x95: {  	s3 =	sld [smem:$0x3FFD];
	_ =	sdelay $0x3  }
0x96: {  	_ =	strace s3  }
0x97: {  	_ =	strace $0x8FFFFFFF  }
0x98: {  	s19 =	sld [smem:$0x3FDB];
	_ =	sdelay $0x1  }
0x99: {  	s4 =	simm.s32 $_scs_section_size  }
0x9a: {  	s5 =	simm.s32 $_size__tile_overlayer_lowered;
	s6 =	simm.s32 $_tile_overlayer_lowered  }
0x9b: {  	s22 =	simm.s32 $0x1BFF;
	s21 =	sshll.u32 s6, $0x1;
	s3 =	sadd.s32 s4, s19  }
0x9c: {  	s7 =	simm.s32 $0x0;
	s20 =	sshll.u32 s5, $0x1;
	s5 =	sadd.s32 s21, s3  }
0x9d: {  	[timem:s7], [sflag:s22] =	dma.local [hbm:s5], s20  }
0x9e: {  	_ =	swait.ge [sflag:s22], s20  }
0x9f: {  	s4 =	ssub.s32 $0x0, s20;
	[sflag:s22] =	ssyncset.done $0x0  }
0xa0: {  	[sflag:s22] =	ssyncadd.s32 s4;
	_ =	sdelay $0x1  }
0xa1: {  	s23 =	simm.s32 $0x1B8B  }
0xa2: {  	_ =	swait.ge [sflag:s23], $0x1  }
0xa3: {  	[sflag:s23] =	ssyncset.done $0x0  }
0xa4: {  	s25 =	simm.s32 $0x1B8E;
	s24 =	sld [smem:$0x3FFE];
	[sflag:s23] =	ssyncadd.s32 $0xFFFFFFFF  }
0xa5: {  	s26 =	simm.s32 $execute0_lowered;
	[smem:$0x3FD2] =	sst s25  }
0xa6: {  	s5 =	sshll.u32 s26, $0x1;
	_ =	strace $0x80000046;
	[dreg:$0x1] =	wrdreg $0xFFFFFFFF  }
0xa7: {  	s28 =	simm.s32 $_size_execute0_lowered;
	s3 =	sadd.s32 s3, s5;
	[dreg:$0x0] =	wrdreg $0x0  }
0xa8: {  	s5 =	sshll.u32 s28, $0x1;
	[dreg:$0x2] =	wrdreg s3  }
0xa9: {  	[dreg:$0x3] =	wrdreg s5  }
0xaa: {  	[dreg:$0x4] =	wrdreg $0xC0  }
0xab: {  	_ =	task [dreg:s7], $0x5FFFF  }
0xac: {  	[dreg:$0x1] =	wrdreg $0xFFFFFFFF  }
0xad: {  	[dreg:$0x0] =	wrdreg $0x60  }
0xae: {  	[dreg:$0x2] =	wrdreg s24  }
0xaf: {  	[dreg:$0x3] =	wrdreg s2  }
0xb0: {  	[dreg:$0x4] =	wrdreg $0x123100  }
0xb1: {  	[dreg:$0x5] =	wrdreg $0x9  }
0xb2: {  	_ =	task.clear_ibuf [dreg:s7], $0x6FFFF;
	_ =	strace $0x90000046  }
0xb3: {  	s29 =	simm.s32 $0x9;
	_ =	strace $0x80000048  }
0xb4: {  	_ =	swait.ge [sflag:s29], $0x1  }
0xb5: {  	[sflag:s29] =	ssyncadd.s32 $0xFFFFFFFF  }
0xb6: {  	_ =	strace $0x90000048  }
0xb7: {  	_ =	sfence  }
0xb8: {  	s30 =	sld [smem:$0x0];
	_ =	sdelay $0x2  }
0xb9: {  	s31 =	sshll.u32 s1, $0xD;
	s1 =	sshrl.u32 s1, $0x2  }
0xba: {  	s3 =	sand.u32 $0x4000, s31;
	s1 =	sadd.s32 s1, s30  }
0xbb: {  	s0 =	sor.u32 s3, s0;
	s1 =	sshll.u32 s1, $0x11  }
0xbc: {  	s0 =	sor.u32 s1, s0  }
0xbd: {  	s0 =	sadd.s32 $0x8F2B, s0  }
0xbe: {  	[sflag:s0] =	ssyncadd.remote.s32 $0x1  }
0xbf: {  	_ =	sfence.sel $0xFFFF  }
0xc0: {  	[dreg:$0x0] =	wrdreg $0xFFFFFFFF;
	(pc) =	sbr.abs _section_cstart, $3  }
0xc1: {  	[dreg:$0x1] =	wrdreg $0xFFFFFFFF  }
0xc2: {  	_ =	task.clear_ibuf [dreg:s7], $0x2FFFF;
	_ =	strace $0x9FFFFFFF  }
0xc3: {  	(tm) =	ssettm $0x7FFFFFFF  }
tec
execute0_lowered:
.L_overlay_start_1:
0x0: {  	(tag) =	ssettag $0x1  }
0x1: {  	s0 =	rddreg [dreg:$0x0]  }
0x2: {  	s1 =	rddreg [dreg:$0x1];
	s3 =	srdreg.scid  }
0x3: {  	s11 =	stileid.u32;
	s2 =	rddreg [dreg:$0x2];
	s12 =	simm.s32 $0x3  }
0x4: {  	s14 =	simm.s32 $0x80;
	s16 =	simm.s32 $0x480;
	s18 =	simm.s32 $0x500  }
0x5: {  	s20 =	simm.s32 $0x580;
	s23 =	simm.s32 $0x1E80;
	s28 =	simm.s32 $0x280  }
0x6: {  	s29 =	simm.s32 $0x300;
	s30 =	simm.s32 $0x380;
	s31 =	simm.s32 $0x11F00  }
0x7: {  	s13 =	simm.s32 $0x12080;
	s15 =	simm.s32 $0x2;
	s17 =	simm.s32 $0x1  }
0x8: {  	s19 =	simm.s32 $0x12300;
	s21 =	simm.s32 $0x0;
	s5 =	sand.u32 $0x1, s3  }
0x9: {  	s4 =	sshll.u32 s11, $0x1;
	s3 =	simm.s32 $0x0;
	s9 =	smul.u32 $0x6200, s11  }
0xa: {  	s25 =	sshll.u32 s11, $0x7;
	s11 =	simm.s32 $0x400;
	s6 =	sor.u32 s5, s4  }
0xb: {  	[smem:$0x7FF] =	sst s3;
	s5 =	ssub.s32 $0x2, s5;
	s4 =	sshll.u32 s6, $0xC  }
0xc: {  	_ =	strace $0x80000047;
	s8 =	sshll.u32 s6, $0x1;
	s24 =	sshrl.u32 s5, $0x1  }
0xd: {  	s6 =	sshll.u32 s6, $0x6;
	s26 =	sshrl.u32 s9, $0x2;
	s7 =	sadd.s32 s4, s0  }
0xe: {  	s4 =	sadd.s32 $0x186C00, s0;
	s0 =	sadd.s32 s8, s0;
	s10 =	ssub.s32 s5, s24  }
0xf: {  	s5 =	sadd.s32 s1, s6;
	s8 =	sadd.s32 s26, s2;
	s26 =	simm.s32 $0x200  }
0x10: {  	s6 =	sadd.s32 $0x200, s7;
	s7 =	sadd.s32 s1, s25;
	s9 =	sadd.s32 $0x20200, s0  }
0x11: {  	v0 =	vimm.f32 $0.0e+00;
	v1 =	vimm.f32 $1.000000000e+00;
	s10 =	smax.u32 s10, $0x1;
	s1 =	simm.s32 $0x11F80;
	s0 =	simm.s32 $0x12000  }
.LBB2_1:
0x12: {  	[tilespmem:s11], [sflag:$0x3] =	stream.linear.gather [hbm4b:s5+s3], $0x200, $0x38;
	[tilespmem:$0x13B90] =	vst v63  }
0x13: {  	_ =	swait.ge [sflag:s12], $0x200  }
0x14: {  	[sflag:s12] =	ssyncset.done $0x0  }
0x15: {  	s22 =	simm.s32 $0x1F00;
	[sflag:s12] =	ssyncadd.s32 $0xFFFFFE00  }
0x16: {  	[tilespmem:s22], [sflag:$0x2] =	stream.linear.gather [hbm4b:s6+s3], $0x8000, $0x38;
	[tilespmem:$0x13B90] =	vst v63  }
0x17: {  	s24 =	simm.s32 $0x9F00  }
0x18: {  	[tilespmem:s24], [sflag:$0x1] =	stream.indirect.gather [hbm4b:s4+s14], $0x40, s11, s14, $0xb8;
	[tilespmem:$0x13B90] =	vst v63  }
0x19: {  	s25 =	simm.s32 $0xBF00  }
0x1a: {  	[tilespmem:s25], [sflag:$0x1] =	stream.indirect.gather [hbm4b:s4+s14], $0x40, s16, s14, $0xb8;
	[tilespmem:$0x13B90] =	vst v63  }
0x1b: {  	s24 =	simm.s32 $0xDF00  }
0x1c: {  	[tilespmem:s24], [sflag:$0x1] =	stream.indirect.gather [hbm4b:s4+s14], $0x40, s18, s14, $0xb8;
	[tilespmem:$0x13B90] =	vst v63  }
0x1d: {  	s25 =	simm.s32 $0xFF00  }
0x1e: {  	[tilespmem:s25], [sflag:$0x1] =	stream.indirect.gather [hbm4b:s4+s14], $0x40, s20, s14, $0xb8;
	[tilespmem:$0x13B90] =	vst v63  }
0x1f: {  	_ = 	snop  }
0x20: {  	[tilespmem:s3], [sflag:$0x3] =	stream.linear.gather [hbm4b:s7+s3], $0x400, $0x38;
	[tilespmem:$0x13B90] =	vst v63  }
0x21: {  	_ =	swait.ge [sflag:s12], $0x400  }
0x22: {  	[sflag:s12] =	ssyncset.done $0x0  }
0x23: {  	s22 =	simm.s32 $0x40;
	s24 =	simm.s32 $0x0;
	[sflag:s12] =	ssyncadd.s32 $0xFFFFFC00  }
.LBB2_2:
0x24: {  	p0 =	sne.s32 s22, $0x61C0;
	[tilespmem:s24+$0x600] =	vst v0;
	s24 =	smov.u32 s22;
	s22 =	sadd.s32 $0x40, s22  }
.Ltmp0:
0x25: {  	(pc) =	sbr.rel @p0 .LBB2_2-.Ltmp0, $2  }
0x26: {  	_ =	sdelay $0x2  }
0x27: {  	s24 =	sshra.s32 s24, $0x2  }
0x28: {  	[tilespmem:s24+$0x600] =	vst v0  }
0x29: {  	[tilespmem:$0x1E80] =	vst v1  }
0x2a: {  	[tilespmem:$0x1E90] =	vst v1  }
0x2b: {  	[tilespmem:$0x1EA0] =	vst v1  }
0x2c: {  	[tilespmem:$0x1EB0] =	vst v1  }
0x2d: {  	[tilespmem:$0x1EC0] =	vst v1  }
0x2e: {  	[tilespmem:$0x1ED0] =	vst v1  }
0x2f: {  	[tilespmem:$0x1EE0] =	vst v1  }
0x30: {  	s22 =	simm.s32 $0x600;
	[tilespmem:$0x1EF0] =	vst v1  }
0x31: {  	[spmem:s8] =	stream.linear.scatter [tilespmem:s22], [sflag:$0x3], $0x1880, $0x38;
	[tilespmem:$0x13B90] =	vst v63  }
0x32: {  	_ =	swait.ge [sflag:s12], $0x1880  }
0x33: {  	[sflag:s12] =	ssyncset.done $0x0  }
0x34: {  	[sflag:s12] =	ssyncadd.s32 $0xFFFFE780  }
0x35: {  	s24 =	simm.s32 $0x0;
	[bflag:$0x0] =	sbarrier.arrive $0xFFFF  }
0x36: {  	[spmem:s2] =	stream.indirect.scatter.add.f32 [tilespmem:s23], [sflag:$0x3], $0x1, s24, s14, $0xb8;
	[tilespmem:$0x13B90] =	vst v63  }
0x37: {  	_ =	swait.ge [sflag:s12], $0x80  }
0x38: {  	[sflag:s12] =	ssyncset.done $0x0  }
0x39: {  	[sflag:s12] =	ssyncadd.s32 $0xFFFFFF80  }
0x3a: {  	[spmem:s2] =	stream.indirect.scatter.add.f32 [tilespmem:s23], [sflag:$0x3], $0x1, s14, s14, $0xb8;
	[tilespmem:$0x13B90] =	vst v63  }
0x3b: {  	_ =	swait.ge [sflag:s12], $0x80  }
0x3c: {  	[sflag:s12] =	ssyncset.done $0x0  }
0x3d: {  	s25 =	simm.s32 $0x100;
	[sflag:s12] =	ssyncadd.s32 $0xFFFFFF80  }
0x3e: {  	[spmem:s2] =	stream.indirect.scatter.add.f32 [tilespmem:s23], [sflag:$0x3], $0x1, s25, s14, $0xb8;
	[tilespmem:$0x13B90] =	vst v63  }
0x3f: {  	_ =	swait.ge [sflag:s12], $0x80  }
0x40: {  	[sflag:s12] =	ssyncset.done $0x0  }
0x41: {  	s24 =	simm.s32 $0x180;
	[sflag:s12] =	ssyncadd.s32 $0xFFFFFF80  }
0x42: {  	[spmem:s2] =	stream.indirect.scatter.add.f32 [tilespmem:s23], [sflag:$0x3], $0x1, s24, s14, $0xb8;
	[tilespmem:$0x13B90] =	vst v63  }
0x43: {  	_ =	swait.ge [sflag:s12], $0x80  }
0x44: {  	[sflag:s12] =	ssyncset.done $0x0  }
0x45: {  	[sflag:s12] =	ssyncadd.s32 $0xFFFFFF80  }
0x46: {  	[spmem:s2] =	stream.indirect.scatter.add.f32 [tilespmem:s23], [sflag:$0x3], $0x1, s26, s14, $0xb8;
	[tilespmem:$0x13B90] =	vst v63  }
0x47: {  	_ =	swait.ge [sflag:s12], $0x80  }
0x48: {  	[sflag:s12] =	ssyncset.done $0x0  }
0x49: {  	[sflag:s12] =	ssyncadd.s32 $0xFFFFFF80  }
0x4a: {  	[spmem:s2] =	stream.indirect.scatter.add.f32 [tilespmem:s23], [sflag:$0x3], $0x1, s28, s14, $0xb8;
	[tilespmem:$0x13B90] =	vst v63  }
0x4b: {  	_ =	swait.ge [sflag:s12], $0x80  }
0x4c: {  	[sflag:s12] =	ssyncset.done $0x0  }
0x4d: {  	[sflag:s12] =	ssyncadd.s32 $0xFFFFFF80  }
0x4e: {  	[spmem:s2] =	stream.indirect.scatter.add.f32 [tilespmem:s23], [sflag:$0x3], $0x1, s29, s14, $0xb8;
	[tilespmem:$0x13B90] =	vst v63  }
0x4f: {  	_ =	swait.ge [sflag:s12], $0x80  }
0x50: {  	[sflag:s12] =	ssyncset.done $0x0  }
0x51: {  	[sflag:s12] =	ssyncadd.s32 $0xFFFFFF80  }
0x52: {  	[spmem:s2] =	stream.indirect.scatter.add.f32 [tilespmem:s23], [sflag:$0x3], $0x1, s30, s14, $0xb8;
	[tilespmem:$0x13B90] =	vst v63  }
0x53: {  	_ =	swait.ge [sflag:s12], $0x80  }
0x54: {  	[sflag:s12] =	ssyncset.done $0x0  }
0x55: {  	[sflag:s12] =	ssyncadd.s32 $0xFFFFFF80  }
0x56: {  	[bflag:$0x0] =	sbarrier.arrive $0xFFFF  }
0x57: {  	[tilespmem:s31], [sflag:$0x3] =	stream.indirect.gather [spmem:s2], $0x1, s11, s14, $0xb8;
	[tilespmem:$0x13B90] =	vst v63  }
0x58: {  	_ =	swait.ge [sflag:s12], $0x80  }
0x59: {  	[sflag:s12] =	ssyncset.done $0x0  }
0x5a: {  	[sflag:s12] =	ssyncadd.s32 $0xFFFFFF80  }
0x5b: {  	[tilespmem:s1], [sflag:$0x3] =	stream.indirect.gather [spmem:s2], $0x1, s16, s14, $0xb8;
	[tilespmem:$0x13B90] =	vst v63  }
0x5c: {  	_ =	swait.ge [sflag:s12], $0x80  }
0x5d: {  	[sflag:s12] =	ssyncset.done $0x0  }
0x5e: {  	[sflag:s12] =	ssyncadd.s32 $0xFFFFFF80  }
0x5f: {  	[tilespmem:s0], [sflag:$0x3] =	stream.indirect.gather [spmem:s2], $0x1, s18, s14, $0xb8;
	[tilespmem:$0x13B90] =	vst v63  }
0x60: {  	_ =	swait.ge [sflag:s12], $0x80  }
0x61: {  	[sflag:s12] =	ssyncset.done $0x0  }
0x62: {  	[sflag:s12] =	ssyncadd.s32 $0xFFFFFF80  }
0x63: {  	[tilespmem:s13], [sflag:$0x3] =	stream.indirect.gather [spmem:s2], $0x1, s20, s14, $0xb8;
	[tilespmem:$0x13B90] =	vst v63  }
0x64: {  	_ =	swait.ge [sflag:s12], $0x80  }
0x65: {  	[sflag:s12] =	ssyncset.done $0x0  }
0x66: {  	[sflag:s12] =	ssyncadd.s32 $0xFFFFFF80  }
0x67: {  	v2 =	vld [tilespmem:$0x11F00]  }
0x68: {  	v3 =	vld [tilespmem:$0x11F10]  }
0x69: {  	v4 =	vld [tilespmem:$0x11F20]  }
0x6a: {  	v5 =	vld [tilespmem:$0x11F30]  }
0x6b: {  	v6 =	vld [tilespmem:$0x11F40]  }
0x6c: {  	v7 =	vld [tilespmem:$0x11F50];
	v2 =	vadd.f32 $1.000000000e+00, v2  }
0x6d: {  	v8 =	vld [tilespmem:$0x11F60];
	v3 =	vadd.f32 $1.000000000e+00, v3  }
0x6e: {  	(erf) = vrcp.f32 v2;
	v2 =	vadd.f32 $1.000000000e+00, v4;
	v4 =	vld [tilespmem:$0x11F70]  }
0x6f: {  	(erf) = vrcp.f32 v3;
	v3 =	vadd.f32 $1.000000000e+00, v5;
	v5 =	vld [tilespmem:$0x11F80]  }
0x70: {  	(erf) = vrcp.f32 v2;
	v2 =	vadd.f32 $1.000000000e+00, v6;
	v6 =	vld [tilespmem:$0x11F90]  }
0x71: {  	(erf) = vrcp.f32 v3;
	v3 =	vadd.f32 $1.000000000e+00, v7;
	v7 =	vld [tilespmem:$0x11FA0]  }
0x72: {  	(erf) = vrcp.f32 v2;
	v2 =	vadd.f32 $1.000000000e+00, v8;
	v8 =	vld [tilespmem:$0x11FB0]  }
0x73: {  	(erf) = vrcp.f32 v3;
	v3 =	vadd.f32 $1.000000000e+00, v4;
	v4 =	vld [tilespmem:$0x11FC0]  }
0x74: {  	(erf) = vrcp.f32 v2;
	v2 =	vadd.f32 $1.000000000e+00, v5;
	v5 =	vld [tilespmem:$0x11FD0]  }
0x75: {  	(erf) = vrcp.f32 v3;
	v3 =	vadd.f32 $1.000000000e+00, v6;
	v6 =	vld [tilespmem:$0x11FE0]  }
0x76: {  	(erf) = vrcp.f32 v2;
	v2 =	vadd.f32 $1.000000000e+00, v7  }
0x77: {  	v9 =	vpop (erf);
	(erf) = vrcp.f32 v3;
	v3 =	vadd.f32 $1.000000000e+00, v8  }
0x78: {  	v7 =	vld [tilespmem:$0x11FF0];
	v9 =	vmul.f32 $5.000000000e-01, v9;
	v10 =	vpop (erf);
	(erf) = vrcp.f32 v2;
	v2 =	vadd.f32 $1.000000000e+00, v4  }
0x79: {  	v8 =	vld [tilespmem:$0x12000];
	v10 =	vmul.f32 $5.000000000e-01, v10;
	v11 =	vpop (erf);
	(erf) = vrcp.f32 v3;
	v3 =	vadd.f32 $1.000000000e+00, v5  }
0x7a: {  	v4 =	vld [tilespmem:$0x12010];
	[tilespmem:$0x12100] =	vst v9;
	v9 =	vmul.f32 $5.000000000e-01, v11;
	v11 =	vpop (erf);
	(erf) = vrcp.f32 v2;
	v2 =	vadd.f32 $1.000000000e+00, v6  }
0x7b: {  	v5 =	vld [tilespmem:$0x12020];
	[tilespmem:$0x12110] =	vst v10;
	v10 =	vmul.f32 $5.000000000e-01, v11;
	v11 =	vpop (erf);
	(erf) = vrcp.f32 v3  }
0x7c: {  	v6 =	vld [tilespmem:$0x12030];
	[tilespmem:$0x12120] =	vst v9;
	v9 =	vmul.f32 $5.000000000e-01, v11;
	v11 =	vpop (erf);
	(erf) = vrcp.f32 v2  }
0x7d: {  	v3 =	vadd.f32 $1.000000000e+00, v7;
	[tilespmem:$0x12130] =	vst v10;
	v10 =	vmul.f32 $5.000000000e-01, v11;
	v11 =	vpop (erf)  }
0x7e: {  	v7 =	vld [tilespmem:$0x12040];
	v2 =	vadd.f32 $1.000000000e+00, v8;
	[tilespmem:$0x12140] =	vst v9;
	v9 =	vmul.f32 $5.000000000e-01, v11;
	v11 =	vpop (erf)  }
0x7f: {  	v8 =	vld [tilespmem:$0x12050];
	(erf) = vrcp.f32 v3;
	v3 =	vadd.f32 $1.000000000e+00, v4;
	[tilespmem:$0x12150] =	vst v10;
	v10 =	vmul.f32 $5.000000000e-01, v11;
	v11 =	vpop (erf)  }
0x80: {  	v4 =	vld [tilespmem:$0x12060];
	(erf) = vrcp.f32 v2;
	v2 =	vadd.f32 $1.000000000e+00, v5;
	[tilespmem:$0x12160] =	vst v9;
	v9 =	vmul.f32 $5.000000000e-01, v11;
	v11 =	vpop (erf)  }
0x81: {  	v5 =	vld [tilespmem:$0x12070];
	(erf) = vrcp.f32 v3;
	v3 =	vadd.f32 $1.000000000e+00, v6;
	[tilespmem:$0x12170] =	vst v10;
	v10 =	vmul.f32 $5.000000000e-01, v11;
	v11 =	vpop (erf)  }
0x82: {  	v6 =	vld [tilespmem:$0x12080];
	(erf) = vrcp.f32 v2;
	[tilespmem:$0x12180] =	vst v9;
	v9 =	vmul.f32 $5.000000000e-01, v11;
	v11 =	vpop (erf)  }
0x83: {  	v2 =	vadd.f32 $1.000000000e+00, v7;
	v7 =	vld [tilespmem:$0x12090];
	(erf) = vrcp.f32 v3;
	[tilespmem:$0x12190] =	vst v10;
	v10 =	vmul.f32 $5.000000000e-01, v11;
	v11 =	vpop (erf)  }
0x84: {  	v3 =	vadd.f32 $1.000000000e+00, v8;
	v8 =	vld [tilespmem:$0x120A0];
	[tilespmem:$0x121A0] =	vst v9;
	v9 =	vmul.f32 $5.000000000e-01, v11;
	v11 =	vpop (erf)  }
0x85: {  	(erf) = vrcp.f32 v2;
	v2 =	vadd.f32 $1.000000000e+00, v4;
	v4 =	vld [tilespmem:$0x120B0];
	[tilespmem:$0x121B0] =	vst v10;
	v10 =	vmul.f32 $5.000000000e-01, v11;
	v11 =	vpop (erf)  }
0x86: {  	(erf) = vrcp.f32 v3;
	v3 =	vadd.f32 $1.000000000e+00, v5;
	v5 =	vld [tilespmem:$0x120C0];
	[tilespmem:$0x121C0] =	vst v9;
	v9 =	vmul.f32 $5.000000000e-01, v11  }
0x87: {  	(erf) = vrcp.f32 v2;
	v2 =	vadd.f32 $1.000000000e+00, v6;
	v6 =	vld [tilespmem:$0x120D0]  }
0x88: {  	(erf) = vrcp.f32 v3;
	v3 =	vadd.f32 $1.000000000e+00, v7;
	v11 =	vpop (erf)  }
0x89: {  	(erf) = vrcp.f32 v2;
	v2 =	vadd.f32 $1.000000000e+00, v8;
	v8 =	vld [tilespmem:$0x120F0];
	[tilespmem:$0x121D0] =	vst v10;
	v10 =	vmul.f32 $5.000000000e-01, v11;
	v11 =	vpop (erf)  }
0x8a: {  	v7 =	vld [tilespmem:$0x120E0];
	(erf) = vrcp.f32 v3;
	v3 =	vadd.f32 $1.000000000e+00, v4;
	[tilespmem:$0x121E0] =	vst v9;
	v9 =	vpop (erf)  }
0x8b: {  	(erf) = vrcp.f32 v2;
	v2 =	vadd.f32 $1.000000000e+00, v5;
	v5 =	vmul.f32 $5.000000000e-01, v9;
	v9 =	vpop (erf)  }
0x8c: {  	v4 =	vmul.f32 $5.000000000e-01, v11;
	(erf) = vrcp.f32 v3;
	v3 =	vadd.f32 $1.000000000e+00, v6;
	v6 =	vpop (erf)  }
0x8d: {  	(erf) = vrcp.f32 v2;
	[tilespmem:$0x12210] =	vst v5;
	v5 =	vmul.f32 $5.000000000e-01, v6  }
0x8e: {  	[tilespmem:$0x12200] =	vst v4;
	v4 =	vmul.f32 $5.000000000e-01, v9;
	v6 =	vpop (erf);
	(erf) = vrcp.f32 v3;
	v3 =	vadd.f32 $1.000000000e+00, v8  }
0x8f: {  	v2 =	vadd.f32 $1.000000000e+00, v7  }
0x90: {  	[tilespmem:$0x12220] =	vst v4;
	v4 =	vmul.f32 $5.000000000e-01, v6;
	v6 =	vpop (erf)  }
0x91: {  	(erf) = vrcp.f32 v2;
	[tilespmem:$0x12230] =	vst v5;
	v2 =	vmul.f32 $5.000000000e-01, v6;
	v5 =	vpop (erf)  }
0x92: {  	[tilespmem:$0x12240] =	vst v4;
	(erf) = vrcp.f32 v3;
	v3 =	vpop (erf);
	v4 =	vmul.f32 $5.000000000e-01, v5  }
0x93: {  	[tilespmem:$0x12250] =	vst v2;
	v5 =	vpop (erf);
	v2 =	vmul.f32 $5.000000000e-01, v3  }
0x94: {  	v3 =	vpop (erf);
	[tilespmem:$0x12260] =	vst v4;
	v4 =	vmul.f32 $5.000000000e-01, v5  }
0x95: {  	v5 =	vpop (erf);
	[tilespmem:$0x12270] =	vst v2  }
0x96: {  	v2 =	vmul.f32 $5.000000000e-01, v3;
	v3 =	vpop (erf);
	[tilespmem:$0x12280] =	vst v4;
	v4 =	vmul.f32 $5.000000000e-01, v5  }
0x97: {  	v5 =	vpop (erf)  }
0x98: {  	[tilespmem:$0x122A0] =	vst v4;
	v4 =	vmul.f32 $5.000000000e-01, v5  }
0x99: {  	[tilespmem:$0x12290] =	vst v2;
	v2 =	vmul.f32 $5.000000000e-01, v3  }
0x9a: {  	[tilespmem:$0x121F0] =	vst v10;
	v3 =	vpop (erf)  }
0x9b: {  	v5 =	vpop (erf);
	[tilespmem:$0x122B0] =	vst v2;
	v2 =	vmul.f32 $5.000000000e-01, v3  }
0x9c: {  	[tilespmem:$0x122C0] =	vst v4;
	v3 =	vmul.f32 $5.000000000e-01, v5;
	v4 =	vpop (erf)  }
0x9d: {  	[tilespmem:$0x122D0] =	vst v2;
	v2 =	vmul.f32 $5.000000000e-01, v4  }
0x9e: {  	[tilespmem:$0x122E0] =	vst v3  }
0x9f: {  	[tilespmem:$0x122F0] =	vst v2  }
0xa0: {  	_ =	swait.ge [sflag:s15], $0x8000  }
0xa1: {  	[sflag:s15] =	ssyncset.done $0x0  }
0xa2: {  	[sflag:s15] =	ssyncadd.s32 $0xFFFF8000  }
0xa3: {  	_ =	swait.ge [sflag:s17], $0x2000  }
0xa4: {  	[sflag:s17] =	ssyncset.done $0x0  }
0xa5: {  	[sflag:s17] =	ssyncadd.s32 $0xFFFFE000  }
0xa6: {  	_ =	swait.ge [sflag:s17], $0x2000  }
0xa7: {  	[sflag:s17] =	ssyncset.done $0x0  }
0xa8: {  	[sflag:s17] =	ssyncadd.s32 $0xFFFFE000  }
0xa9: {  	_ =	swait.ge [sflag:s17], $0x2000  }
0xaa: {  	[sflag:s17] =	ssyncset.done $0x0  }
0xab: {  	[sflag:s17] =	ssyncadd.s32 $0xFFFFE000  }
0xac: {  	_ =	swait.ge [sflag:s17], $0x2000  }
0xad: {  	[sflag:s17] =	ssyncset.done $0x0  }
0xae: {  	s24 =	simm.s32 $0x0;
	[sflag:s17] =	ssyncadd.s32 $0xFFFFE000  }
0xaf: {  	s25 =	simm.s32 $0x12100;
	v3 =	vld [tilespmem:s24+$0x1F30]  }
0xb0: {  	v2 =	vld [tilespmem:s25+$0x0]  }
0xb1: {  	v4 =	vld [tilespmem:s24+$0x1F00]  }
0xb2: {  	v5 =	vld [tilespmem:s24+$0x9F00]  }
0xb3: {  	v6 =	vld [tilespmem:s24+$0x1F10]  }
0xb4: {  	v7 =	vld [tilespmem:s24+$0x9F10]  }
0xb5: {  	v8 =	vld [tilespmem:s24+$0x1F20]  }
0xb6: {  	v9 =	vld [tilespmem:s24+$0x9F20]  }
0xb7: {  	v4 =	vsub.f32 v4, v5;
	v5 =	vld [tilespmem:s24+$0x9F30]  }
0xb8: {  	v10 =	vld [tilespmem:s24+$0x1F40]  }
0xb9: {  	v11 =	vbroadcast v2, $0x0;
	v6 =	vsub.f32 v6, v7;
	v7 =	vld [tilespmem:s24+$0x9F40];
	v4 =	vmul.f32 v4, v4  }
0xba: {  	v12 =	vld [tilespmem:s24+$0x1F50]  }
0xbb: {  	v8 =	vsub.f32 v8, v9;
	v9 =	vld [tilespmem:s24+$0x9F50];
	v6 =	vmul.f32 v6, v6;
	v4 =	vmul.f32 v4, v11  }
0xbc: {  	v13 =	vimm.f32 $0.0e+00;
	v3 =	vsub.f32 v3, v5;
	v5 =	vld [tilespmem:s24+$0x1F60]  }
0xbd: {  	v8 =	vmul.f32 v8, v8;
	v6 =	vmul.f32 v6, v11;
	v4 =	vadd.f32 v4, v13;
	v13 =	vld [tilespmem:s24+$0x9F60]  }
0xbe: {  	v7 =	vsub.f32 v10, v7;
	v10 =	vld [tilespmem:s24+$0x1F70]  }
0xbf: {  	v3 =	vmul.f32 v3, v3;
	v4 =	vadd.f32 v6, v4;
	v6 =	vmul.f32 v8, v11;
	v8 =	vld [tilespmem:s24+$0x9F70]  }
0xc0: {  	v14 =	vbroadcast v2, $0x1;
	v9 =	vsub.f32 v12, v9;
	v12 =	vld [tilespmem:s24+$0x1F80]  }
0xc1: {  	v3 =	vmul.f32 v3, v11;
	v4 =	vadd.f32 v6, v4;
	v6 =	vmul.f32 v7, v7;
	v7 =	vld [tilespmem:s24+$0x9F80]  }
0xc2: {  	v11 =	vld [tilespmem:s24+$0x1F90];
	v5 =	vsub.f32 v5, v13  }
0xc3: {  	v3 =	vadd.f32 v3, v4;
	v4 =	vmul.f32 v6, v14;
	v6 =	vmul.f32 v9, v9;
	v9 =	vld [tilespmem:s24+$0x9F90]  }
0xc4: {  	v8 =	vsub.f32 v10, v8;
	v10 =	vld [tilespmem:s24+$0x1FA0]  }
0xc5: {  	v5 =	vmul.f32 v5, v5;
	v3 =	vadd.f32 v4, v3;
	v4 =	vmul.f32 v6, v14;
	v6 =	vld [tilespmem:s24+$0x9FA0]  }
0xc6: {  	v7 =	vsub.f32 v12, v7;
	v12 =	vld [tilespmem:s24+$0x1FB0]  }
0xc7: {  	v3 =	vadd.f32 v4, v3;
	v4 =	vmul.f32 v5, v14;
	v5 =	vmul.f32 v8, v8;
	v8 =	vld [tilespmem:s24+$0x9FB0]  }
0xc8: {  	v13 =	vbroadcast v2, $0x2;
	v9 =	vsub.f32 v11, v9;
	v11 =	vld [tilespmem:s24+$0x1FC0]  }
0xc9: {  	v3 =	vadd.f32 v4, v3;
	v4 =	vmul.f32 v5, v14;
	v5 =	vmul.f32 v7, v7;
	v7 =	vld [tilespmem:s24+$0x9FC0]  }
0xca: {  	v6 =	vsub.f32 v10, v6;
	v10 =	vld [tilespmem:s24+$0x1FD0]  }
0xcb: {  	v3 =	vadd.f32 v4, v3;
	v4 =	vmul.f32 v5, v13;
	v5 =	vmul.f32 v9, v9;
	v9 =	vld [tilespmem:s24+$0x9FD0]  }
0xcc: {  	v8 =	vsub.f32 v12, v8;
	v12 =	vld [tilespmem:s24+$0x1FE0]  }
0xcd: {  	v3 =	vadd.f32 v4, v3;
	v4 =	vmul.f32 v5, v13;
	v5 =	vmul.f32 v6, v6;
	v6 =	vld [tilespmem:s24+$0x9FE0]  }
0xce: {  	v7 =	vsub.f32 v11, v7;
	v11 =	vld [tilespmem:s24+$0x1FF0]  }
0xcf: {  	v3 =	vadd.f32 v4, v3;
	v4 =	vmul.f32 v5, v13;
	v5 =	vmul.f32 v8, v8;
	v8 =	vld [tilespmem:s24+$0x9FF0]  }
0xd0: {  	v14 =	vbroadcast v2, $0x3;
	v9 =	vsub.f32 v10, v9;
	v10 =	vld [tilespmem:s24+$0x2000]  }
0xd1: {  	v3 =	vadd.f32 v4, v3;
	v4 =	vmul.f32 v5, v13;
	v5 =	vmul.f32 v7, v7;
	v7 =	vld [tilespmem:s24+$0xA000]  }
0xd2: {  	v6 =	vsub.f32 v12, v6;
	v12 =	vld [tilespmem:s24+$0x2010]  }
0xd3: {  	v3 =	vadd.f32 v4, v3;
	v4 =	vmul.f32 v5, v14;
	v5 =	vmul.f32 v9, v9;
	v9 =	vld [tilespmem:s24+$0xA010]  }
0xd4: {  	v8 =	vsub.f32 v11, v8;
	v11 =	vld [tilespmem:s24+$0x2020]  }
0xd5: {  	v3 =	vadd.f32 v4, v3;
	v4 =	vmul.f32 v5, v14;
	v5 =	vmul.f32 v6, v6;
	v6 =	vld [tilespmem:s24+$0xA020]  }
0xd6: {  	v7 =	vsub.f32 v10, v7;
	v10 =	vld [tilespmem:s24+$0x2030]  }
0xd7: {  	v3 =	vadd.f32 v4, v3;
	v4 =	vmul.f32 v5, v14;
	v5 =	vmul.f32 v8, v8;
	v8 =	vld [tilespmem:s24+$0xA030]  }
0xd8: {  	v13 =	vbroadcast v2, $0x4;
	v9 =	vsub.f32 v12, v9;
	v12 =	vld [tilespmem:s24+$0x2040]  }
0xd9: {  	v3 =	vadd.f32 v4, v3;
	v4 =	vmul.f32 v5, v14;
	v5 =	vmul.f32 v7, v7;
	v7 =	vld [tilespmem:s24+$0xA040]  }
0xda: {  	v6 =	vsub.f32 v11, v6;
	v11 =	vld [tilespmem:s24+$0x2050]  }
0xdb: {  	v3 =	vadd.f32 v4, v3;
	v4 =	vmul.f32 v5, v13;
	v5 =	vmul.f32 v9, v9;
	v9 =	vld [tilespmem:s24+$0xA050]  }
0xdc: {  	v8 =	vsub.f32 v10, v8;
	v10 =	vld [tilespmem:s24+$0x2060]  }
0xdd: {  	v3 =	vadd.f32 v4, v3;
	v4 =	vmul.f32 v5, v13;
	v5 =	vmul.f32 v6, v6;
	v6 =	vld [tilespmem:s24+$0xA060]  }
0xde: {  	v7 =	vsub.f32 v12, v7;
	v12 =	vld [tilespmem:s24+$0x2070]  }
0xdf: {  	v3 =	vadd.f32 v4, v3;
	v4 =	vmul.f32 v5, v13;
	v5 =	vmul.f32 v8, v8;
	v8 =	vld [tilespmem:s24+$0xA070]  }
0xe0: {  	v14 =	vbroadcast v2, $0x5;
	v9 =	vsub.f32 v11, v9;
	v11 =	vld [tilespmem:s24+$0x2080]  }
0xe1: {  	v3 =	vadd.f32 v4, v3;
	v4 =	vmul.f32 v5, v13;
	v5 =	vmul.f32 v7, v7;
	v7 =	vld [tilespmem:s24+$0xA080]  }
0xe2: {  	v6 =	vsub.f32 v10, v6;
	v10 =	vld [tilespmem:s24+$0x2090]  }
0xe3: {  	v3 =	vadd.f32 v4, v3;
	v4 =	vmul.f32 v5, v14;
	v5 =	vmul.f32 v9, v9;
	v9 =	vld [tilespmem:s24+$0xA090]  }
0xe4: {  	v8 =	vsub.f32 v12, v8;
	v12 =	vld [tilespmem:s24+$0x20A0]  }
0xe5: {  	v3 =	vadd.f32 v4, v3;
	v4 =	vmul.f32 v5, v14;
	v5 =	vmul.f32 v6, v6;
	v6 =	vld [tilespmem:s24+$0xA0A0]  }
0xe6: {  	v7 =	vsub.f32 v11, v7;
	v11 =	vld [tilespmem:s24+$0x20B0]  }
0xe7: {  	v3 =	vadd.f32 v4, v3;
	v4 =	vmul.f32 v5, v14;
	v5 =	vmul.f32 v8, v8;
	v8 =	vld [tilespmem:s24+$0xA0B0]  }
0xe8: {  	v13 =	vbroadcast v2, $0x6;
	v9 =	vsub.f32 v10, v9;
	v10 =	vld [tilespmem:s24+$0x20C0]  }
0xe9: {  	v3 =	vadd.f32 v4, v3;
	v4 =	vmul.f32 v5, v14;
	v5 =	vmul.f32 v7, v7;
	v7 =	vld [tilespmem:s24+$0xA0C0]  }
0xea: {  	v6 =	vsub.f32 v12, v6;
	v12 =	vld [tilespmem:s24+$0x20D0]  }
0xeb: {  	v3 =	vadd.f32 v4, v3;
	v4 =	vmul.f32 v5, v13;
	v5 =	vmul.f32 v9, v9;
	v9 =	vld [tilespmem:s24+$0xA0D0]  }
0xec: {  	v8 =	vsub.f32 v11, v8;
	v11 =	vld [tilespmem:s24+$0x20E0]  }
0xed: {  	v3 =	vadd.f32 v4, v3;
	v4 =	vmul.f32 v5, v13;
	v5 =	vmul.f32 v6, v6;
	v6 =	vld [tilespmem:s24+$0xA0E0]  }
0xee: {  	v7 =	vsub.f32 v10, v7;
	v10 =	vld [tilespmem:s24+$0x20F0]  }
0xef: {  	v3 =	vadd.f32 v4, v3;
	v4 =	vmul.f32 v5, v13;
	v5 =	vmul.f32 v8, v8;
	v8 =	vld [tilespmem:s24+$0xA0F0]  }
0xf0: {  	v14 =	vbroadcast v2, $0x7;
	v9 =	vsub.f32 v12, v9;
	v12 =	vld [tilespmem:s24+$0x2100]  }
0xf1: {  	v3 =	vadd.f32 v4, v3;
	v4 =	vmul.f32 v5, v13;
	v5 =	vmul.f32 v7, v7;
	v7 =	vld [tilespmem:s24+$0xA100]  }
0xf2: {  	v6 =	vsub.f32 v11, v6;
	v11 =	vld [tilespmem:s24+$0x2110]  }
0xf3: {  	v3 =	vadd.f32 v4, v3;
	v4 =	vmul.f32 v5, v14;
	v5 =	vmul.f32 v9, v9;
	v9 =	vld [tilespmem:s24+$0xA110]  }
0xf4: {  	v8 =	vsub.f32 v10, v8;
	v10 =	vld [tilespmem:s24+$0x2120]  }
0xf5: {  	v3 =	vadd.f32 v4, v3;
	v4 =	vmul.f32 v5, v14;
	v5 =	vmul.f32 v6, v6;
	v6 =	vld [tilespmem:s24+$0xA120]  }
0xf6: {  	v7 =	vsub.f32 v12, v7;
	v12 =	vld [tilespmem:s24+$0x2130]  }
0xf7: {  	v3 =	vadd.f32 v4, v3;
	v4 =	vmul.f32 v5, v14;
	v5 =	vmul.f32 v8, v8;
	v8 =	vld [tilespmem:s24+$0xA130]  }
0xf8: {  	v13 =	vbroadcast v2, $0x8;
	v9 =	vsub.f32 v11, v9;
	v11 =	vld [tilespmem:s24+$0x2140]  }
0xf9: {  	v3 =	vadd.f32 v4, v3;
	v4 =	vmul.f32 v5, v14;
	v5 =	vmul.f32 v7, v7;
	v7 =	vld [tilespmem:s24+$0xA140]  }
0xfa: {  	v6 =	vsub.f32 v10, v6;
	v10 =	vld [tilespmem:s24+$0x2150]  }
0xfb: {  	v3 =	vadd.f32 v4, v3;
	v4 =	vmul.f32 v5, v13;
	v5 =	vmul.f32 v9, v9;
	v9 =	vld [tilespmem:s24+$0xA150]  }
0xfc: {  	v8 =	vsub.f32 v12, v8;
	v12 =	vld [tilespmem:s24+$0x2160]  }
0xfd: {  	v3 =	vadd.f32 v4, v3;
	v4 =	vmul.f32 v5, v13;
	v5 =	vmul.f32 v6, v6;
	v6 =	vld [tilespmem:s24+$0xA160]  }
0xfe: {  	v7 =	vsub.f32 v11, v7;
	v11 =	vld [tilespmem:s24+$0x2170]  }
0xff: {  	v3 =	vadd.f32 v4, v3;
	v4 =	vmul.f32 v5, v13;
	v5 =	vmul.f32 v8, v8;
	v8 =	vld [tilespmem:s24+$0xA170]  }
0x100: {  	v14 =	vbroadcast v2, $0x9;
	v9 =	vsub.f32 v10, v9;
	v10 =	vld [tilespmem:s24+$0x2180]  }
0x101: {  	v3 =	vadd.f32 v4, v3;
	v4 =	vmul.f32 v5, v13;
	v5 =	vmul.f32 v7, v7;
	v7 =	vld [tilespmem:s24+$0xA180]  }
0x102: {  	v6 =	vsub.f32 v12, v6;
	v12 =	vld [tilespmem:s24+$0x2190]  }
0x103: {  	v3 =	vadd.f32 v4, v3;
	v4 =	vmul.f32 v5, v14;
	v5 =	vmul.f32 v9, v9;
	v9 =	vld [tilespmem:s24+$0xA190]  }
0x104: {  	v8 =	vsub.f32 v11, v8;
	v11 =	vld [tilespmem:s24+$0x21A0]  }
0x105: {  	v3 =	vadd.f32 v4, v3;
	v4 =	vmul.f32 v5, v14;
	v5 =	vmul.f32 v6, v6;
	v6 =	vld [tilespmem:s24+$0xA1A0]  }
0x106: {  	v7 =	vsub.f32 v10, v7;
	v10 =	vld [tilespmem:s24+$0x21B0]  }
0x107: {  	v3 =	vadd.f32 v4, v3;
	v4 =	vmul.f32 v5, v14;
	v5 =	vmul.f32 v8, v8;
	v8 =	vld [tilespmem:s24+$0xA1B0]  }
0x108: {  	v13 =	vbroadcast v2, $0xA;
	v9 =	vsub.f32 v12, v9;
	v12 =	vld [tilespmem:s24+$0x21C0]  }
0x109: {  	v3 =	vadd.f32 v4, v3;
	v4 =	vmul.f32 v5, v14;
	v5 =	vmul.f32 v7, v7;
	v7 =	vld [tilespmem:s24+$0xA1C0]  }
0x10a: {  	v6 =	vsub.f32 v11, v6;
	v11 =	vld [tilespmem:s24+$0x21D0]  }
0x10b: {  	v3 =	vadd.f32 v4, v3;
	v4 =	vmul.f32 v5, v13;
	v5 =	vmul.f32 v9, v9;
	v9 =	vld [tilespmem:s24+$0xA1D0]  }
0x10c: {  	v8 =	vsub.f32 v10, v8;
	v10 =	vld [tilespmem:s24+$0x21E0]  }
0x10d: {  	v3 =	vadd.f32 v4, v3;
	v4 =	vmul.f32 v5, v13;
	v5 =	vmul.f32 v6, v6;
	v6 =	vld [tilespmem:s24+$0xA1E0]  }
0x10e: {  	v7 =	vsub.f32 v12, v7;
	v12 =	vld [tilespmem:s24+$0x21F0]  }
0x10f: {  	v3 =	vadd.f32 v4, v3;
	v4 =	vmul.f32 v5, v13;
	v5 =	vmul.f32 v8, v8;
	v8 =	vld [tilespmem:s24+$0xA1F0]  }
0x110: {  	v14 =	vbroadcast v2, $0xB;
	v9 =	vsub.f32 v11, v9;
	v11 =	vld [tilespmem:s24+$0x2200]  }
0x111: {  	v3 =	vadd.f32 v4, v3;
	v4 =	vmul.f32 v5, v13;
	v5 =	vmul.f32 v7, v7;
	v7 =	vld [tilespmem:s24+$0xA200]  }
0x112: {  	v6 =	vsub.f32 v10, v6;
	v10 =	vld [tilespmem:s24+$0x2210]  }
0x113: {  	v3 =	vadd.f32 v4, v3;
	v4 =	vmul.f32 v5, v14;
	v5 =	vmul.f32 v9, v9;
	v9 =	vld [tilespmem:s24+$0xA210]  }
0x114: {  	v8 =	vsub.f32 v12, v8;
	v12 =	vld [tilespmem:s24+$0x2220]  }
0x115: {  	v3 =	vadd.f32 v4, v3;
	v4 =	vmul.f32 v5, v14;
	v5 =	vmul.f32 v6, v6;
	v6 =	vld [tilespmem:s24+$0xA220]  }
0x116: {  	v7 =	vsub.f32 v11, v7;
	v11 =	vld [tilespmem:s24+$0x2230]  }
0x117: {  	v3 =	vadd.f32 v4, v3;
	v4 =	vmul.f32 v5, v14;
	v5 =	vmul.f32 v8, v8;
	v8 =	vld [tilespmem:s24+$0xA230]  }
0x118: {  	v13 =	vbroadcast v2, $0xC;
	v9 =	vsub.f32 v10, v9;
	v10 =	vld [tilespmem:s24+$0x2240]  }
0x119: {  	v3 =	vadd.f32 v4, v3;
	v4 =	vmul.f32 v5, v14;
	v5 =	vmul.f32 v7, v7;
	v7 =	vld [tilespmem:s24+$0xA240]  }
0x11a: {  	v6 =	vsub.f32 v12, v6;
	v12 =	vld [tilespmem:s24+$0x2250]  }
0x11b: {  	v3 =	vadd.f32 v4, v3;
	v4 =	vmul.f32 v5, v13;
	v5 =	vmul.f32 v9, v9;
	v9 =	vld [tilespmem:s24+$0xA250]  }
0x11c: {  	v8 =	vsub.f32 v11, v8;
	v11 =	vld [tilespmem:s24+$0x2260]  }
0x11d: {  	v3 =	vadd.f32 v4, v3;
	v4 =	vmul.f32 v5, v13;
	v5 =	vmul.f32 v6, v6;
	v6 =	vld [tilespmem:s24+$0xA260]  }
0x11e: {  	v7 =	vsub.f32 v10, v7;
	v10 =	vld [tilespmem:s24+$0x2270]  }
0x11f: {  	v3 =	vadd.f32 v4, v3;
	v4 =	vmul.f32 v5, v13;
	v5 =	vmul.f32 v8, v8;
	v8 =	vld [tilespmem:s24+$0xA270]  }
0x120: {  	v14 =	vbroadcast v2, $0xD;
	v9 =	vsub.f32 v12, v9;
	v12 =	vld [tilespmem:s24+$0x2280]  }
0x121: {  	v3 =	vadd.f32 v4, v3;
	v4 =	vmul.f32 v5, v13;
	v5 =	vmul.f32 v7, v7;
	v7 =	vld [tilespmem:s24+$0xA280]  }
0x122: {  	v6 =	vsub.f32 v11, v6;
	v11 =	vld [tilespmem:s24+$0x2290]  }
0x123: {  	v3 =	vadd.f32 v4, v3;
	v4 =	vmul.f32 v5, v14;
	v5 =	vmul.f32 v9, v9;
	v9 =	vld [tilespmem:s24+$0xA290]  }
0x124: {  	v8 =	vsub.f32 v10, v8;
	v10 =	vld [tilespmem:s24+$0x22A0]  }
0x125: {  	v3 =	vadd.f32 v4, v3;
	v4 =	vmul.f32 v5, v14;
	v5 =	vmul.f32 v6, v6;
	v6 =	vld [tilespmem:s24+$0xA2A0]  }
0x126: {  	v7 =	vsub.f32 v12, v7;
	v12 =	vld [tilespmem:s24+$0x22B0]  }
0x127: {  	v3 =	vadd.f32 v4, v3;
	v4 =	vmul.f32 v5, v14;
	v5 =	vmul.f32 v8, v8;
	v8 =	vld [tilespmem:s24+$0xA2B0]  }
0x128: {  	v13 =	vbroadcast v2, $0xE;
	v9 =	vsub.f32 v11, v9;
	v11 =	vld [tilespmem:s24+$0x22C0]  }
0x129: {  	v3 =	vadd.f32 v4, v3;
	v4 =	vmul.f32 v5, v14;
	v5 =	vmul.f32 v7, v7;
	v7 =	vld [tilespmem:s24+$0xA2C0]  }
0x12a: {  	v6 =	vsub.f32 v10, v6;
	v10 =	vld [tilespmem:s24+$0x22D0]  }
0x12b: {  	v3 =	vadd.f32 v4, v3;
	v4 =	vmul.f32 v5, v13;
	v5 =	vmul.f32 v9, v9;
	v9 =	vld [tilespmem:s24+$0xA2D0]  }
0x12c: {  	v15 =	vld [tilespmem:s24+$0xA2E0];
	v6 =	vmul.f32 v6, v6  }
0x12d: {  	v14 =	vld [tilespmem:s24+$0x22E0];
	v8 =	vsub.f32 v12, v8;
	v3 =	vadd.f32 v4, v3;
	v4 =	vmul.f32 v5, v13  }
0x12e: {  	v5 =	vld [tilespmem:s24+$0x22F0];
	v16 =	vmul.f32 v6, v13  }
0x12f: {  	s22 =	simm.s32 $0x400;
	v6 =	vld [tilespmem:s24+$0xA2F0];
	v7 =	vsub.f32 v11, v7;
	v11 =	vmul.f32 v8, v8;
	v12 =	vadd.f32 v4, v3  }
0x130: {  	s24 =	simm.s32 $0x12110;
	v3 =	vld [tilespmem:s22+$0x1F30];
	v4 =	vbroadcast v2, $0xF;
	v8 =	vsub.f32 v10, v9  }
0x131: {  	v2 =	vld [tilespmem:s24+$0x0];
	v11 =	vmul.f32 v11, v13;
	v10 =	vadd.f32 v16, v12;
	v12 =	vmul.f32 v7, v7  }
0x132: {  	s25 =	simm.s32 $0x2000;
	v9 =	vsub.f32 v14, v15;
	v7 =	vld [tilespmem:s22+$0x1F00]  }
.LBB2_4:
0x133: {  	p0 =	sne.s32 s25, $0x1F000;
	v13 =	vld [tilespmem:s22+$0x9F00];
	v10 =	vadd.f32 v11, v10;
	v11 =	vmul.f32 v12, v4;
	v8 =	vmul.f32 v8, v8  }
0x134: {  	v12 =	vld [tilespmem:s22+$0x1F10];
	v5 =	vsub.f32 v5, v6  }
0x135: {  	v9 =	vmul.f32 v9, v9;
	v6 =	vld [tilespmem:s22+$0x9F10];
	v10 =	vadd.f32 v11, v10;
	v8 =	vmul.f32 v8, v4  }
0x136: {  	v11 =	vld [tilespmem:s22+$0x1F20]  }
0x137: {  	v9 =	vmul.f32 v9, v4;
	v5 =	vmul.f32 v5, v5;
	v14 =	vld [tilespmem:s22+$0x9F20];
	v8 =	vadd.f32 v8, v10  }
0x138: {  	v7 =	vsub.f32 v7, v13;
	v10 =	vld [tilespmem:s22+$0x9F30]  }
0x139: {  	v4 =	vmul.f32 v5, v4;
	v13 =	vld [tilespmem:s22+$0x1F40];
	v8 =	vadd.f32 v9, v8  }
0x13a: {  	v5 =	vmul.f32 v7, v7;
	v7 =	vbroadcast v2, $0x0;
	v6 =	vsub.f32 v12, v6;
	v9 =	vld [tilespmem:s22+$0x9F40]  }
0x13b: {  	v12 =	vld [tilespmem:s22+$0x1F50];
	v4 =	vadd.f32 v4, v8  }
0x13c: {  	v5 =	vmul.f32 v5, v7;
	v6 =	vmul.f32 v6, v6;
	v8 =	vsub.f32 v11, v14;
	v11 =	vld [tilespmem:s22+$0x9F50]  }
0x13d: {  	v3 =	vsub.f32 v3, v10;
	v10 =	vld [tilespmem:s22+$0x1F60]  }
0x13e: {  	v4 =	vadd.f32 v5, v4;
	v5 =	vmul.f32 v6, v7;
	v6 =	vmul.f32 v8, v8;
	v8 =	vld [tilespmem:s22+$0x9F60]  }
0x13f: {  	v9 =	vsub.f32 v13, v9;
	v13 =	vld [tilespmem:s22+$0x1F70]  }
0x140: {  	v3 =	vmul.f32 v3, v3;
	v4 =	vadd.f32 v5, v4;
	v5 =	vmul.f32 v6, v7;
	v6 =	vld [tilespmem:s22+$0x9F70]  }
0x141: {  	v14 =	vbroadcast v2, $0x1;
	v11 =	vsub.f32 v12, v11;
	v12 =	vld [tilespmem:s22+$0x1F80]  }
0x142: {  	v3 =	vmul.f32 v3, v7;
	v4 =	vadd.f32 v5, v4;
	v5 =	vmul.f32 v9, v9;
	v7 =	vld [tilespmem:s22+$0x9F80]  }
0x143: {  	v8 =	vsub.f32 v10, v8;
	v9 =	vld [tilespmem:s22+$0x1F90]  }
0x144: {  	v3 =	vadd.f32 v3, v4;
	v4 =	vmul.f32 v5, v14;
	v5 =	vmul.f32 v11, v11;
	v10 =	vld [tilespmem:s22+$0x9F90]  }
0x145: {  	v6 =	vsub.f32 v13, v6;
	v11 =	vld [tilespmem:s22+$0x1FA0]  }
0x146: {  	v3 =	vadd.f32 v4, v3;
	v4 =	vmul.f32 v5, v14;
	v5 =	vmul.f32 v8, v8;
	v8 =	vld [tilespmem:s22+$0x9FA0]  }
0x147: {  	v7 =	vsub.f32 v12, v7;
	v12 =	vld [tilespmem:s22+$0x1FB0]  }
0x148: {  	v3 =	vadd.f32 v4, v3;
	v4 =	vmul.f32 v5, v14;
	v5 =	vmul.f32 v6, v6;
	v6 =	vld [tilespmem:s22+$0x9FB0]  }
0x149: {  	v13 =	vbroadcast v2, $0x2;
	v9 =	vsub.f32 v9, v10;
	v10 =	vld [tilespmem:s22+$0x1FC0]  }
0x14a: {  	v3 =	vadd.f32 v4, v3;
	v4 =	vmul.f32 v5, v14;
	v5 =	vmul.f32 v7, v7;
	v7 =	vld [tilespmem:s22+$0x9FC0]  }
0x14b: {  	v8 =	vsub.f32 v11, v8;
	v11 =	vld [tilespmem:s22+$0x1FD0]  }
0x14c: {  	v3 =	vadd.f32 v4, v3;
	v4 =	vmul.f32 v5, v13;
	v5 =	vmul.f32 v9, v9;
	v9 =	vld [tilespmem:s22+$0x9FD0]  }
0x14d: {  	v6 =	vsub.f32 v12, v6;
	v12 =	vld [tilespmem:s22+$0x1FE0]  }
0x14e: {  	v3 =	vadd.f32 v4, v3;
	v4 =	vmul.f32 v5, v13;
	v5 =	vmul.f32 v8, v8;
	v8 =	vld [tilespmem:s22+$0x9FE0]  }
0x14f: {  	v7 =	vsub.f32 v10, v7;
	v10 =	vld [tilespmem:s22+$0x1FF0]  }
0x150: {  	v3 =	vadd.f32 v4, v3;
	v4 =	vmul.f32 v5, v13;
	v5 =	vmul.f32 v6, v6;
	v6 =	vld [tilespmem:s22+$0x9FF0]  }
0x151: {  	v14 =	vbroadcast v2, $0x3;
	v9 =	vsub.f32 v11, v9;
	v11 =	vld [tilespmem:s22+$0x2000]  }
0x152: {  	v3 =	vadd.f32 v4, v3;
	v4 =	vmul.f32 v5, v13;
	v5 =	vmul.f32 v7, v7;
	v7 =	vld [tilespmem:s22+$0xA000]  }
0x153: {  	v8 =	vsub.f32 v12, v8;
	v12 =	vld [tilespmem:s22+$0x2010]  }
0x154: {  	v3 =	vadd.f32 v4, v3;
	v4 =	vmul.f32 v5, v14;
	v5 =	vmul.f32 v9, v9;
	v9 =	vld [tilespmem:s22+$0xA010]  }
0x155: {  	v6 =	vsub.f32 v10, v6;
	v10 =	vld [tilespmem:s22+$0x2020]  }
0x156: {  	v3 =	vadd.f32 v4, v3;
	v4 =	vmul.f32 v5, v14;
	v5 =	vmul.f32 v8, v8;
	v8 =	vld [tilespmem:s22+$0xA020]  }
0x157: {  	v7 =	vsub.f32 v11, v7;
	v11 =	vld [tilespmem:s22+$0x2030]  }
0x158: {  	v3 =	vadd.f32 v4, v3;
	v4 =	vmul.f32 v5, v14;
	v5 =	vmul.f32 v6, v6;
	v6 =	vld [tilespmem:s22+$0xA030]  }
0x159: {  	v13 =	vbroadcast v2, $0x4;
	v9 =	vsub.f32 v12, v9;
	v12 =	vld [tilespmem:s22+$0x2040]  }
0x15a: {  	v3 =	vadd.f32 v4, v3;
	v4 =	vmul.f32 v5, v14;
	v5 =	vmul.f32 v7, v7;
	v7 =	vld [tilespmem:s22+$0xA040]  }
0x15b: {  	v8 =	vsub.f32 v10, v8;
	v10 =	vld [tilespmem:s22+$0x2050]  }
0x15c: {  	v3 =	vadd.f32 v4, v3;
	v4 =	vmul.f32 v5, v13;
	v5 =	vmul.f32 v9, v9;
	v9 =	vld [tilespmem:s22+$0xA050]  }
0x15d: {  	v6 =	vsub.f32 v11, v6;
	v11 =	vld [tilespmem:s22+$0x2060]  }
0x15e: {  	v3 =	vadd.f32 v4, v3;
	v4 =	vmul.f32 v5, v13;
	v5 =	vmul.f32 v8, v8;
	v8 =	vld [tilespmem:s22+$0xA060]  }
0x15f: {  	v7 =	vsub.f32 v12, v7;
	v12 =	vld [tilespmem:s22+$0x2070]  }
0x160: {  	v3 =	vadd.f32 v4, v3;
	v4 =	vmul.f32 v5, v13;
	v5 =	vmul.f32 v6, v6;
	v6 =	vld [tilespmem:s22+$0xA070]  }
0x161: {  	v14 =	vbroadcast v2, $0x5;
	v9 =	vsub.f32 v10, v9;
	v10 =	vld [tilespmem:s22+$0x2080]  }
0x162: {  	v3 =	vadd.f32 v4, v3;
	v4 =	vmul.f32 v5, v13;
	v5 =	vmul.f32 v7, v7;
	v7 =	vld [tilespmem:s22+$0xA080]  }
0x163: {  	v8 =	vsub.f32 v11, v8;
	v11 =	vld [tilespmem:s22+$0x2090]  }
0x164: {  	v3 =	vadd.f32 v4, v3;
	v4 =	vmul.f32 v5, v14;
	v5 =	vmul.f32 v9, v9;
	v9 =	vld [tilespmem:s22+$0xA090]  }
0x165: {  	v6 =	vsub.f32 v12, v6;
	v12 =	vld [tilespmem:s22+$0x20A0]  }
0x166: {  	v3 =	vadd.f32 v4, v3;
	v4 =	vmul.f32 v5, v14;
	v5 =	vmul.f32 v8, v8;
	v8 =	vld [tilespmem:s22+$0xA0A0]  }
0x167: {  	v7 =	vsub.f32 v10, v7;
	v10 =	vld [tilespmem:s22+$0x20B0]  }
0x168: {  	v3 =	vadd.f32 v4, v3;
	v4 =	vmul.f32 v5, v14;
	v5 =	vmul.f32 v6, v6;
	v6 =	vld [tilespmem:s22+$0xA0B0]  }
0x169: {  	v13 =	vbroadcast v2, $0x6;
	v9 =	vsub.f32 v11, v9;
	v11 =	vld [tilespmem:s22+$0x20C0]  }
0x16a: {  	v3 =	vadd.f32 v4, v3;
	v4 =	vmul.f32 v5, v14;
	v5 =	vmul.f32 v7, v7;
	v7 =	vld [tilespmem:s22+$0xA0C0]  }
0x16b: {  	v8 =	vsub.f32 v12, v8;
	v12 =	vld [tilespmem:s22+$0x20D0]  }
0x16c: {  	v3 =	vadd.f32 v4, v3;
	v4 =	vmul.f32 v5, v13;
	v5 =	vmul.f32 v9, v9;
	v9 =	vld [tilespmem:s22+$0xA0D0]  }
0x16d: {  	v6 =	vsub.f32 v10, v6;
	v10 =	vld [tilespmem:s22+$0x20E0]  }
0x16e: {  	v3 =	vadd.f32 v4, v3;
	v4 =	vmul.f32 v5, v13;
	v5 =	vmul.f32 v8, v8;
	v8 =	vld [tilespmem:s22+$0xA0E0]  }
0x16f: {  	v7 =	vsub.f32 v11, v7;
	v11 =	vld [tilespmem:s22+$0x20F0]  }
0x170: {  	v3 =	vadd.f32 v4, v3;
	v4 =	vmul.f32 v5, v13;
	v5 =	vmul.f32 v6, v6;
	v6 =	vld [tilespmem:s22+$0xA0F0]  }
0x171: {  	v14 =	vbroadcast v2, $0x7;
	v9 =	vsub.f32 v12, v9;
	v12 =	vld [tilespmem:s22+$0x2100]  }
0x172: {  	v3 =	vadd.f32 v4, v3;
	v4 =	vmul.f32 v5, v13;
	v5 =	vmul.f32 v7, v7;
	v7 =	vld [tilespmem:s22+$0xA100]  }
0x173: {  	v8 =	vsub.f32 v10, v8;
	v10 =	vld [tilespmem:s22+$0x2110]  }
0x174: {  	v3 =	vadd.f32 v4, v3;
	v4 =	vmul.f32 v5, v14;
	v5 =	vmul.f32 v9, v9;
	v9 =	vld [tilespmem:s22+$0xA110]  }
0x175: {  	v6 =	vsub.f32 v11, v6;
	v11 =	vld [tilespmem:s22+$0x2120]  }
0x176: {  	v3 =	vadd.f32 v4, v3;
	v4 =	vmul.f32 v5, v14;
	v5 =	vmul.f32 v8, v8;
	v8 =	vld [tilespmem:s22+$0xA120]  }
0x177: {  	v7 =	vsub.f32 v12, v7;
	v12 =	vld [tilespmem:s22+$0x2130]  }
0x178: {  	v3 =	vadd.f32 v4, v3;
	v4 =	vmul.f32 v5, v14;
	v5 =	vmul.f32 v6, v6;
	v6 =	vld [tilespmem:s22+$0xA130]  }
0x179: {  	v13 =	vbroadcast v2, $0x8;
	v9 =	vsub.f32 v10, v9;
	v10 =	vld [tilespmem:s22+$0x2140]  }
0x17a: {  	v3 =	vadd.f32 v4, v3;
	v4 =	vmul.f32 v5, v14;
	v5 =	vmul.f32 v7, v7;
	v7 =	vld [tilespmem:s22+$0xA140]  }
0x17b: {  	v8 =	vsub.f32 v11, v8;
	v11 =	vld [tilespmem:s22+$0x2150]  }
0x17c: {  	v3 =	vadd.f32 v4, v3;
	v4 =	vmul.f32 v5, v13;
	v5 =	vmul.f32 v9, v9;
	v9 =	vld [tilespmem:s22+$0xA150]  }
0x17d: {  	v6 =	vsub.f32 v12, v6;
	v12 =	vld [tilespmem:s22+$0x2160]  }
0x17e: {  	v3 =	vadd.f32 v4, v3;
	v4 =	vmul.f32 v5, v13;
	v5 =	vmul.f32 v8, v8;
	v8 =	vld [tilespmem:s22+$0xA160]  }
0x17f: {  	v7 =	vsub.f32 v10, v7;
	v10 =	vld [tilespmem:s22+$0x2170]  }
0x180: {  	v3 =	vadd.f32 v4, v3;
	v4 =	vmul.f32 v5, v13;
	v5 =	vmul.f32 v6, v6;
	v6 =	vld [tilespmem:s22+$0xA170]  }
0x181: {  	v14 =	vbroadcast v2, $0x9;
	v9 =	vsub.f32 v11, v9;
	v11 =	vld [tilespmem:s22+$0x2180]  }
0x182: {  	v3 =	vadd.f32 v4, v3;
	v4 =	vmul.f32 v5, v13;
	v5 =	vmul.f32 v7, v7;
	v7 =	vld [tilespmem:s22+$0xA180]  }
0x183: {  	v8 =	vsub.f32 v12, v8;
	v12 =	vld [tilespmem:s22+$0x2190]  }
0x184: {  	v3 =	vadd.f32 v4, v3;
	v4 =	vmul.f32 v5, v14;
	v5 =	vmul.f32 v9, v9;
	v9 =	vld [tilespmem:s22+$0xA190]  }
0x185: {  	v6 =	vsub.f32 v10, v6;
	v10 =	vld [tilespmem:s22+$0x21A0]  }
0x186: {  	v3 =	vadd.f32 v4, v3;
	v4 =	vmul.f32 v5, v14;
	v5 =	vmul.f32 v8, v8;
	v8 =	vld [tilespmem:s22+$0xA1A0]  }
0x187: {  	v7 =	vsub.f32 v11, v7;
	v11 =	vld [tilespmem:s22+$0x21B0]  }
0x188: {  	v3 =	vadd.f32 v4, v3;
	v4 =	vmul.f32 v5, v14;
	v5 =	vmul.f32 v6, v6;
	v6 =	vld [tilespmem:s22+$0xA1B0]  }
0x189: {  	v13 =	vbroadcast v2, $0xA;
	v9 =	vsub.f32 v12, v9;
	v12 =	vld [tilespmem:s22+$0x21C0]  }
0x18a: {  	v3 =	vadd.f32 v4, v3;
	v4 =	vmul.f32 v5, v14;
	v5 =	vmul.f32 v7, v7;
	v7 =	vld [tilespmem:s22+$0xA1C0]  }
0x18b: {  	v8 =	vsub.f32 v10, v8;
	v10 =	vld [tilespmem:s22+$0x21D0]  }
0x18c: {  	v3 =	vadd.f32 v4, v3;
	v4 =	vmul.f32 v5, v13;
	v5 =	vmul.f32 v9, v9;
	v9 =	vld [tilespmem:s22+$0xA1D0]  }
0x18d: {  	v6 =	vsub.f32 v11, v6;
	v11 =	vld [tilespmem:s22+$0x21E0]  }
0x18e: {  	v3 =	vadd.f32 v4, v3;
	v4 =	vmul.f32 v5, v13;
	v5 =	vmul.f32 v8, v8;
	v8 =	vld [tilespmem:s22+$0xA1E0]  }
0x18f: {  	v7 =	vsub.f32 v12, v7;
	v12 =	vld [tilespmem:s22+$0x21F0]  }
0x190: {  	v3 =	vadd.f32 v4, v3;
	v4 =	vmul.f32 v5, v13;
	v5 =	vmul.f32 v6, v6;
	v6 =	vld [tilespmem:s22+$0xA1F0]  }
0x191: {  	v14 =	vbroadcast v2, $0xB;
	v9 =	vsub.f32 v10, v9;
	v10 =	vld [tilespmem:s22+$0x2200]  }
0x192: {  	v3 =	vadd.f32 v4, v3;
	v4 =	vmul.f32 v5, v13;
	v5 =	vmul.f32 v7, v7;
	v7 =	vld [tilespmem:s22+$0xA200]  }
0x193: {  	v8 =	vsub.f32 v11, v8;
	v11 =	vld [tilespmem:s22+$0x2210]  }
0x194: {  	v3 =	vadd.f32 v4, v3;
	v4 =	vmul.f32 v5, v14;
	v5 =	vmul.f32 v9, v9;
	v9 =	vld [tilespmem:s22+$0xA210]  }
0x195: {  	v6 =	vsub.f32 v12, v6;
	v12 =	vld [tilespmem:s22+$0x2220]  }
0x196: {  	v3 =	vadd.f32 v4, v3;
	v4 =	vmul.f32 v5, v14;
	v5 =	vmul.f32 v8, v8;
	v8 =	vld [tilespmem:s22+$0xA220]  }
0x197: {  	v7 =	vsub.f32 v10, v7;
	v10 =	vld [tilespmem:s22+$0x2230]  }
0x198: {  	v3 =	vadd.f32 v4, v3;
	v4 =	vmul.f32 v5, v14;
	v5 =	vmul.f32 v6, v6;
	v6 =	vld [tilespmem:s22+$0xA230]  }
0x199: {  	v13 =	vbroadcast v2, $0xC;
	v9 =	vsub.f32 v11, v9;
	v11 =	vld [tilespmem:s22+$0x2240]  }
0x19a: {  	v3 =	vadd.f32 v4, v3;
	v4 =	vmul.f32 v5, v14;
	v5 =	vmul.f32 v7, v7;
	v7 =	vld [tilespmem:s22+$0xA240]  }
0x19b: {  	v8 =	vsub.f32 v12, v8;
	v12 =	vld [tilespmem:s22+$0x2250]  }
0x19c: {  	v3 =	vadd.f32 v4, v3;
	v4 =	vmul.f32 v5, v13;
	v5 =	vmul.f32 v9, v9;
	v9 =	vld [tilespmem:s22+$0xA250]  }
0x19d: {  	v6 =	vsub.f32 v10, v6;
	v10 =	vld [tilespmem:s22+$0x2260]  }
0x19e: {  	v3 =	vadd.f32 v4, v3;
	v4 =	vmul.f32 v5, v13;
	v5 =	vmul.f32 v8, v8;
	v8 =	vld [tilespmem:s22+$0xA260]  }
0x19f: {  	v7 =	vsub.f32 v11, v7;
	v11 =	vld [tilespmem:s22+$0x2270]  }
0x1a0: {  	v3 =	vadd.f32 v4, v3;
	v4 =	vmul.f32 v5, v13;
	v5 =	vmul.f32 v6, v6;
	v6 =	vld [tilespmem:s22+$0xA270]  }
0x1a1: {  	v14 =	vbroadcast v2, $0xD;
	v9 =	vsub.f32 v12, v9;
	v12 =	vld [tilespmem:s22+$0x2280]  }
0x1a2: {  	v3 =	vadd.f32 v4, v3;
	v4 =	vmul.f32 v5, v13;
	v5 =	vmul.f32 v7, v7;
	v7 =	vld [tilespmem:s22+$0xA280]  }
0x1a3: {  	v8 =	vsub.f32 v10, v8;
	v10 =	vld [tilespmem:s22+$0x2290]  }
0x1a4: {  	v3 =	vadd.f32 v4, v3;
	v4 =	vmul.f32 v5, v14;
	v5 =	vmul.f32 v9, v9;
	v9 =	vld [tilespmem:s22+$0xA290]  }
0x1a5: {  	v6 =	vsub.f32 v11, v6;
	v11 =	vld [tilespmem:s22+$0x22A0]  }
0x1a6: {  	v3 =	vadd.f32 v4, v3;
	v4 =	vmul.f32 v5, v14;
	v5 =	vmul.f32 v8, v8;
	v8 =	vld [tilespmem:s22+$0xA2A0]  }
0x1a7: {  	v7 =	vsub.f32 v12, v7;
	v12 =	vld [tilespmem:s22+$0x22B0]  }
0x1a8: {  	v3 =	vadd.f32 v4, v3;
	v4 =	vmul.f32 v5, v14;
	v5 =	vmul.f32 v6, v6;
	v6 =	vld [tilespmem:s22+$0xA2B0]  }
0x1a9: {  	v13 =	vbroadcast v2, $0xE;
	v9 =	vsub.f32 v10, v9;
	v10 =	vld [tilespmem:s22+$0x22C0]  }
0x1aa: {  	v3 =	vadd.f32 v4, v3;
	v4 =	vmul.f32 v5, v14;
	v5 =	vmul.f32 v7, v7;
	v7 =	vld [tilespmem:s22+$0xA2C0]  }
0x1ab: {  	v8 =	vsub.f32 v11, v8;
	v11 =	vld [tilespmem:s22+$0x22D0]  }
0x1ac: {  	v3 =	vadd.f32 v4, v3;
	v4 =	vmul.f32 v5, v13;
	v5 =	vmul.f32 v9, v9;
	v9 =	vld [tilespmem:s22+$0xA2D0]  }
0x1ad: {  	v6 =	vsub.f32 v12, v6;
	v14 =	vld [tilespmem:s22+$0x22E0]  }
0x1ae: {  	v8 =	vmul.f32 v8, v8;
	v3 =	vadd.f32 v4, v3;
	v4 =	vmul.f32 v5, v13;
	v15 =	vld [tilespmem:s22+$0xA2E0]  }
.Ltmp1:
0x1af: {  	v7 =	vsub.f32 v10, v7;
	v5 =	vld [tilespmem:s22+$0x22F0];
	(pc) =	sbr.rel @p0 .LBB2_4-.Ltmp1, $4  }
0x1b0: {  	v12 =	vmul.f32 v8, v13;
	v16 =	vmul.f32 v6, v6;
	v10 =	vadd.f32 v4, v3;
	v6 =	vld [tilespmem:s22+$0xA2F0];
	s22 =	sshra.s32 s25, $0x2  }
0x1b1: {  	s24 =	sadd.s32 $0x10, s24;
	v4 =	vbroadcast v2, $0xF;
	v3 =	vld [tilespmem:s22+$0x1F30];
	v8 =	vsub.f32 v11, v9  }
0x1b2: {  	v11 =	vmul.f32 v16, v13;
	v2 =	vld [tilespmem:s24+$0x0];
	v10 =	vadd.f32 v12, v10;
	v12 =	vmul.f32 v7, v7  }
0x1b3: {  	s25 =	sadd.s32 $0x1000, s25;
	v7 =	vld [tilespmem:s22+$0x1F00];
	v9 =	vsub.f32 v14, v15  }
0x1b4: {  	v13 =	vld [tilespmem:s22+$0x9F00]  }
0x1b5: {  	v42 =	vld [tilespmem:s22+$0x1F10]  }
0x1b6: {  	v10 =	vadd.f32 v11, v10;
	v41 =	vmul.f32 v12, v4;
	v8 =	vmul.f32 v8, v8;
	v43 =	vld [tilespmem:s22+$0x9F10]  }
0x1b7: {  	v44 =	vld [tilespmem:s22+$0x1F20];
	v5 =	vsub.f32 v5, v6  }
0x1b8: {  	v14 =	vld [tilespmem:s22+$0x9F20];
	v9 =	vmul.f32 v9, v9;
	v10 =	vadd.f32 v41, v10;
	v8 =	vmul.f32 v8, v4  }
0x1b9: {  	v5 =	vmul.f32 v5, v5  }
0x1ba: {  	v45 =	vld [tilespmem:s22+$0x9F30];
	v9 =	vmul.f32 v9, v4;
	v8 =	vadd.f32 v8, v10;
	v7 =	vsub.f32 v7, v13  }
0x1bb: {  	v46 =	vld [tilespmem:s22+$0x1F40];
	v49 =	vbroadcast v2, $0x0;
	v47 =	vmul.f32 v5, v4  }
0x1bc: {  	v50 =	vld [tilespmem:s22+$0x9F40];
	v6 =	vsub.f32 v42, v43;
	v8 =	vadd.f32 v9, v8;
	v48 =	vmul.f32 v7, v7  }
0x1bd: {  	v51 =	vld [tilespmem:s22+$0x1F50];
	v52 =	vsub.f32 v44, v14  }
0x1be: {  	v53 =	vld [tilespmem:s22+$0x9F50];
	v6 =	vmul.f32 v6, v6;
	v4 =	vadd.f32 v47, v8;
	v5 =	vmul.f32 v48, v49  }
0x1bf: {  	v54 =	vld [tilespmem:s22+$0x1F60];
	v3 =	vsub.f32 v3, v45  }
0x1c0: {  	v57 =	vld [tilespmem:s22+$0x9F60];
	v56 =	vmul.f32 v52, v52;
	v55 =	vmul.f32 v6, v49;
	v4 =	vadd.f32 v5, v4  }
0x1c1: {  	v58 =	vld [tilespmem:s22+$0x1F70];
	v9 =	vsub.f32 v46, v50  }
0x1c2: {  	v60 =	vld [tilespmem:s22+$0x9F70];
	v3 =	vmul.f32 v3, v3;
	v59 =	vmul.f32 v56, v49;
	v4 =	vadd.f32 v55, v4  }
0x1c3: {  	v62 =	vld [tilespmem:s22+$0x1F80];
	v61 =	vbroadcast v2, $0x1;
	v11 =	vsub.f32 v51, v53  }
0x1c4: {  	v15 =	vld [tilespmem:s22+$0x9F80];
	v63 =	vmul.f32 v9, v9;
	v3 =	vmul.f32 v3, v49;
	v4 =	vadd.f32 v59, v4  }
0x1c5: {  	v16 =	vld [tilespmem:s22+$0x1F90];
	v18 =	vmul.f32 v11, v11  }
0x1c6: {  	v19 =	vld [tilespmem:s22+$0x9F90];
	v8 =	vsub.f32 v54, v57;
	v17 =	vmul.f32 v63, v61;
	v3 =	vadd.f32 v3, v4  }
0x1c7: {  	v20 =	vld [tilespmem:s22+$0x1FA0];
	v6 =	vsub.f32 v58, v60  }
0x1c8: {  	v23 =	vld [tilespmem:s22+$0x9FA0];
	v21 =	vmul.f32 v18, v61;
	v22 =	vmul.f32 v8, v8;
	v3 =	vadd.f32 v17, v3  }
0x1c9: {  	v24 =	vld [tilespmem:s22+$0x1FB0];
	v7 =	vsub.f32 v62, v15  }
0x1ca: {  	v27 =	vld [tilespmem:s22+$0x9FB0];
	v26 =	vmul.f32 v6, v6;
	v25 =	vmul.f32 v22, v61;
	v3 =	vadd.f32 v21, v3  }
0x1cb: {  	v29 =	vld [tilespmem:s22+$0x1FC0];
	v28 =	vbroadcast v2, $0x2;
	v9 =	vsub.f32 v16, v19  }
0x1cc: {  	v32 =	vld [tilespmem:s22+$0x9FC0];
	v31 =	vmul.f32 v7, v7;
	v30 =	vmul.f32 v26, v61;
	v3 =	vadd.f32 v25, v3  }
0x1cd: {  	v33 =	vld [tilespmem:s22+$0x1FD0];
	v8 =	vsub.f32 v20, v23  }
0x1ce: {  	v36 =	vld [tilespmem:s22+$0x9FD0];
	v35 =	vmul.f32 v9, v9;
	v34 =	vmul.f32 v31, v28;
	v3 =	vadd.f32 v30, v3  }
0x1cf: {  	v37 =	vld [tilespmem:s22+$0x1FE0];
	v6 =	vsub.f32 v24, v27  }
0x1d0: {  	v40 =	vld [tilespmem:s22+$0x9FE0];
	v38 =	vmul.f32 v35, v28;
	v39 =	vmul.f32 v8, v8;
	v3 =	vadd.f32 v34, v3  }
0x1d1: {  	v41 =	vld [tilespmem:s22+$0x1FF0];
	v7 =	vsub.f32 v29, v32  }
0x1d2: {  	v44 =	vld [tilespmem:s22+$0x9FF0];
	v43 =	vmul.f32 v6, v6;
	v42 =	vmul.f32 v39, v28;
	v3 =	vadd.f32 v38, v3  }
0x1d3: {  	v45 =	vbroadcast v2, $0x3;
	v46 =	vld [tilespmem:s22+$0x2000];
	v9 =	vsub.f32 v33, v36  }
0x1d4: {  	v49 =	vld [tilespmem:s22+$0xA000];
	v48 =	vmul.f32 v7, v7;
	v47 =	vmul.f32 v43, v28;
	v3 =	vadd.f32 v42, v3  }
0x1d5: {  	v53 =	vld [tilespmem:s22+$0xA010];
	v8 =	vsub.f32 v37, v40  }
0x1d6: {  	v50 =	vld [tilespmem:s22+$0x2010];
	v52 =	vmul.f32 v9, v9;
	v51 =	vmul.f32 v48, v45;
	v3 =	vadd.f32 v47, v3  }
0x1d7: {  	v54 =	vld [tilespmem:s22+$0x2020];
	v6 =	vsub.f32 v41, v44  }
0x1d8: {  	v57 =	vld [tilespmem:s22+$0xA020];
	v55 =	vmul.f32 v52, v45;
	v56 =	vmul.f32 v8, v8;
	v3 =	vadd.f32 v51, v3  }
0x1d9: {  	v58 =	vld [tilespmem:s22+$0x2030];
	v7 =	vsub.f32 v46, v49  }
0x1da: {  	v61 =	vld [tilespmem:s22+$0xA030];
	v60 =	vmul.f32 v6, v6;
	v59 =	vmul.f32 v56, v45;
	v3 =	vadd.f32 v55, v3  }
0x1db: {  	v62 =	vbroadcast v2, $0x4;
	v18 =	vld [tilespmem:s22+$0xA040];
	v9 =	vsub.f32 v50, v53  }
0x1dc: {  	v63 =	vld [tilespmem:s22+$0x2040];
	v16 =	vmul.f32 v60, v45;
	v17 =	vmul.f32 v7, v7;
	v3 =	vadd.f32 v59, v3  }
0x1dd: {  	v19 =	vld [tilespmem:s22+$0x2050];
	v8 =	vsub.f32 v54, v57  }
0x1de: {  	v22 =	vld [tilespmem:s22+$0xA050];
	v20 =	vmul.f32 v17, v62;
	v21 =	vmul.f32 v9, v9;
	v3 =	vadd.f32 v16, v3  }
0x1df: {  	v23 =	vld [tilespmem:s22+$0x2060];
	v6 =	vsub.f32 v58, v61  }
0x1e0: {  	v26 =	vld [tilespmem:s22+$0xA060];
	v24 =	vmul.f32 v21, v62;
	v25 =	vmul.f32 v8, v8;
	v3 =	vadd.f32 v20, v3  }
0x1e1: {  	v27 =	vld [tilespmem:s22+$0x2070];
	v7 =	vsub.f32 v63, v18  }
0x1e2: {  	v29 =	vmul.f32 v6, v6;
	v28 =	vmul.f32 v25, v62;
	v30 =	vld [tilespmem:s22+$0xA070];
	v3 =	vadd.f32 v24, v3  }
0x1e3: {  	v32 =	vld [tilespmem:s22+$0x2080];
	v31 =	vbroadcast v2, $0x5;
	v9 =	vsub.f32 v19, v22  }
0x1e4: {  	v35 =	vld [tilespmem:s22+$0xA080];
	v33 =	vmul.f32 v29, v62;
	v34 =	vmul.f32 v7, v7;
	v3 =	vadd.f32 v28, v3  }
0x1e5: {  	v36 =	vld [tilespmem:s22+$0x2090];
	v8 =	vsub.f32 v23, v26  }
0x1e6: {  	v39 =	vld [tilespmem:s22+$0xA090];
	v37 =	vmul.f32 v34, v31;
	v38 =	vmul.f32 v9, v9;
	v3 =	vadd.f32 v33, v3  }
0x1e7: {  	v40 =	vld [tilespmem:s22+$0x20A0];
	v6 =	vsub.f32 v27, v30  }
0x1e8: {  	v43 =	vld [tilespmem:s22+$0xA0A0];
	v41 =	vmul.f32 v38, v31;
	v42 =	vmul.f32 v8, v8;
	v3 =	vadd.f32 v37, v3  }
0x1e9: {  	v44 =	vld [tilespmem:s22+$0x20B0];
	v7 =	vsub.f32 v32, v35  }
0x1ea: {  	v46 =	vmul.f32 v6, v6;
	v45 =	vmul.f32 v42, v31;
	v47 =	vld [tilespmem:s22+$0xA0B0];
	v3 =	vadd.f32 v41, v3  }
0x1eb: {  	v48 =	vbroadcast v2, $0x6;
	v49 =	vld [tilespmem:s22+$0x20C0];
	v9 =	vsub.f32 v36, v39  }
0x1ec: {  	v52 =	vld [tilespmem:s22+$0xA0C0];
	v50 =	vmul.f32 v46, v31;
	v51 =	vmul.f32 v7, v7;
	v3 =	vadd.f32 v45, v3  }
0x1ed: {  	v53 =	vld [tilespmem:s22+$0x20D0];
	v8 =	vsub.f32 v40, v43  }
0x1ee: {  	v56 =	vld [tilespmem:s22+$0xA0D0];
	v54 =	vmul.f32 v51, v48;
	v55 =	vmul.f32 v9, v9;
	v3 =	vadd.f32 v50, v3  }
0x1ef: {  	v57 =	vld [tilespmem:s22+$0x20E0];
	v6 =	vsub.f32 v44, v47  }
0x1f0: {  	v60 =	vld [tilespmem:s22+$0xA0E0];
	v58 =	vmul.f32 v55, v48;
	v59 =	vmul.f32 v8, v8;
	v3 =	vadd.f32 v54, v3  }
0x1f1: {  	v61 =	vld [tilespmem:s22+$0x20F0];
	v7 =	vsub.f32 v49, v52  }
0x1f2: {  	v63 =	vmul.f32 v6, v6;
	v62 =	vmul.f32 v59, v48;
	v16 =	vld [tilespmem:s22+$0xA0F0];
	v3 =	vadd.f32 v58, v3  }
0x1f3: {  	v18 =	vld [tilespmem:s22+$0x2100];
	v17 =	vbroadcast v2, $0x7;
	v9 =	vsub.f32 v53, v56  }
0x1f4: {  	v21 =	vld [tilespmem:s22+$0xA100];
	v19 =	vmul.f32 v63, v48;
	v20 =	vmul.f32 v7, v7;
	v3 =	vadd.f32 v62, v3  }
0x1f5: {  	v22 =	vld [tilespmem:s22+$0x2110];
	v8 =	vsub.f32 v57, v60  }
0x1f6: {  	v25 =	vld [tilespmem:s22+$0xA110];
	v23 =	vmul.f32 v20, v17;
	v24 =	vmul.f32 v9, v9;
	v3 =	vadd.f32 v19, v3  }
0x1f7: {  	v29 =	vld [tilespmem:s22+$0xA120];
	v6 =	vsub.f32 v61, v16  }
0x1f8: {  	v26 =	vld [tilespmem:s22+$0x2120];
	v27 =	vmul.f32 v24, v17;
	v28 =	vmul.f32 v8, v8;
	v3 =	vadd.f32 v23, v3  }
0x1f9: {  	v30 =	vld [tilespmem:s22+$0x2130];
	v7 =	vsub.f32 v18, v21  }
0x1fa: {  	v32 =	vmul.f32 v6, v6;
	v31 =	vmul.f32 v28, v17;
	v33 =	vld [tilespmem:s22+$0xA130];
	v3 =	vadd.f32 v27, v3  }
0x1fb: {  	v35 =	vld [tilespmem:s22+$0x2140];
	v34 =	vbroadcast v2, $0x8;
	v9 =	vsub.f32 v22, v25  }
0x1fc: {  	v38 =	vld [tilespmem:s22+$0xA140];
	v36 =	vmul.f32 v32, v17;
	v37 =	vmul.f32 v7, v7;
	v3 =	vadd.f32 v31, v3  }
0x1fd: {  	v39 =	vld [tilespmem:s22+$0x2150];
	v8 =	vsub.f32 v26, v29  }
0x1fe: {  	v42 =	vld [tilespmem:s22+$0xA150];
	v40 =	vmul.f32 v37, v34;
	v41 =	vmul.f32 v9, v9;
	v3 =	vadd.f32 v36, v3  }
0x1ff: {  	v43 =	vld [tilespmem:s22+$0x2160];
	v6 =	vsub.f32 v30, v33  }
0x200: {  	v46 =	vld [tilespmem:s22+$0xA160];
	v44 =	vmul.f32 v41, v34;
	v45 =	vmul.f32 v8, v8;
	v3 =	vadd.f32 v40, v3  }
0x201: {  	v47 =	vld [tilespmem:s22+$0x2170];
	v7 =	vsub.f32 v35, v38  }
0x202: {  	v49 =	vmul.f32 v6, v6;
	v48 =	vmul.f32 v45, v34;
	v50 =	vld [tilespmem:s22+$0xA170];
	v3 =	vadd.f32 v44, v3  }
0x203: {  	v52 =	vld [tilespmem:s22+$0x2180];
	v51 =	vbroadcast v2, $0x9;
	v9 =	vsub.f32 v39, v42  }
0x204: {  	v55 =	vld [tilespmem:s22+$0xA180];
	v53 =	vmul.f32 v49, v34;
	v54 =	vmul.f32 v7, v7;
	v3 =	vadd.f32 v48, v3  }
0x205: {  	v56 =	vld [tilespmem:s22+$0x2190];
	v8 =	vsub.f32 v43, v46  }
0x206: {  	v59 =	vld [tilespmem:s22+$0xA190];
	v57 =	vmul.f32 v54, v51;
	v58 =	vmul.f32 v9, v9;
	v3 =	vadd.f32 v53, v3  }
0x207: {  	v60 =	vld [tilespmem:s22+$0x21A0];
	v6 =	vsub.f32 v47, v50  }
0x208: {  	v63 =	vld [tilespmem:s22+$0xA1A0];
	v61 =	vmul.f32 v58, v51;
	v62 =	vmul.f32 v8, v8;
	v3 =	vadd.f32 v57, v3  }
0x209: {  	v16 =	vld [tilespmem:s22+$0x21B0];
	v7 =	vsub.f32 v52, v55  }
0x20a: {  	v18 =	vmul.f32 v6, v6;
	v17 =	vmul.f32 v62, v51;
	v19 =	vld [tilespmem:s22+$0xA1B0];
	v3 =	vadd.f32 v61, v3  }
0x20b: {  	v21 =	vld [tilespmem:s22+$0x21C0];
	v20 =	vbroadcast v2, $0xA;
	v9 =	vsub.f32 v56, v59  }
0x20c: {  	v24 =	vld [tilespmem:s22+$0xA1C0];
	v22 =	vmul.f32 v18, v51;
	v23 =	vmul.f32 v7, v7;
	v3 =	vadd.f32 v17, v3  }
0x20d: {  	v25 =	vld [tilespmem:s22+$0x21D0];
	v8 =	vsub.f32 v60, v63  }
0x20e: {  	v28 =	vld [tilespmem:s22+$0xA1D0];
	v26 =	vmul.f32 v23, v20;
	v27 =	vmul.f32 v9, v9;
	v3 =	vadd.f32 v22, v3  }
0x20f: {  	v29 =	vld [tilespmem:s22+$0x21E0];
	v6 =	vsub.f32 v16, v19  }
0x210: {  	v32 =	vld [tilespmem:s22+$0xA1E0];
	v30 =	vmul.f32 v27, v20;
	v31 =	vmul.f32 v8, v8;
	v3 =	vadd.f32 v26, v3  }
0x211: {  	v33 =	vld [tilespmem:s22+$0x21F0];
	v7 =	vsub.f32 v21, v24  }
0x212: {  	v35 =	vmul.f32 v6, v6;
	v34 =	vmul.f32 v31, v20;
	v36 =	vld [tilespmem:s22+$0xA1F0];
	v3 =	vadd.f32 v30, v3  }
0x213: {  	v38 =	vld [tilespmem:s22+$0x2200];
	v37 =	vbroadcast v2, $0xB;
	v9 =	vsub.f32 v25, v28  }
0x214: {  	v41 =	vld [tilespmem:s22+$0xA200];
	v39 =	vmul.f32 v35, v20;
	v40 =	vmul.f32 v7, v7;
	v3 =	vadd.f32 v34, v3  }
0x215: {  	v42 =	vld [tilespmem:s22+$0x2210];
	v8 =	vsub.f32 v29, v32  }
0x216: {  	v45 =	vld [tilespmem:s22+$0xA210];
	v43 =	vmul.f32 v40, v37;
	v44 =	vmul.f32 v9, v9;
	v3 =	vadd.f32 v39, v3  }
0x217: {  	v46 =	vld [tilespmem:s22+$0x2220];
	v6 =	vsub.f32 v33, v36  }
0x218: {  	v49 =	vld [tilespmem:s22+$0xA220];
	v47 =	vmul.f32 v44, v37;
	v48 =	vmul.f32 v8, v8;
	v3 =	vadd.f32 v43, v3  }
0x219: {  	v55 =	vld [tilespmem:s22+$0x2240];
	v7 =	vsub.f32 v38, v41  }
0x21a: {  	v50 =	vld [tilespmem:s22+$0x2230];
	v52 =	vmul.f32 v6, v6;
	v51 =	vmul.f32 v48, v37;
	v3 =	vadd.f32 v47, v3  }
0x21b: {  	v54 =	vbroadcast v2, $0xC;
	v9 =	vsub.f32 v42, v45;
	v53 =	vld [tilespmem:s22+$0xA230]  }
0x21c: {  	v58 =	vld [tilespmem:s22+$0xA240];
	v56 =	vmul.f32 v52, v37;
	v57 =	vmul.f32 v7, v7;
	v3 =	vadd.f32 v51, v3  }
0x21d: {  	v59 =	vld [tilespmem:s22+$0x2250];
	v8 =	vsub.f32 v46, v49  }
0x21e: {  	v62 =	vld [tilespmem:s22+$0xA250];
	v60 =	vmul.f32 v57, v54;
	v61 =	vmul.f32 v9, v9;
	v3 =	vadd.f32 v56, v3  }
0x21f: {  	v63 =	vld [tilespmem:s22+$0x2260];
	v15 =	vmul.f32 v8, v8  }
0x220: {  	v16 =	vld [tilespmem:s22+$0xA260];
	v6 =	vsub.f32 v50, v53;
	v14 =	vmul.f32 v61, v54;
	v3 =	vadd.f32 v60, v3  }
0x221: {  	v25 =	vld [tilespmem:s22+$0xA280];
	v7 =	vsub.f32 v55, v58  }
0x222: {  	v20 =	vld [tilespmem:s22+$0xA270];
	v18 =	vmul.f32 v15, v54;
	v19 =	vmul.f32 v6, v6;
	v3 =	vadd.f32 v14, v3  }
0x223: {  	v21 =	vbroadcast v2, $0xD;
	v9 =	vsub.f32 v59, v62;
	v17 =	vld [tilespmem:s22+$0x2270]  }
0x224: {  	v29 =	vld [tilespmem:s22+$0xA290];
	v24 =	vmul.f32 v7, v7;
	v23 =	vmul.f32 v19, v54;
	v3 =	vadd.f32 v18, v3  }
0x225: {  	v8 =	vsub.f32 v63, v16;
	v22 =	vld [tilespmem:s22+$0x2280]  }
0x226: {  	v27 =	vmul.f32 v24, v21;
	v28 =	vmul.f32 v9, v9;
	v26 =	vld [tilespmem:s22+$0x2290];
	v3 =	vadd.f32 v23, v3  }
0x227: {  	v33 =	vld [tilespmem:s22+$0xA2A0];
	v32 =	vmul.f32 v8, v8  }
0x228: {  	v31 =	vmul.f32 v28, v21;
	v6 =	vsub.f32 v17, v20;
	v30 =	vld [tilespmem:s22+$0x22A0];
	v3 =	vadd.f32 v27, v3  }
0x229: {  	v37 =	vld [tilespmem:s22+$0xA2B0];
	v35 =	vmul.f32 v32, v21  }
0x22a: {  	v7 =	vsub.f32 v22, v25;
	v36 =	vmul.f32 v6, v6;
	v34 =	vld [tilespmem:s22+$0x22B0];
	v3 =	vadd.f32 v31, v3  }
0x22b: {  	v38 =	vbroadcast v2, $0xE;
	v42 =	vld [tilespmem:s22+$0xA2C0];
	v9 =	vsub.f32 v26, v29  }
0x22c: {  	v40 =	vmul.f32 v36, v21;
	v41 =	vmul.f32 v7, v7;
	v39 =	vld [tilespmem:s22+$0x22C0];
	v3 =	vadd.f32 v35, v3  }
0x22d: {  	v46 =	vld [tilespmem:s22+$0xA2D0];
	v8 =	vsub.f32 v30, v33  }
0x22e: {  	v44 =	vmul.f32 v41, v38;
	v45 =	vmul.f32 v9, v9;
	v43 =	vld [tilespmem:s22+$0x22D0];
	v3 =	vadd.f32 v40, v3  }
0x22f: {  	v50 =	vld [tilespmem:s22+$0xA2E0];
	v6 =	vsub.f32 v34, v37  }
0x230: {  	v48 =	vmul.f32 v45, v38;
	v49 =	vmul.f32 v8, v8;
	v47 =	vld [tilespmem:s22+$0x22E0];
	v3 =	vadd.f32 v44, v3  }
0x231: {  	v54 =	vld [tilespmem:s22+$0xA2F0];
	v7 =	vsub.f32 v39, v42  }
0x232: {  	v52 =	vmul.f32 v49, v38;
	v53 =	vmul.f32 v6, v6;
	v51 =	vld [tilespmem:s22+$0x22F0];
	v3 =	vadd.f32 v48, v3  }
0x233: {  	v2 =	vbroadcast v2, $0xF;
	v9 =	vsub.f32 v43, v46  }
0x234: {  	v55 =	vmul.f32 v53, v38;
	v56 =	vmul.f32 v7, v7;
	v3 =	vadd.f32 v52, v3  }
0x235: {  	v57 =	vsub.f32 v47, v50  }
0x236: {  	v59 =	vmul.f32 v9, v9;
	v58 =	vmul.f32 v56, v2;
	v3 =	vadd.f32 v55, v3  }
0x237: {  	v6 =	vsub.f32 v51, v54  }
0x238: {  	v60 =	vmul.f32 v59, v2;
	v61 =	vmul.f32 v57, v57;
	v3 =	vadd.f32 v58, v3;
	_ =	sdelay $0x1  }
0x239: {  	v62 =	vmul.f32 v61, v2;
	v63 =	vmul.f32 v6, v6;
	v3 =	vadd.f32 v60, v3;
	_ =	sdelay $0x1  }
0x23a: {  	v2 =	vmul.f32 v63, v2;
	v3 =	vadd.f32 v62, v3;
	_ =	sdelay $0x1  }
0x23b: {  	s21 =	sadd.s32 $0x1, s21;
	v2 =	vadd.f32 v2, v3  }
0x23c: {  	p0 =	sne.s32 s21, s10  }
.Ltmp2:
0x23d: {  	[tilespmem:$0x12300] =	vst v2;
	(pc) =	sbr.rel @p0 .LBB2_1-.Ltmp2, $4  }
0x23e: {  	[hbm4b:s9+s3] =	stream.linear.scatter [tilespmem:s19], [sflag:$0x3], $0x10, $0x38;
	[tilespmem:$0x13B90] =	vst v63  }
0x23f: {  	_ =	swait.ge [sflag:s12], $0x10  }
0x240: {  	[sflag:s12] =	ssyncset.done $0x0  }
0x241: {  	[sflag:s12] =	ssyncadd.s32 $0xFFFFFFF0  }
0x242: {  	_ =	sfence.sel $0x180000  }
0x243: {  	[bflag:$0x0] =	sbarrier.arrive $0xFFFF  }
0x244: {  	_ =	strace $0x90000047  }
0x245: {  	s0 =	stileid.u32;
	[bflag:$0x2] =	sbarrier.arrive $0xFFFF  }
0x246: {  	p0 =	sne.s32 s0, $0x0;
	s0 =	rddreg [dreg:$0x3]  }
0x247: {  	s0 =	sadd.s32 @!p0 $0x100000, s0  }
0x248: {  	[sflag:s0] =	ssyncadd.tile.s32 @!p0 $0x1;
	_ =	shalt  }
.Lfunc_end2:
_tile_overlayer_lowered:
.L_overlay_start_2:
0x249: {  	(tag) =	ssettag $0x2  }
0x24a: {  	s0 =	rddreg [dreg:$0x0];
	s2 =	stileid.u32  }
0x24b: {  	s1 =	rddreg [dreg:$0x1];
	p0 =	sne.s32 s2, $0x0  }
0x24c: {  	s3 =	rddreg [dreg:$0x2];
	[bflag:$0x3] =	sbarrier.arrive $0xFFFF;
	s2 =	simm.s32 @!p0 $0x1C03  }
0x24d: {  	[timem:s3], [sflag:s2] =	dma.local @!p0 [hbm:s0], s1  }
0x24e: {  	s0 =	simm.s32 @!p0 $0x3  }
0x24f: {  	_ =	swait.ge @!p0 [sflag:s0], s1  }
0x250: {  	s1 =	ssub.s32 @!p0 $0x0, s1;
	[sflag:s0] =	ssyncset.done @!p0 $0x0  }
0x251: {  	[sflag:s0] =	ssyncadd.s32 @!p0 s1  }
0x252: {  	[bflag:$0x3] =	sbarrier.arrive $0xFFFF  }
0x253: {  	_ =	shalt  }

</sc_bundles>
